<compile_context>
chip_gen: v7x
topology: tpu7x:2x2x1
jax: 0.10.2.dev20260603
libtpu: 0.0.44.dev20260713+nightly
codegen_flags: <defaults>
</compile_context>

<pallas_src>
import functools

import jax
import jax.numpy as jnp
from jax import lax
from jax.experimental import pallas as pl
from jax.experimental.pallas import tpu as pltpu
from jax.experimental.pallas import tpu_sc as plsc

B, S = 1024, 50
CONT_DIM = 13
N_CAT = 26
CARD = 100000
EMB = 16
N_ROWS = CONT_DIM + N_CAT

NC, NS = 2, 16
NW = NC * NS
GU_PER_W = (N_CAT * EMB) // NW
CU = CONT_DIM * EMB
CU_ROUNDS = (CU + NW - 1) // NW
LANES = 16
D = 8


def _sc_body(cat_t, cont_t, emb_f, tab_t, out4,
             row_v, idx_v, val_v, cval_v, emb_v, sem_r, sem_i, sem_o):
    wid = lax.axis_index("s") * NC + lax.axis_index("c")
    pltpu.sync_copy(emb_f, emb_v)

    def row_copy(j, sem):
        g = wid * GU_PER_W + j
        return pltpu.make_async_copy(
            tab_t.at[g // EMB, g % EMB, :], row_v, sem)

    row_copy(0, sem_r).start()

    def g_unit(j, carry):
        g = wid * GU_PER_W + j
        f = g // EMB
        e = g % EMB
        row_copy(j, sem_r).wait()
        for q in range(D):
            pltpu.async_copy(cat_t.at[f, q, :], idx_v.at[q], sem_i)

        def s_body(s, c2):
            sl = lax.rem(s, D)
            pltpu.make_async_copy(cat_t.at[f, s, :], idx_v.at[sl],
                                  sem_i).wait()

            @pl.when(s >= D)
            def _():
                pltpu.make_async_copy(val_v.at[sl], out4.at[0, 0, 0, :],
                                      sem_o).wait()

            for i in range(B // LANES):
                sli = pl.ds(i * LANES, LANES)
                val_v[sl, sli] = plsc.load_gather(row_v, [idx_v[sl, sli]])

            pltpu.async_copy(val_v.at[sl], out4.at[s, CONT_DIM + f, e, :],
                             sem_o)

            @pl.when(s + D < S)
            def _():
                pltpu.async_copy(cat_t.at[f, s + D, :], idx_v.at[sl], sem_i)

            return c2

        lax.fori_loop(0, S, s_body, 0)

        @pl.when(j + 1 < GU_PER_W)
        def _():
            row_copy(j + 1, sem_r).start()

        def g_drain(q, c2):
            pltpu.make_async_copy(val_v.at[q], out4.at[0, 0, 0, :],
                                  sem_o).wait()
            return c2

        lax.fori_loop(0, D, g_drain, 0)

        @pl.when(j < CU_ROUNDS)
        def _():
            u = wid + NW * j

            @pl.when(u < CU)
            def _():
                c = u // EMB
                e2 = u % EMB
                scal = plsc.load_gather(
                    emb_v, [jnp.full((LANES,), c * EMB + e2,
                                     dtype=jnp.int32)])
                for q in range(D):
                    pltpu.async_copy(cont_t.at[c, q, :], cval_v.at[q],
                                     sem_i)

                def cs_body(s, c2):
                    sl = lax.rem(s, D)
                    pltpu.make_async_copy(cont_t.at[c, s, :],
                                          cval_v.at[sl], sem_i).wait()

                    @pl.when(s >= D)
                    def _():
                        pltpu.make_async_copy(val_v.at[sl],
                                              out4.at[0, 0, 0, :],
                                              sem_o).wait()

                    for i in range(B // LANES):
                        sli = pl.ds(i * LANES, LANES)
                        val_v[sl, sli] = cval_v[sl, sli] * scal

                    pltpu.async_copy(val_v.at[sl], out4.at[s, c, e2, :],
                                     sem_o)

                    @pl.when(s + D < S)
                    def _():
                        pltpu.async_copy(cont_t.at[c, s + D, :],
                                         cval_v.at[sl], sem_i)

                    return c2

                lax.fori_loop(0, S, cs_body, 0)

                def c_drain(q, c2):
                    pltpu.make_async_copy(val_v.at[q],
                                          out4.at[0, 0, 0, :],
                                          sem_o).wait()
                    return c2

                lax.fori_loop(0, D, c_drain, 0)

        return carry

    lax.fori_loop(0, GU_PER_W, g_unit, 0)


@jax.jit
def _sc_embed(cat_t, cont_t, emb_f, tab_t):
    mesh = plsc.VectorSubcoreMesh(
        core_axis_name="c", subcore_axis_name="s",
        num_cores=NC, num_subcores=NS,
    )
    run = pl.kernel(
        _sc_body,
        out_type=jax.ShapeDtypeStruct((S, N_ROWS, EMB, B), jnp.float32),
        mesh=mesh,
        scratch_types=[
            pltpu.VMEM((CARD,), jnp.float32),
            pltpu.VMEM((D, B), jnp.int32),
            pltpu.VMEM((D, B), jnp.float32),
            pltpu.VMEM((D, B), jnp.float32),
            pltpu.VMEM((CONT_DIM * EMB,), jnp.float32),
            pltpu.SemaphoreType.DMA,
            pltpu.SemaphoreType.DMA,
            pltpu.SemaphoreType.DMA,
        ],
        compiler_params=pltpu.CompilerParams(
            use_tc_tiling_on_sc=True, needs_layout_passes=False),
    )
    return run(cat_t, cont_t, emb_f, tab_t)


def kernel(continuous, categorical, cont_embedding, cat_tables):
    cat_t = jnp.transpose(categorical, (2, 1, 0))
    cont_t = jnp.transpose(continuous, (2, 1, 0))
    tab_t = jnp.transpose(cat_tables, (0, 2, 1))
    emb_f = cont_embedding.reshape(CONT_DIM * EMB)
    out4 = _sc_embed(cat_t, cont_t, emb_f, tab_t)
    return jnp.transpose(out4, (3, 0, 1, 2))

# --- scband reference (transcript-rebuilt; emitter-appended) ---
"""Pipeline reference for scband-batched-embedding-80822694576462 (READ-ONLY COPY).

The authoritative reference and input builder live on the scoring server;
editing this copy changes nothing except your own understanding.
"""

import jax, jax.numpy as jnp
import numpy as np

B, S = 1024, 50
CONT_DIM = 13
N_CAT = 26
CARD = 100000
EMB = 16

def setup_inputs(seed: int = 0) -> dict:
    key = jax.random.key(seed)
    k1, k2, k3, k4 = jax.random.split(key, 4)
    continuous = jax.random.normal(k1, (B, S, CONT_DIM), dtype=jnp.float32)
    categorical = jax.random.randint(k2, (B, S, N_CAT), 0, CARD, dtype=jnp.int32)
    # learned params of Embedding2dLayer (defaults: no bias, no batchnorm)
    cont_embedding = jax.random.normal(k3, (CONT_DIM, EMB), dtype=jnp.float32) * 0.02
    cat_tables = jax.random.normal(k4, (N_CAT, CARD, EMB), dtype=jnp.float32) * 0.02
    return {"continuous": continuous, "categorical": categorical,
            "cont_embedding": cont_embedding, "cat_tables": cat_tables}

def reference(continuous, categorical, cont_embedding, cat_tables):
    # BatchedEmbedding.forward: flatten (B, S) -> (B*S), run Embedding2dLayer, reshape back
    b, s = continuous.shape[0], continuous.shape[1]
    cont_flat = continuous.reshape(-1, continuous.shape[-1])        # [N, 13]
    cat_flat = categorical.reshape(-1, categorical.shape[-1])       # [N, 26]
    # continuous branch: x_cont[:, :, None] * cont_embedding (per-feature embedding, scaled by value)
    cont_embed = cont_flat[:, :, None] * cont_embedding[None, :, :]  # [N, 13, EMB]
    # categorical branch: per-field embedding lookup, stacked on dim 1
    field_ids = jnp.arange(cat_tables.shape[0])[None, :]             # [1, 26]
    cat_embed = cat_tables[field_ids, cat_flat]                      # [N, 26, EMB]
    embed = jnp.concatenate([cont_embed, cat_embed], axis=1)        # [N, 39, EMB]
    return embed.reshape(b, s, embed.shape[1], embed.shape[2])      # [B, S, 39, EMB]

if __name__ == "__main__":
    import jax
    _d = setup_inputs()
    print(jax.jit(kernel)(*tuple(_d.values())))

</pallas_src>

<mosaic_0001>
#map = affine_map<(d0, d1) -> (0, 0, 0)>
#map1 = affine_map<(d0, d1) -> (0)>
#map2 = affine_map<(d0, d1) -> (0, 0, 0, 0)>
module attributes {stable_mosaic.version = 14 : i64} {
  func.func @_sc_body(%arg0: i32, %arg1: i32, %arg2: memref<26x50x1024xi32, #tpu.memory_space<hbm>>, %arg3: memref<13x50x1024xf32, #tpu.memory_space<hbm>>, %arg4: memref<208xf32, #tpu.memory_space<hbm>>, %arg5: memref<26x16x100000xf32, #tpu.memory_space<hbm>>, %arg6: memref<50x39x16x1024xf32, #tpu.memory_space<hbm>>, %arg7: memref<100000xf32, #tpu.memory_space<vmem>>, %arg8: memref<8x1024xi32, #tpu.memory_space<vmem>>, %arg9: memref<8x1024xf32, #tpu.memory_space<vmem>>, %arg10: memref<8x1024xf32, #tpu.memory_space<vmem>>, %arg11: memref<208xf32, #tpu.memory_space<vmem>>, %arg12: memref<!tpu.dma_semaphore, #tpu.memory_space<semaphore_mem>>, %arg13: memref<!tpu.dma_semaphore, #tpu.memory_space<semaphore_mem>>, %arg14: memref<!tpu.dma_semaphore, #tpu.memory_space<semaphore_mem>>) attributes {dimension_semantics = [#tpu.dimension_semantics<core_parallel>, #tpu.dimension_semantics<subcore_parallel>], iteration_bounds = array<i64: 2, 16>, scalar_prefetch = 0 : i64, scratch_operands = 8 : i64, tpu.core_type = #tpu.core_type<sc_vector_subcore>, window_params = [{transform_indices = #map}, {transform_indices = #map}, {transform_indices = #map1}, {transform_indices = #map}, {transform_indices = #map2}]} {
    %mul3A = arith.constant 2 : i32
    %mul3A_0 = arith.muli %arg1, %mul3A : i32
    %add3A = arith.addi %mul3A_0, %arg0 : i32
    "tpu.region"() ({
      %run_scoped3A = tpu.sem_alloc : memref<!tpu.dma_semaphore, #tpu.memory_space<semaphore_mem>>
      tpu.enqueue_dma source(%arg4 : memref<208xf32, #tpu.memory_space<hbm>>) target(%arg11 : memref<208xf32, #tpu.memory_space<vmem>>) target_semaphore(%run_scoped3A : memref<!tpu.dma_semaphore, #tpu.memory_space<semaphore_mem>>)
      tpu.wait_dma2 semaphore(%run_scoped3A : memref<!tpu.dma_semaphore, #tpu.memory_space<semaphore_mem>>) src(%arg4 : memref<208xf32, #tpu.memory_space<hbm>>) dst(%arg11 : memref<208xf32, #tpu.memory_space<vmem>>)
      tpu.yield
    }) : () -> ()
    %mul3A_1 = arith.constant 13 : i32
    %mul3A_2 = arith.muli %add3A, %mul3A_1 : i32
    %add3A_3 = arith.constant 0 : i32
    %add3A_4 = arith.addi %mul3A_2, %add3A_3 : i32
    %jit3A = arith.constant 16 : i32
    %div3A = arith.divsi %add3A_4, %jit3A : i32
    %sign3A = arith.constant 0 : i32
    %sign3A_5 = arith.cmpi sgt, %add3A_4, %sign3A : i32
    %sign3A_6 = arith.extui %sign3A_5 : i1 to i32
    %sign3A_7 = arith.constant 0 : i32
    %sign3A_8 = arith.cmpi slt, %add3A_4, %sign3A_7 : i32
    %sign3A_9 = arith.extui %sign3A_8 : i1 to i32
    %sign3A_10 = arith.subi %sign3A_6, %sign3A_9 : i32
    %sign3A_11 = arith.constant 0 : i32
    %sign3A_12 = arith.cmpi sgt, %jit3A, %sign3A_11 : i32
    %sign3A_13 = arith.extui %sign3A_12 : i1 to i32
    %sign3A_14 = arith.constant 0 : i32
    %sign3A_15 = arith.cmpi slt, %jit3A, %sign3A_14 : i32
    %sign3A_16 = arith.extui %sign3A_15 : i1 to i32
    %sign3A_17 = arith.subi %sign3A_13, %sign3A_16 : i32
    %ne3A = arith.cmpi ne, %sign3A_10, %sign3A_17 : i32
    %rem3A = arith.remsi %add3A_4, %jit3A : i32
    %ne3A_18 = arith.constant 0 : i32
    %ne3A_19 = arith.cmpi ne, %rem3A, %ne3A_18 : i32
    %and3A = arith.andi %ne3A, %ne3A_19 : i1
    %sub3A = arith.constant 1 : i32
    %sub3A_20 = arith.subi %div3A, %sub3A : i32
    %select_n3A = arith.select %and3A, %sub3A_20, %div3A : i32
    %jit3A_21 = arith.constant 16 : i32
    %eq3A = arith.constant 0 : i32
    %eq3A_22 = arith.cmpi eq, %jit3A_21, %eq3A : i32
    %jit3A_23 = arith.constant 1 : i32
    %select_n3A_24 = arith.select %eq3A_22, %jit3A_23, %jit3A_21 : i32
    %rem3A_25 = arith.remsi %add3A_4, %select_n3A_24 : i32
    %ne3A_26 = arith.constant 0 : i32
    %ne3A_27 = arith.cmpi ne, %rem3A_25, %ne3A_26 : i32
    %lt3A = arith.constant 0 : i32
    %lt3A_28 = arith.cmpi slt, %rem3A_25, %lt3A : i32
    %lt3A_29 = arith.constant 0 : i32
    %lt3A_30 = arith.cmpi slt, %select_n3A_24, %lt3A_29 : i32
    %ne3A_31 = arith.xori %lt3A_28, %lt3A_30 : i1
    %and3A_32 = arith.andi %ne3A_31, %ne3A_27 : i1
    %add3A_33 = arith.addi %rem3A_25, %select_n3A_24 : i32
    %select_n3A_34 = arith.select %and3A_32, %add3A_33, %rem3A_25 : i32
    %dma_start3A = arith.constant 0 : i32
    %dma_start3A_35 = tpu.memref_slice %arg5[%select_n3A, %select_n3A_34, %dma_start3A] : memref<26x16x100000xf32, #tpu.memory_space<hbm>> -> memref<1x1x100000xf32, #tpu.memory_space<hbm>>
    %dma_start3A_36 = tpu.memref_squeeze %dma_start3A_35 : memref<1x1x100000xf32, #tpu.memory_space<hbm>> -> memref<100000xf32, #tpu.memory_space<hbm>>
    %dma_start3A_37 = arith.constant 0 : i32
    %dma_start3A_38 = tpu.memref_slice %arg5[%select_n3A, %select_n3A_34, %dma_start3A_37] : memref<26x16x100000xf32, #tpu.memory_space<hbm>> -> memref<1x1x100000xf32, #tpu.memory_space<hbm>>
    %dma_start3A_39 = tpu.memref_squeeze %dma_start3A_38 : memref<1x1x100000xf32, #tpu.memory_space<hbm>> -> memref<100000xf32, #tpu.memory_space<hbm>>
    tpu.enqueue_dma source(%dma_start3A_39 : memref<100000xf32, #tpu.memory_space<hbm>>) target(%arg7 : memref<100000xf32, #tpu.memory_space<vmem>>) target_semaphore(%arg12 : memref<!tpu.dma_semaphore, #tpu.memory_space<semaphore_mem>>)
    %scan3A = arith.constant 0 : i32
    %scan3A_40 = arith.constant 0 : i32
    %scan3A_41 = arith.constant 13 : i32
    %scan3A_42 = arith.addi %scan3A_40, %scan3A_41 : i32
    %scan3A_43 = arith.constant 1 : i32
    scf.for %scan3A_45 = %scan3A_40 to %scan3A_42 step %scan3A_43  : i32 {
      %mul3A_46 = arith.constant 13 : i32
      %mul3A_47 = arith.muli %add3A, %mul3A_46 : i32
      %add3A_48 = arith.addi %mul3A_47, %scan3A_45 : i32
      %jit3A_49 = arith.constant 16 : i32
      %div3A_50 = arith.divsi %add3A_48, %jit3A_49 : i32
      %sign3A_51 = arith.constant 0 : i32
      %sign3A_52 = arith.cmpi sgt, %add3A_48, %sign3A_51 : i32
      %sign3A_53 = arith.extui %sign3A_52 : i1 to i32
      %sign3A_54 = arith.constant 0 : i32
      %sign3A_55 = arith.cmpi slt, %add3A_48, %sign3A_54 : i32
      %sign3A_56 = arith.extui %sign3A_55 : i1 to i32
      %sign3A_57 = arith.subi %sign3A_53, %sign3A_56 : i32
      %sign3A_58 = arith.constant 0 : i32
      %sign3A_59 = arith.cmpi sgt, %jit3A_49, %sign3A_58 : i32
      %sign3A_60 = arith.extui %sign3A_59 : i1 to i32
      %sign3A_61 = arith.constant 0 : i32
      %sign3A_62 = arith.cmpi slt, %jit3A_49, %sign3A_61 : i32
      %sign3A_63 = arith.extui %sign3A_62 : i1 to i32
      %sign3A_64 = arith.subi %sign3A_60, %sign3A_63 : i32
      %ne3A_65 = arith.cmpi ne, %sign3A_57, %sign3A_64 : i32
      %rem3A_66 = arith.remsi %add3A_48, %jit3A_49 : i32
      %ne3A_67 = arith.constant 0 : i32
      %ne3A_68 = arith.cmpi ne, %rem3A_66, %ne3A_67 : i32
      %and3A_69 = arith.andi %ne3A_65, %ne3A_68 : i1
      %sub3A_70 = arith.constant 1 : i32
      %sub3A_71 = arith.subi %div3A_50, %sub3A_70 : i32
      %select_n3A_72 = arith.select %and3A_69, %sub3A_71, %div3A_50 : i32
      %jit3A_73 = arith.constant 16 : i32
      %eq3A_74 = arith.constant 0 : i32
      %eq3A_75 = arith.cmpi eq, %jit3A_73, %eq3A_74 : i32
      %jit3A_76 = arith.constant 1 : i32
      %select_n3A_77 = arith.select %eq3A_75, %jit3A_76, %jit3A_73 : i32
      %rem3A_78 = arith.remsi %add3A_48, %select_n3A_77 : i32
      %ne3A_79 = arith.constant 0 : i32
      %ne3A_80 = arith.cmpi ne, %rem3A_78, %ne3A_79 : i32
      %lt3A_81 = arith.constant 0 : i32
      %lt3A_82 = arith.cmpi slt, %rem3A_78, %lt3A_81 : i32
      %lt3A_83 = arith.constant 0 : i32
      %lt3A_84 = arith.cmpi slt, %select_n3A_77, %lt3A_83 : i32
      %ne3A_85 = arith.xori %lt3A_82, %lt3A_84 : i1
      %and3A_86 = arith.andi %ne3A_85, %ne3A_80 : i1
      %add3A_87 = arith.addi %rem3A_78, %select_n3A_77 : i32
      %select_n3A_88 = arith.select %and3A_86, %add3A_87, %rem3A_78 : i32
      %mul3A_89 = arith.constant 13 : i32
      %mul3A_90 = arith.muli %add3A, %mul3A_89 : i32
      %add3A_91 = arith.addi %mul3A_90, %scan3A_45 : i32
      %jit3A_92 = arith.constant 16 : i32
      %div3A_93 = arith.divsi %add3A_91, %jit3A_92 : i32
      %sign3A_94 = arith.constant 0 : i32
      %sign3A_95 = arith.cmpi sgt, %add3A_91, %sign3A_94 : i32
      %sign3A_96 = arith.extui %sign3A_95 : i1 to i32
      %sign3A_97 = arith.constant 0 : i32
      %sign3A_98 = arith.cmpi slt, %add3A_91, %sign3A_97 : i32
      %sign3A_99 = arith.extui %sign3A_98 : i1 to i32
      %sign3A_100 = arith.subi %sign3A_96, %sign3A_99 : i32
      %sign3A_101 = arith.constant 0 : i32
      %sign3A_102 = arith.cmpi sgt, %jit3A_92, %sign3A_101 : i32
      %sign3A_103 = arith.extui %sign3A_102 : i1 to i32
      %sign3A_104 = arith.constant 0 : i32
      %sign3A_105 = arith.cmpi slt, %jit3A_92, %sign3A_104 : i32
      %sign3A_106 = arith.extui %sign3A_105 : i1 to i32
      %sign3A_107 = arith.subi %sign3A_103, %sign3A_106 : i32
      %ne3A_108 = arith.cmpi ne, %sign3A_100, %sign3A_107 : i32
      %rem3A_109 = arith.remsi %add3A_91, %jit3A_92 : i32
      %ne3A_110 = arith.constant 0 : i32
      %ne3A_111 = arith.cmpi ne, %rem3A_109, %ne3A_110 : i32
      %and3A_112 = arith.andi %ne3A_108, %ne3A_111 : i1
      %sub3A_113 = arith.constant 1 : i32
      %sub3A_114 = arith.subi %div3A_93, %sub3A_113 : i32
      %select_n3A_115 = arith.select %and3A_112, %sub3A_114, %div3A_93 : i32
      %jit3A_116 = arith.constant 16 : i32
      %eq3A_117 = arith.constant 0 : i32
      %eq3A_118 = arith.cmpi eq, %jit3A_116, %eq3A_117 : i32
      %jit3A_119 = arith.constant 1 : i32
      %select_n3A_120 = arith.select %eq3A_118, %jit3A_119, %jit3A_116 : i32
      %rem3A_121 = arith.remsi %add3A_91, %select_n3A_120 : i32
      %ne3A_122 = arith.constant 0 : i32
      %ne3A_123 = arith.cmpi ne, %rem3A_121, %ne3A_122 : i32
      %lt3A_124 = arith.constant 0 : i32
      %lt3A_125 = arith.cmpi slt, %rem3A_121, %lt3A_124 : i32
      %lt3A_126 = arith.constant 0 : i32
      %lt3A_127 = arith.cmpi slt, %select_n3A_120, %lt3A_126 : i32
      %ne3A_128 = arith.xori %lt3A_125, %lt3A_127 : i1
      %and3A_129 = arith.andi %ne3A_128, %ne3A_123 : i1
      %add3A_130 = arith.addi %rem3A_121, %select_n3A_120 : i32
      %select_n3A_131 = arith.select %and3A_129, %add3A_130, %rem3A_121 : i32
      %dma_wait3A = arith.constant 0 : i32
      %dma_wait3A_132 = tpu.memref_slice %arg5[%select_n3A_115, %select_n3A_131, %dma_wait3A] : memref<26x16x100000xf32, #tpu.memory_space<hbm>> -> memref<1x1x100000xf32, #tpu.memory_space<hbm>>
      %dma_wait3A_133 = tpu.memref_squeeze %dma_wait3A_132 : memref<1x1x100000xf32, #tpu.memory_space<hbm>> -> memref<100000xf32, #tpu.memory_space<hbm>>
      %dma_wait3A_134 = arith.constant 0 : i32
      %dma_wait3A_135 = tpu.memref_slice %arg5[%select_n3A_115, %select_n3A_131, %dma_wait3A_134] : memref<26x16x100000xf32, #tpu.memory_space<hbm>> -> memref<1x1x100000xf32, #tpu.memory_space<hbm>>
      %dma_wait3A_136 = tpu.memref_squeeze %dma_wait3A_135 : memref<1x1x100000xf32, #tpu.memory_space<hbm>> -> memref<100000xf32, #tpu.memory_space<hbm>>
      tpu.wait_dma2 semaphore(%arg12 : memref<!tpu.dma_semaphore, #tpu.memory_space<semaphore_mem>>) src(%dma_wait3A_136 : memref<100000xf32, #tpu.memory_space<hbm>>) dst(%arg7 : memref<100000xf32, #tpu.memory_space<vmem>>)
      %dma_start3A_137 = arith.constant 0 : i32
      %dma_start3A_138 = arith.constant 0 : i32
      %dma_start3A_139 = arith.constant 0 : i32
      %dma_start3A_140 = tpu.memref_slice %arg8[%dma_start3A_138, %dma_start3A_139] : memref<8x1024xi32, #tpu.memory_space<vmem>> -> memref<1x1024xi32, #tpu.memory_space<vmem>>
      %dma_start3A_141 = tpu.memref_squeeze %dma_start3A_140 : memref<1x1024xi32, #tpu.memory_space<vmem>> -> memref<1024xi32, #tpu.memory_space<vmem>>
      %dma_start3A_142 = arith.constant 0 : i32
      %dma_start3A_143 = tpu.memref_slice %arg2[%select_n3A_72, %dma_start3A_137, %dma_start3A_142] : memref<26x50x1024xi32, #tpu.memory_space<hbm>> -> memref<1x1x1024xi32, #tpu.memory_space<hbm>>
      %dma_start3A_144 = tpu.memref_squeeze %dma_start3A_143 : memref<1x1x1024xi32, #tpu.memory_space<hbm>> -> memref<1024xi32, #tpu.memory_space<hbm>>
      %dma_start3A_145 = arith.constant 0 : i32
      %dma_start3A_146 = tpu.memref_slice %arg8[%dma_start3A_138, %dma_start3A_145] : memref<8x1024xi32, #tpu.memory_space<vmem>> -> memref<1x1024xi32, #tpu.memory_space<vmem>>
      %dma_start3A_147 = tpu.memref_squeeze %dma_start3A_146 : memref<1x1024xi32, #tpu.memory_space<vmem>> -> memref<1024xi32, #tpu.memory_space<vmem>>
      %dma_start3A_148 = arith.constant 0 : i32
      %dma_start3A_149 = tpu.memref_slice %arg2[%select_n3A_72, %dma_start3A_137, %dma_start3A_148] : memref<26x50x1024xi32, #tpu.memory_space<hbm>> -> memref<1x1x1024xi32, #tpu.memory_space<hbm>>
      %dma_start3A_150 = tpu.memref_squeeze %dma_start3A_149 : memref<1x1x1024xi32, #tpu.memory_space<hbm>> -> memref<1024xi32, #tpu.memory_space<hbm>>
      tpu.enqueue_dma source(%dma_start3A_150 : memref<1024xi32, #tpu.memory_space<hbm>>) target(%dma_start3A_147 : memref<1024xi32, #tpu.memory_space<vmem>>) target_semaphore(%arg13 : memref<!tpu.dma_semaphore, #tpu.memory_space<semaphore_mem>>)
      %dma_start3A_151 = arith.constant 1 : i32
      %dma_start3A_152 = arith.constant 1 : i32
      %dma_start3A_153 = arith.constant 0 : i32
      %dma_start3A_154 = tpu.memref_slice %arg8[%dma_start3A_152, %dma_start3A_153] : memref<8x1024xi32, #tpu.memory_space<vmem>> -> memref<1x1024xi32, #tpu.memory_space<vmem>>
      %dma_start3A_155 = tpu.memref_squeeze %dma_start3A_154 : memref<1x1024xi32, #tpu.memory_space<vmem>> -> memref<1024xi32, #tpu.memory_space<vmem>>
      %dma_start3A_156 = arith.constant 0 : i32
      %dma_start3A_157 = tpu.memref_slice %arg2[%select_n3A_72, %dma_start3A_151, %dma_start3A_156] : memref<26x50x1024xi32, #tpu.memory_space<hbm>> -> memref<1x1x1024xi32, #tpu.memory_space<hbm>>
      %dma_start3A_158 = tpu.memref_squeeze %dma_start3A_157 : memref<1x1x1024xi32, #tpu.memory_space<hbm>> -> memref<1024xi32, #tpu.memory_space<hbm>>
      %dma_start3A_159 = arith.constant 0 : i32
      %dma_start3A_160 = tpu.memref_slice %arg8[%dma_start3A_152, %dma_start3A_159] : memref<8x1024xi32, #tpu.memory_space<vmem>> -> memref<1x1024xi32, #tpu.memory_space<vmem>>
      %dma_start3A_161 = tpu.memref_squeeze %dma_start3A_160 : memref<1x1024xi32, #tpu.memory_space<vmem>> -> memref<1024xi32, #tpu.memory_space<vmem>>
      %dma_start3A_162 = arith.constant 0 : i32
      %dma_start3A_163 = tpu.memref_slice %arg2[%select_n3A_72, %dma_start3A_151, %dma_start3A_162] : memref<26x50x1024xi32, #tpu.memory_space<hbm>> -> memref<1x1x1024xi32, #tpu.memory_space<hbm>>
      %dma_start3A_164 = tpu.memref_squeeze %dma_start3A_163 : memref<1x1x1024xi32, #tpu.memory_space<hbm>> -> memref<1024xi32, #tpu.memory_space<hbm>>
      tpu.enqueue_dma source(%dma_start3A_164 : memref<1024xi32, #tpu.memory_space<hbm>>) target(%dma_start3A_161 : memref<1024xi32, #tpu.memory_space<vmem>>) target_semaphore(%arg13 : memref<!tpu.dma_semaphore, #tpu.memory_space<semaphore_mem>>)
      %dma_start3A_165 = arith.constant 2 : i32
      %dma_start3A_166 = arith.constant 2 : i32
      %dma_start3A_167 = arith.constant 0 : i32
      %dma_start3A_168 = tpu.memref_slice %arg8[%dma_start3A_166, %dma_start3A_167] : memref<8x1024xi32, #tpu.memory_space<vmem>> -> memref<1x1024xi32, #tpu.memory_space<vmem>>
      %dma_start3A_169 = tpu.memref_squeeze %dma_start3A_168 : memref<1x1024xi32, #tpu.memory_space<vmem>> -> memref<1024xi32, #tpu.memory_space<vmem>>
      %dma_start3A_170 = arith.constant 0 : i32
      %dma_start3A_171 = tpu.memref_slice %arg2[%select_n3A_72, %dma_start3A_165, %dma_start3A_170] : memref<26x50x1024xi32, #tpu.memory_space<hbm>> -> memref<1x1x1024xi32, #tpu.memory_space<hbm>>
      %dma_start3A_172 = tpu.memref_squeeze %dma_start3A_171 : memref<1x1x1024xi32, #tpu.memory_space<hbm>> -> memref<1024xi32, #tpu.memory_space<hbm>>
      %dma_start3A_173 = arith.constant 0 : i32
      %dma_start3A_174 = tpu.memref_slice %arg8[%dma_start3A_166, %dma_start3A_173] : memref<8x1024xi32, #tpu.memory_space<vmem>> -> memref<1x1024xi32, #tpu.memory_space<vmem>>
      %dma_start3A_175 = tpu.memref_squeeze %dma_start3A_174 : memref<1x1024xi32, #tpu.memory_space<vmem>> -> memref<1024xi32, #tpu.memory_space<vmem>>
      %dma_start3A_176 = arith.constant 0 : i32
      %dma_start3A_177 = tpu.memref_slice %arg2[%select_n3A_72, %dma_start3A_165, %dma_start3A_176] : memref<26x50x1024xi32, #tpu.memory_space<hbm>> -> memref<1x1x1024xi32, #tpu.memory_space<hbm>>
      %dma_start3A_178 = tpu.memref_squeeze %dma_start3A_177 : memref<1x1x1024xi32, #tpu.memory_space<hbm>> -> memref<1024xi32, #tpu.memory_space<hbm>>
      tpu.enqueue_dma source(%dma_start3A_178 : memref<1024xi32, #tpu.memory_space<hbm>>) target(%dma_start3A_175 : memref<1024xi32, #tpu.memory_space<vmem>>) target_semaphore(%arg13 : memref<!tpu.dma_semaphore, #tpu.memory_space<semaphore_mem>>)
      %dma_start3A_179 = arith.constant 3 : i32
      %dma_start3A_180 = arith.constant 3 : i32
      %dma_start3A_181 = arith.constant 0 : i32
      %dma_start3A_182 = tpu.memref_slice %arg8[%dma_start3A_180, %dma_start3A_181] : memref<8x1024xi32, #tpu.memory_space<vmem>> -> memref<1x1024xi32, #tpu.memory_space<vmem>>
      %dma_start3A_183 = tpu.memref_squeeze %dma_start3A_182 : memref<1x1024xi32, #tpu.memory_space<vmem>> -> memref<1024xi32, #tpu.memory_space<vmem>>
      %dma_start3A_184 = arith.constant 0 : i32
      %dma_start3A_185 = tpu.memref_slice %arg2[%select_n3A_72, %dma_start3A_179, %dma_start3A_184] : memref<26x50x1024xi32, #tpu.memory_space<hbm>> -> memref<1x1x1024xi32, #tpu.memory_space<hbm>>
      %dma_start3A_186 = tpu.memref_squeeze %dma_start3A_185 : memref<1x1x1024xi32, #tpu.memory_space<hbm>> -> memref<1024xi32, #tpu.memory_space<hbm>>
      %dma_start3A_187 = arith.constant 0 : i32
      %dma_start3A_188 = tpu.memref_slice %arg8[%dma_start3A_180, %dma_start3A_187] : memref<8x1024xi32, #tpu.memory_space<vmem>> -> memref<1x1024xi32, #tpu.memory_space<vmem>>
      %dma_start3A_189 = tpu.memref_squeeze %dma_start3A_188 : memref<1x1024xi32, #tpu.memory_space<vmem>> -> memref<1024xi32, #tpu.memory_space<vmem>>
      %dma_start3A_190 = arith.constant 0 : i32
      %dma_start3A_191 = tpu.memref_slice %arg2[%select_n3A_72, %dma_start3A_179, %dma_start3A_190] : memref<26x50x1024xi32, #tpu.memory_space<hbm>> -> memref<1x1x1024xi32, #tpu.memory_space<hbm>>
      %dma_start3A_192 = tpu.memref_squeeze %dma_start3A_191 : memref<1x1x1024xi32, #tpu.memory_space<hbm>> -> memref<1024xi32, #tpu.memory_space<hbm>>
      tpu.enqueue_dma source(%dma_start3A_192 : memref<1024xi32, #tpu.memory_space<hbm>>) target(%dma_start3A_189 : memref<1024xi32, #tpu.memory_space<vmem>>) target_semaphore(%arg13 : memref<!tpu.dma_semaphore, #tpu.memory_space<semaphore_mem>>)
      %dma_start3A_193 = arith.constant 4 : i32
      %dma_start3A_194 = arith.constant 4 : i32
      %dma_start3A_195 = arith.constant 0 : i32
      %dma_start3A_196 = tpu.memref_slice %arg8[%dma_start3A_194, %dma_start3A_195] : memref<8x1024xi32, #tpu.memory_space<vmem>> -> memref<1x1024xi32, #tpu.memory_space<vmem>>
      %dma_start3A_197 = tpu.memref_squeeze %dma_start3A_196 : memref<1x1024xi32, #tpu.memory_space<vmem>> -> memref<1024xi32, #tpu.memory_space<vmem>>
      %dma_start3A_198 = arith.constant 0 : i32
      %dma_start3A_199 = tpu.memref_slice %arg2[%select_n3A_72, %dma_start3A_193, %dma_start3A_198] : memref<26x50x1024xi32, #tpu.memory_space<hbm>> -> memref<1x1x1024xi32, #tpu.memory_space<hbm>>
      %dma_start3A_200 = tpu.memref_squeeze %dma_start3A_199 : memref<1x1x1024xi32, #tpu.memory_space<hbm>> -> memref<1024xi32, #tpu.memory_space<hbm>>
      %dma_start3A_201 = arith.constant 0 : i32
      %dma_start3A_202 = tpu.memref_slice %arg8[%dma_start3A_194, %dma_start3A_201] : memref<8x1024xi32, #tpu.memory_space<vmem>> -> memref<1x1024xi32, #tpu.memory_space<vmem>>
      %dma_start3A_203 = tpu.memref_squeeze %dma_start3A_202 : memref<1x1024xi32, #tpu.memory_space<vmem>> -> memref<1024xi32, #tpu.memory_space<vmem>>
      %dma_start3A_204 = arith.constant 0 : i32
      %dma_start3A_205 = tpu.memref_slice %arg2[%select_n3A_72, %dma_start3A_193, %dma_start3A_204] : memref<26x50x1024xi32, #tpu.memory_space<hbm>> -> memref<1x1x1024xi32, #tpu.memory_space<hbm>>
      %dma_start3A_206 = tpu.memref_squeeze %dma_start3A_205 : memref<1x1x1024xi32, #tpu.memory_space<hbm>> -> memref<1024xi32, #tpu.memory_space<hbm>>
      tpu.enqueue_dma source(%dma_start3A_206 : memref<1024xi32, #tpu.memory_space<hbm>>) target(%dma_start3A_203 : memref<1024xi32, #tpu.memory_space<vmem>>) target_semaphore(%arg13 : memref<!tpu.dma_semaphore, #tpu.memory_space<semaphore_mem>>)
      %dma_start3A_207 = arith.constant 5 : i32
      %dma_start3A_208 = arith.constant 5 : i32
      %dma_start3A_209 = arith.constant 0 : i32
      %dma_start3A_210 = tpu.memref_slice %arg8[%dma_start3A_208, %dma_start3A_209] : memref<8x1024xi32, #tpu.memory_space<vmem>> -> memref<1x1024xi32, #tpu.memory_space<vmem>>
      %dma_start3A_211 = tpu.memref_squeeze %dma_start3A_210 : memref<1x1024xi32, #tpu.memory_space<vmem>> -> memref<1024xi32, #tpu.memory_space<vmem>>
      %dma_start3A_212 = arith.constant 0 : i32
      %dma_start3A_213 = tpu.memref_slice %arg2[%select_n3A_72, %dma_start3A_207, %dma_start3A_212] : memref<26x50x1024xi32, #tpu.memory_space<hbm>> -> memref<1x1x1024xi32, #tpu.memory_space<hbm>>
      %dma_start3A_214 = tpu.memref_squeeze %dma_start3A_213 : memref<1x1x1024xi32, #tpu.memory_space<hbm>> -> memref<1024xi32, #tpu.memory_space<hbm>>
      %dma_start3A_215 = arith.constant 0 : i32
      %dma_start3A_216 = tpu.memref_slice %arg8[%dma_start3A_208, %dma_start3A_215] : memref<8x1024xi32, #tpu.memory_space<vmem>> -> memref<1x1024xi32, #tpu.memory_space<vmem>>
      %dma_start3A_217 = tpu.memref_squeeze %dma_start3A_216 : memref<1x1024xi32, #tpu.memory_space<vmem>> -> memref<1024xi32, #tpu.memory_space<vmem>>
      %dma_start3A_218 = arith.constant 0 : i32
      %dma_start3A_219 = tpu.memref_slice %arg2[%select_n3A_72, %dma_start3A_207, %dma_start3A_218] : memref<26x50x1024xi32, #tpu.memory_space<hbm>> -> memref<1x1x1024xi32, #tpu.memory_space<hbm>>
      %dma_start3A_220 = tpu.memref_squeeze %dma_start3A_219 : memref<1x1x1024xi32, #tpu.memory_space<hbm>> -> memref<1024xi32, #tpu.memory_space<hbm>>
      tpu.enqueue_dma source(%dma_start3A_220 : memref<1024xi32, #tpu.memory_space<hbm>>) target(%dma_start3A_217 : memref<1024xi32, #tpu.memory_space<vmem>>) target_semaphore(%arg13 : memref<!tpu.dma_semaphore, #tpu.memory_space<semaphore_mem>>)
      %dma_start3A_221 = arith.constant 6 : i32
      %dma_start3A_222 = arith.constant 6 : i32
      %dma_start3A_223 = arith.constant 0 : i32
      %dma_start3A_224 = tpu.memref_slice %arg8[%dma_start3A_222, %dma_start3A_223] : memref<8x1024xi32, #tpu.memory_space<vmem>> -> memref<1x1024xi32, #tpu.memory_space<vmem>>
      %dma_start3A_225 = tpu.memref_squeeze %dma_start3A_224 : memref<1x1024xi32, #tpu.memory_space<vmem>> -> memref<1024xi32, #tpu.memory_space<vmem>>
      %dma_start3A_226 = arith.constant 0 : i32
      %dma_start3A_227 = tpu.memref_slice %arg2[%select_n3A_72, %dma_start3A_221, %dma_start3A_226] : memref<26x50x1024xi32, #tpu.memory_space<hbm>> -> memref<1x1x1024xi32, #tpu.memory_space<hbm>>
      %dma_start3A_228 = tpu.memref_squeeze %dma_start3A_227 : memref<1x1x1024xi32, #tpu.memory_space<hbm>> -> memref<1024xi32, #tpu.memory_space<hbm>>
      %dma_start3A_229 = arith.constant 0 : i32
      %dma_start3A_230 = tpu.memref_slice %arg8[%dma_start3A_222, %dma_start3A_229] : memref<8x1024xi32, #tpu.memory_space<vmem>> -> memref<1x1024xi32, #tpu.memory_space<vmem>>
      %dma_start3A_231 = tpu.memref_squeeze %dma_start3A_230 : memref<1x1024xi32, #tpu.memory_space<vmem>> -> memref<1024xi32, #tpu.memory_space<vmem>>
      %dma_start3A_232 = arith.constant 0 : i32
      %dma_start3A_233 = tpu.memref_slice %arg2[%select_n3A_72, %dma_start3A_221, %dma_start3A_232] : memref<26x50x1024xi32, #tpu.memory_space<hbm>> -> memref<1x1x1024xi32, #tpu.memory_space<hbm>>
      %dma_start3A_234 = tpu.memref_squeeze %dma_start3A_233 : memref<1x1x1024xi32, #tpu.memory_space<hbm>> -> memref<1024xi32, #tpu.memory_space<hbm>>
      tpu.enqueue_dma source(%dma_start3A_234 : memref<1024xi32, #tpu.memory_space<hbm>>) target(%dma_start3A_231 : memref<1024xi32, #tpu.memory_space<vmem>>) target_semaphore(%arg13 : memref<!tpu.dma_semaphore, #tpu.memory_space<semaphore_mem>>)
      %dma_start3A_235 = arith.constant 7 : i32
      %dma_start3A_236 = arith.constant 7 : i32
      %dma_start3A_237 = arith.constant 0 : i32
      %dma_start3A_238 = tpu.memref_slice %arg8[%dma_start3A_236, %dma_start3A_237] : memref<8x1024xi32, #tpu.memory_space<vmem>> -> memref<1x1024xi32, #tpu.memory_space<vmem>>
      %dma_start3A_239 = tpu.memref_squeeze %dma_start3A_238 : memref<1x1024xi32, #tpu.memory_space<vmem>> -> memref<1024xi32, #tpu.memory_space<vmem>>
      %dma_start3A_240 = arith.constant 0 : i32
      %dma_start3A_241 = tpu.memref_slice %arg2[%select_n3A_72, %dma_start3A_235, %dma_start3A_240] : memref<26x50x1024xi32, #tpu.memory_space<hbm>> -> memref<1x1x1024xi32, #tpu.memory_space<hbm>>
      %dma_start3A_242 = tpu.memref_squeeze %dma_start3A_241 : memref<1x1x1024xi32, #tpu.memory_space<hbm>> -> memref<1024xi32, #tpu.memory_space<hbm>>
      %dma_start3A_243 = arith.constant 0 : i32
      %dma_start3A_244 = tpu.memref_slice %arg8[%dma_start3A_236, %dma_start3A_243] : memref<8x1024xi32, #tpu.memory_space<vmem>> -> memref<1x1024xi32, #tpu.memory_space<vmem>>
      %dma_start3A_245 = tpu.memref_squeeze %dma_start3A_244 : memref<1x1024xi32, #tpu.memory_space<vmem>> -> memref<1024xi32, #tpu.memory_space<vmem>>
      %dma_start3A_246 = arith.constant 0 : i32
      %dma_start3A_247 = tpu.memref_slice %arg2[%select_n3A_72, %dma_start3A_235, %dma_start3A_246] : memref<26x50x1024xi32, #tpu.memory_space<hbm>> -> memref<1x1x1024xi32, #tpu.memory_space<hbm>>
      %dma_start3A_248 = tpu.memref_squeeze %dma_start3A_247 : memref<1x1x1024xi32, #tpu.memory_space<hbm>> -> memref<1024xi32, #tpu.memory_space<hbm>>
      tpu.enqueue_dma source(%dma_start3A_248 : memref<1024xi32, #tpu.memory_space<hbm>>) target(%dma_start3A_245 : memref<1024xi32, #tpu.memory_space<vmem>>) target_semaphore(%arg13 : memref<!tpu.dma_semaphore, #tpu.memory_space<semaphore_mem>>)
      %scan3A_249 = arith.constant 0 : i32
      %scan3A_250 = arith.constant 0 : i32
      %scan3A_251 = arith.constant 50 : i32
      %scan3A_252 = arith.addi %scan3A_250, %scan3A_251 : i32
      %scan3A_253 = arith.constant 1 : i32
      scf.for %scan3A_271 = %scan3A_250 to %scan3A_252 step %scan3A_253  : i32 {
        %rem3A_272 = arith.constant 8 : i32
        %rem3A_273 = arith.remsi %scan3A_271, %rem3A_272 : i32
        %dma_wait3A_274 = arith.constant 0 : i32
        %dma_wait3A_275 = tpu.memref_slice %arg8[%rem3A_273, %dma_wait3A_274] : memref<8x1024xi32, #tpu.memory_space<vmem>> -> memref<1x1024xi32, #tpu.memory_space<vmem>>
        %dma_wait3A_276 = tpu.memref_squeeze %dma_wait3A_275 : memref<1x1024xi32, #tpu.memory_space<vmem>> -> memref<1024xi32, #tpu.memory_space<vmem>>
        %dma_wait3A_277 = arith.constant 0 : i32
        %dma_wait3A_278 = tpu.memref_slice %arg2[%select_n3A_72, %scan3A_271, %dma_wait3A_277] : memref<26x50x1024xi32, #tpu.memory_space<hbm>> -> memref<1x1x1024xi32, #tpu.memory_space<hbm>>
        %dma_wait3A_279 = tpu.memref_squeeze %dma_wait3A_278 : memref<1x1x1024xi32, #tpu.memory_space<hbm>> -> memref<1024xi32, #tpu.memory_space<hbm>>
        %dma_wait3A_280 = arith.constant 0 : i32
        %dma_wait3A_281 = tpu.memref_slice %arg8[%rem3A_273, %dma_wait3A_280] : memref<8x1024xi32, #tpu.memory_space<vmem>> -> memref<1x1024xi32, #tpu.memory_space<vmem>>
        %dma_wait3A_282 = tpu.memref_squeeze %dma_wait3A_281 : memref<1x1024xi32, #tpu.memory_space<vmem>> -> memref<1024xi32, #tpu.memory_space<vmem>>
        %dma_wait3A_283 = arith.constant 0 : i32
        %dma_wait3A_284 = tpu.memref_slice %arg2[%select_n3A_72, %scan3A_271, %dma_wait3A_283] : memref<26x50x1024xi32, #tpu.memory_space<hbm>> -> memref<1x1x1024xi32, #tpu.memory_space<hbm>>
        %dma_wait3A_285 = tpu.memref_squeeze %dma_wait3A_284 : memref<1x1x1024xi32, #tpu.memory_space<hbm>> -> memref<1024xi32, #tpu.memory_space<hbm>>
        tpu.wait_dma2 semaphore(%arg13 : memref<!tpu.dma_semaphore, #tpu.memory_space<semaphore_mem>>) src(%dma_wait3A_285 : memref<1024xi32, #tpu.memory_space<hbm>>) dst(%dma_wait3A_282 : memref<1024xi32, #tpu.memory_space<vmem>>)
        %ge3A = arith.constant 8 : i32
        %ge3A_286 = arith.cmpi sge, %scan3A_271, %ge3A : i32
        %convert_element_type3A_287 = arith.extui %ge3A_286 : i1 to i32
        %cond3A_288 = arith.constant 0 : i32
        %cond3A_289 = arith.cmpi ne, %convert_element_type3A_287, %cond3A_288 : i32
        scf.if %cond3A_289 {
          %dma_wait3A_756 = arith.constant 0 : i32
          %dma_wait3A_757 = arith.constant 0 : i32
          %dma_wait3A_758 = arith.constant 0 : i32
          %dma_wait3A_759 = arith.constant 0 : i32
          %dma_wait3A_760 = tpu.memref_slice %arg9[%rem3A_273, %dma_wait3A_759] : memref<8x1024xf32, #tpu.memory_space<vmem>> -> memref<1x1024xf32, #tpu.memory_space<vmem>>
          %dma_wait3A_761 = tpu.memref_squeeze %dma_wait3A_760 : memref<1x1024xf32, #tpu.memory_space<vmem>> -> memref<1024xf32, #tpu.memory_space<vmem>>
          %dma_wait3A_762 = arith.constant 0 : i32
          %dma_wait3A_763 = tpu.memref_slice %arg6[%dma_wait3A_756, %dma_wait3A_757, %dma_wait3A_758, %dma_wait3A_762] : memref<50x39x16x1024xf32, #tpu.memory_space<hbm>> -> memref<1x1x1x1024xf32, #tpu.memory_space<hbm>>
          %dma_wait3A_764 = tpu.memref_squeeze %dma_wait3A_763 : memref<1x1x1x1024xf32, #tpu.memory_space<hbm>> -> memref<1024xf32, #tpu.memory_space<hbm>>
          %dma_wait3A_765 = arith.constant 0 : i32
          %dma_wait3A_766 = tpu.memref_slice %arg6[%dma_wait3A_756, %dma_wait3A_757, %dma_wait3A_758, %dma_wait3A_765] : memref<50x39x16x1024xf32, #tpu.memory_space<hbm>> -> memref<1x1x1x1024xf32, #tpu.memory_space<hbm>>
          %dma_wait3A_767 = tpu.memref_squeeze %dma_wait3A_766 : memref<1x1x1x1024xf32, #tpu.memory_space<hbm>> -> memref<1024xf32, #tpu.memory_space<hbm>>
          %dma_wait3A_768 = arith.constant 0 : i32
          %dma_wait3A_769 = tpu.memref_slice %arg9[%rem3A_273, %dma_wait3A_768] : memref<8x1024xf32, #tpu.memory_space<vmem>> -> memref<1x1024xf32, #tpu.memory_space<vmem>>
          %dma_wait3A_770 = tpu.memref_squeeze %dma_wait3A_769 : memref<1x1024xf32, #tpu.memory_space<vmem>> -> memref<1024xf32, #tpu.memory_space<vmem>>
          tpu.wait_dma2 semaphore(%arg14 : memref<!tpu.dma_semaphore, #tpu.memory_space<semaphore_mem>>) src(%dma_wait3A_770 : memref<1024xf32, #tpu.memory_space<vmem>>) dst(%dma_wait3A_767 : memref<1024xf32, #tpu.memory_space<hbm>>)
        } else {
        }
        %get3A = arith.index_cast %rem3A_273 : i32 to index
        %get3A_290 = arith.constant 0 : index
        %get3A_291 = tpu.vector_load %arg8[%get3A, %get3A_290] {strides = array<i32>} : memref<8x1024xi32, #tpu.memory_space<vmem>>, vector<16xi32>,
        %gather3A = tpu.vector_load_idx %arg7[%get3A_291] : memref<100000xf32, #tpu.memory_space<vmem>>[vector<16xi32>], vector<16xf32>,
        %swap3A = arith.index_cast %rem3A_273 : i32 to index
        %swap3A_292 = arith.constant 0 : index
        %swap3A_293 = tpu.vector_load %arg9[%swap3A, %swap3A_292] {strides = array<i32>} : memref<8x1024xf32, #tpu.memory_space<vmem>>, vector<16xf32>,
        tpu.vector_store %arg9[%swap3A, %swap3A_292], %gather3A {strides = array<i32>} : memref<8x1024xf32, #tpu.memory_space<vmem>>, vector<16xf32>,
        %get3A_294 = arith.index_cast %rem3A_273 : i32 to index
        %get3A_295 = arith.constant 16 : index
        %get3A_296 = tpu.vector_load %arg8[%get3A_294, %get3A_295] {strides = array<i32>} : memref<8x1024xi32, #tpu.memory_space<vmem>>, vector<16xi32>,
        %gather3A_297 = tpu.vector_load_idx %arg7[%get3A_296] : memref<100000xf32, #tpu.memory_space<vmem>>[vector<16xi32>], vector<16xf32>,
        %swap3A_298 = arith.index_cast %rem3A_273 : i32 to index
        %swap3A_299 = arith.constant 16 : index
        %swap3A_300 = tpu.vector_load %arg9[%swap3A_298, %swap3A_299] {strides = array<i32>} : memref<8x1024xf32, #tpu.memory_space<vmem>>, vector<16xf32>,
        tpu.vector_store %arg9[%swap3A_298, %swap3A_299], %gather3A_297 {strides = array<i32>} : memref<8x1024xf32, #tpu.memory_space<vmem>>, vector<16xf32>,
        %get3A_301 = arith.index_cast %rem3A_273 : i32 to index
        %get3A_302 = arith.constant 32 : index
        %get3A_303 = tpu.vector_load %arg8[%get3A_301, %get3A_302] {strides = array<i32>} : memref<8x1024xi32, #tpu.memory_space<vmem>>, vector<16xi32>,
        %gather3A_304 = tpu.vector_load_idx %arg7[%get3A_303] : memref<100000xf32, #tpu.memory_space<vmem>>[vector<16xi32>], vector<16xf32>,
        %swap3A_305 = arith.index_cast %rem3A_273 : i32 to index
        %swap3A_306 = arith.constant 32 : index
        %swap3A_307 = tpu.vector_load %arg9[%swap3A_305, %swap3A_306] {strides = array<i32>} : memref<8x1024xf32, #tpu.memory_space<vmem>>, vector<16xf32>,
        tpu.vector_store %arg9[%swap3A_305, %swap3A_306], %gather3A_304 {strides = array<i32>} : memref<8x1024xf32, #tpu.memory_space<vmem>>, vector<16xf32>,
        %get3A_308 = arith.index_cast %rem3A_273 : i32 to index
        %get3A_309 = arith.constant 48 : index
        %get3A_310 = tpu.vector_load %arg8[%get3A_308, %get3A_309] {strides = array<i32>} : memref<8x1024xi32, #tpu.memory_space<vmem>>, vector<16xi32>,
        %gather3A_311 = tpu.vector_load_idx %arg7[%get3A_310] : memref<100000xf32, #tpu.memory_space<vmem>>[vector<16xi32>], vector<16xf32>,
        %swap3A_312 = arith.index_cast %rem3A_273 : i32 to index
        %swap3A_313 = arith.constant 48 : index
        %swap3A_314 = tpu.vector_load %arg9[%swap3A_312, %swap3A_313] {strides = array<i32>} : memref<8x1024xf32, #tpu.memory_space<vmem>>, vector<16xf32>,
        tpu.vector_store %arg9[%swap3A_312, %swap3A_313], %gather3A_311 {strides = array<i32>} : memref<8x1024xf32, #tpu.memory_space<vmem>>, vector<16xf32>,
        %get3A_315 = arith.index_cast %rem3A_273 : i32 to index
        %get3A_316 = arith.constant 64 : index
        %get3A_317 = tpu.vector_load %arg8[%get3A_315, %get3A_316] {strides = array<i32>} : memref<8x1024xi32, #tpu.memory_space<vmem>>, vector<16xi32>,
        %gather3A_318 = tpu.vector_load_idx %arg7[%get3A_317] : memref<100000xf32, #tpu.memory_space<vmem>>[vector<16xi32>], vector<16xf32>,
        %swap3A_319 = arith.index_cast %rem3A_273 : i32 to index
        %swap3A_320 = arith.constant 64 : index
        %swap3A_321 = tpu.vector_load %arg9[%swap3A_319, %swap3A_320] {strides = array<i32>} : memref<8x1024xf32, #tpu.memory_space<vmem>>, vector<16xf32>,
        tpu.vector_store %arg9[%swap3A_319, %swap3A_320], %gather3A_318 {strides = array<i32>} : memref<8x1024xf32, #tpu.memory_space<vmem>>, vector<16xf32>,
        %get3A_322 = arith.index_cast %rem3A_273 : i32 to index
        %get3A_323 = arith.constant 80 : index
        %get3A_324 = tpu.vector_load %arg8[%get3A_322, %get3A_323] {strides = array<i32>} : memref<8x1024xi32, #tpu.memory_space<vmem>>, vector<16xi32>,
        %gather3A_325 = tpu.vector_load_idx %arg7[%get3A_324] : memref<100000xf32, #tpu.memory_space<vmem>>[vector<16xi32>], vector<16xf32>,
        %swap3A_326 = arith.index_cast %rem3A_273 : i32 to index
        %swap3A_327 = arith.constant 80 : index
        %swap3A_328 = tpu.vector_load %arg9[%swap3A_326, %swap3A_327] {strides = array<i32>} : memref<8x1024xf32, #tpu.memory_space<vmem>>, vector<16xf32>,
        tpu.vector_store %arg9[%swap3A_326, %swap3A_327], %gather3A_325 {strides = array<i32>} : memref<8x1024xf32, #tpu.memory_space<vmem>>, vector<16xf32>,
        %get3A_329 = arith.index_cast %rem3A_273 : i32 to index
        %get3A_330 = arith.constant 96 : index
        %get3A_331 = tpu.vector_load %arg8[%get3A_329, %get3A_330] {strides = array<i32>} : memref<8x1024xi32, #tpu.memory_space<vmem>>, vector<16xi32>,
        %gather3A_332 = tpu.vector_load_idx %arg7[%get3A_331] : memref<100000xf32, #tpu.memory_space<vmem>>[vector<16xi32>], vector<16xf32>,
        %swap3A_333 = arith.index_cast %rem3A_273 : i32 to index
        %swap3A_334 = arith.constant 96 : index
        %swap3A_335 = tpu.vector_load %arg9[%swap3A_333, %swap3A_334] {strides = array<i32>} : memref<8x1024xf32, #tpu.memory_space<vmem>>, vector<16xf32>,
        tpu.vector_store %arg9[%swap3A_333, %swap3A_334], %gather3A_332 {strides = array<i32>} : memref<8x1024xf32, #tpu.memory_space<vmem>>, vector<16xf32>,
        %get3A_336 = arith.index_cast %rem3A_273 : i32 to index
        %get3A_337 = arith.constant 112 : index
        %get3A_338 = tpu.vector_load %arg8[%get3A_336, %get3A_337] {strides = array<i32>} : memref<8x1024xi32, #tpu.memory_space<vmem>>, vector<16xi32>,
        %gather3A_339 = tpu.vector_load_idx %arg7[%get3A_338] : memref<100000xf32, #tpu.memory_space<vmem>>[vector<16xi32>], vector<16xf32>,
        %swap3A_340 = arith.index_cast %rem3A_273 : i32 to index
        %swap3A_341 = arith.constant 112 : index
        %swap3A_342 = tpu.vector_load %arg9[%swap3A_340, %swap3A_341] {strides = array<i32>} : memref<8x1024xf32, #tpu.memory_space<vmem>>, vector<16xf32>,
        tpu.vector_store %arg9[%swap3A_340, %swap3A_341], %gather3A_339 {strides = array<i32>} : memref<8x1024xf32, #tpu.memory_space<vmem>>, vector<16xf32>,
        %get3A_343 = arith.index_cast %rem3A_273 : i32 to index
        %get3A_344 = arith.constant 128 : index
        %get3A_345 = tpu.vector_load %arg8[%get3A_343, %get3A_344] {strides = array<i32>} : memref<8x1024xi32, #tpu.memory_space<vmem>>, vector<16xi32>,
        %gather3A_346 = tpu.vector_load_idx %arg7[%get3A_345] : memref<100000xf32, #tpu.memory_space<vmem>>[vector<16xi32>], vector<16xf32>,
        %swap3A_347 = arith.index_cast %rem3A_273 : i32 to index
        %swap3A_348 = arith.constant 128 : index
        %swap3A_349 = tpu.vector_load %arg9[%swap3A_347, %swap3A_348] {strides = array<i32>} : memref<8x1024xf32, #tpu.memory_space<vmem>>, vector<16xf32>,
        tpu.vector_store %arg9[%swap3A_347, %swap3A_348], %gather3A_346 {strides = array<i32>} : memref<8x1024xf32, #tpu.memory_space<vmem>>, vector<16xf32>,
        %get3A_350 = arith.index_cast %rem3A_273 : i32 to index
        %get3A_351 = arith.constant 144 : index
        %get3A_352 = tpu.vector_load %arg8[%get3A_350, %get3A_351] {strides = array<i32>} : memref<8x1024xi32, #tpu.memory_space<vmem>>, vector<16xi32>,
        %gather3A_353 = tpu.vector_load_idx %arg7[%get3A_352] : memref<100000xf32, #tpu.memory_space<vmem>>[vector<16xi32>], vector<16xf32>,
        %swap3A_354 = arith.index_cast %rem3A_273 : i32 to index
        %swap3A_355 = arith.constant 144 : index
        %swap3A_356 = tpu.vector_load %arg9[%swap3A_354, %swap3A_355] {strides = array<i32>} : memref<8x1024xf32, #tpu.memory_space<vmem>>, vector<16xf32>,
        tpu.vector_store %arg9[%swap3A_354, %swap3A_355], %gather3A_353 {strides = array<i32>} : memref<8x1024xf32, #tpu.memory_space<vmem>>, vector<16xf32>,
        %get3A_357 = arith.index_cast %rem3A_273 : i32 to index
        %get3A_358 = arith.constant 160 : index
        %get3A_359 = tpu.vector_load %arg8[%get3A_357, %get3A_358] {strides = array<i32>} : memref<8x1024xi32, #tpu.memory_space<vmem>>, vector<16xi32>,
        %gather3A_360 = tpu.vector_load_idx %arg7[%get3A_359] : memref<100000xf32, #tpu.memory_space<vmem>>[vector<16xi32>], vector<16xf32>,
        %swap3A_361 = arith.index_cast %rem3A_273 : i32 to index
        %swap3A_362 = arith.constant 160 : index
        %swap3A_363 = tpu.vector_load %arg9[%swap3A_361, %swap3A_362] {strides = array<i32>} : memref<8x1024xf32, #tpu.memory_space<vmem>>, vector<16xf32>,
        tpu.vector_store %arg9[%swap3A_361, %swap3A_362], %gather3A_360 {strides = array<i32>} : memref<8x1024xf32, #tpu.memory_space<vmem>>, vector<16xf32>,
        %get3A_364 = arith.index_cast %rem3A_273 : i32 to index
        %get3A_365 = arith.constant 176 : index
        %get3A_366 = tpu.vector_load %arg8[%get3A_364, %get3A_365] {strides = array<i32>} : memref<8x1024xi32, #tpu.memory_space<vmem>>, vector<16xi32>,
        %gather3A_367 = tpu.vector_load_idx %arg7[%get3A_366] : memref<100000xf32, #tpu.memory_space<vmem>>[vector<16xi32>], vector<16xf32>,
        %swap3A_368 = arith.index_cast %rem3A_273 : i32 to index
        %swap3A_369 = arith.constant 176 : index
        %swap3A_370 = tpu.vector_load %arg9[%swap3A_368, %swap3A_369] {strides = array<i32>} : memref<8x1024xf32, #tpu.memory_space<vmem>>, vector<16xf32>,
        tpu.vector_store %arg9[%swap3A_368, %swap3A_369], %gather3A_367 {strides = array<i32>} : memref<8x1024xf32, #tpu.memory_space<vmem>>, vector<16xf32>,
        %get3A_371 = arith.index_cast %rem3A_273 : i32 to index
        %get3A_372 = arith.constant 192 : index
        %get3A_373 = tpu.vector_load %arg8[%get3A_371, %get3A_372] {strides = array<i32>} : memref<8x1024xi32, #tpu.memory_space<vmem>>, vector<16xi32>,
        %gather3A_374 = tpu.vector_load_idx %arg7[%get3A_373] : memref<100000xf32, #tpu.memory_space<vmem>>[vector<16xi32>], vector<16xf32>,
        %swap3A_375 = arith.index_cast %rem3A_273 : i32 to index
        %swap3A_376 = arith.constant 192 : index
        %swap3A_377 = tpu.vector_load %arg9[%swap3A_375, %swap3A_376] {strides = array<i32>} : memref<8x1024xf32, #tpu.memory_space<vmem>>, vector<16xf32>,
        tpu.vector_store %arg9[%swap3A_375, %swap3A_376], %gather3A_374 {strides = array<i32>} : memref<8x1024xf32, #tpu.memory_space<vmem>>, vector<16xf32>,
        %get3A_378 = arith.index_cast %rem3A_273 : i32 to index
        %get3A_379 = arith.constant 208 : index
        %get3A_380 = tpu.vector_load %arg8[%get3A_378, %get3A_379] {strides = array<i32>} : memref<8x1024xi32, #tpu.memory_space<vmem>>, vector<16xi32>,
        %gather3A_381 = tpu.vector_load_idx %arg7[%get3A_380] : memref<100000xf32, #tpu.memory_space<vmem>>[vector<16xi32>], vector<16xf32>,
        %swap3A_382 = arith.index_cast %rem3A_273 : i32 to index
        %swap3A_383 = arith.constant 208 : index
        %swap3A_384 = tpu.vector_load %arg9[%swap3A_382, %swap3A_383] {strides = array<i32>} : memref<8x1024xf32, #tpu.memory_space<vmem>>, vector<16xf32>,
        tpu.vector_store %arg9[%swap3A_382, %swap3A_383], %gather3A_381 {strides = array<i32>} : memref<8x1024xf32, #tpu.memory_space<vmem>>, vector<16xf32>,
        %get3A_385 = arith.index_cast %rem3A_273 : i32 to index
        %get3A_386 = arith.constant 224 : index
        %get3A_387 = tpu.vector_load %arg8[%get3A_385, %get3A_386] {strides = array<i32>} : memref<8x1024xi32, #tpu.memory_space<vmem>>, vector<16xi32>,
        %gather3A_388 = tpu.vector_load_idx %arg7[%get3A_387] : memref<100000xf32, #tpu.memory_space<vmem>>[vector<16xi32>], vector<16xf32>,
        %swap3A_389 = arith.index_cast %rem3A_273 : i32 to index
        %swap3A_390 = arith.constant 224 : index
        %swap3A_391 = tpu.vector_load %arg9[%swap3A_389, %swap3A_390] {strides = array<i32>} : memref<8x1024xf32, #tpu.memory_space<vmem>>, vector<16xf32>,
        tpu.vector_store %arg9[%swap3A_389, %swap3A_390], %gather3A_388 {strides = array<i32>} : memref<8x1024xf32, #tpu.memory_space<vmem>>, vector<16xf32>,
        %get3A_392 = arith.index_cast %rem3A_273 : i32 to index
        %get3A_393 = arith.constant 240 : index
        %get3A_394 = tpu.vector_load %arg8[%get3A_392, %get3A_393] {strides = array<i32>} : memref<8x1024xi32, #tpu.memory_space<vmem>>, vector<16xi32>,
        %gather3A_395 = tpu.vector_load_idx %arg7[%get3A_394] : memref<100000xf32, #tpu.memory_space<vmem>>[vector<16xi32>], vector<16xf32>,
        %swap3A_396 = arith.index_cast %rem3A_273 : i32 to index
        %swap3A_397 = arith.constant 240 : index
        %swap3A_398 = tpu.vector_load %arg9[%swap3A_396, %swap3A_397] {strides = array<i32>} : memref<8x1024xf32, #tpu.memory_space<vmem>>, vector<16xf32>,
        tpu.vector_store %arg9[%swap3A_396, %swap3A_397], %gather3A_395 {strides = array<i32>} : memref<8x1024xf32, #tpu.memory_space<vmem>>, vector<16xf32>,
        %get3A_399 = arith.index_cast %rem3A_273 : i32 to index
        %get3A_400 = arith.constant 256 : index
        %get3A_401 = tpu.vector_load %arg8[%get3A_399, %get3A_400] {strides = array<i32>} : memref<8x1024xi32, #tpu.memory_space<vmem>>, vector<16xi32>,
        %gather3A_402 = tpu.vector_load_idx %arg7[%get3A_401] : memref<100000xf32, #tpu.memory_space<vmem>>[vector<16xi32>], vector<16xf32>,
        %swap3A_403 = arith.index_cast %rem3A_273 : i32 to index
        %swap3A_404 = arith.constant 256 : index
        %swap3A_405 = tpu.vector_load %arg9[%swap3A_403, %swap3A_404] {strides = array<i32>} : memref<8x1024xf32, #tpu.memory_space<vmem>>, vector<16xf32>,
        tpu.vector_store %arg9[%swap3A_403, %swap3A_404], %gather3A_402 {strides = array<i32>} : memref<8x1024xf32, #tpu.memory_space<vmem>>, vector<16xf32>,
        %get3A_406 = arith.index_cast %rem3A_273 : i32 to index
        %get3A_407 = arith.constant 272 : index
        %get3A_408 = tpu.vector_load %arg8[%get3A_406, %get3A_407] {strides = array<i32>} : memref<8x1024xi32, #tpu.memory_space<vmem>>, vector<16xi32>,
        %gather3A_409 = tpu.vector_load_idx %arg7[%get3A_408] : memref<100000xf32, #tpu.memory_space<vmem>>[vector<16xi32>], vector<16xf32>,
        %swap3A_410 = arith.index_cast %rem3A_273 : i32 to index
        %swap3A_411 = arith.constant 272 : index
        %swap3A_412 = tpu.vector_load %arg9[%swap3A_410, %swap3A_411] {strides = array<i32>} : memref<8x1024xf32, #tpu.memory_space<vmem>>, vector<16xf32>,
        tpu.vector_store %arg9[%swap3A_410, %swap3A_411], %gather3A_409 {strides = array<i32>} : memref<8x1024xf32, #tpu.memory_space<vmem>>, vector<16xf32>,
        %get3A_413 = arith.index_cast %rem3A_273 : i32 to index
        %get3A_414 = arith.constant 288 : index
        %get3A_415 = tpu.vector_load %arg8[%get3A_413, %get3A_414] {strides = array<i32>} : memref<8x1024xi32, #tpu.memory_space<vmem>>, vector<16xi32>,
        %gather3A_416 = tpu.vector_load_idx %arg7[%get3A_415] : memref<100000xf32, #tpu.memory_space<vmem>>[vector<16xi32>], vector<16xf32>,
        %swap3A_417 = arith.index_cast %rem3A_273 : i32 to index
        %swap3A_418 = arith.constant 288 : index
        %swap3A_419 = tpu.vector_load %arg9[%swap3A_417, %swap3A_418] {strides = array<i32>} : memref<8x1024xf32, #tpu.memory_space<vmem>>, vector<16xf32>,
        tpu.vector_store %arg9[%swap3A_417, %swap3A_418], %gather3A_416 {strides = array<i32>} : memref<8x1024xf32, #tpu.memory_space<vmem>>, vector<16xf32>,
        %get3A_420 = arith.index_cast %rem3A_273 : i32 to index
        %get3A_421 = arith.constant 304 : index
        %get3A_422 = tpu.vector_load %arg8[%get3A_420, %get3A_421] {strides = array<i32>} : memref<8x1024xi32, #tpu.memory_space<vmem>>, vector<16xi32>,
        %gather3A_423 = tpu.vector_load_idx %arg7[%get3A_422] : memref<100000xf32, #tpu.memory_space<vmem>>[vector<16xi32>], vector<16xf32>,
        %swap3A_424 = arith.index_cast %rem3A_273 : i32 to index
        %swap3A_425 = arith.constant 304 : index
        %swap3A_426 = tpu.vector_load %arg9[%swap3A_424, %swap3A_425] {strides = array<i32>} : memref<8x1024xf32, #tpu.memory_space<vmem>>, vector<16xf32>,
        tpu.vector_store %arg9[%swap3A_424, %swap3A_425], %gather3A_423 {strides = array<i32>} : memref<8x1024xf32, #tpu.memory_space<vmem>>, vector<16xf32>,
        %get3A_427 = arith.index_cast %rem3A_273 : i32 to index
        %get3A_428 = arith.constant 320 : index
        %get3A_429 = tpu.vector_load %arg8[%get3A_427, %get3A_428] {strides = array<i32>} : memref<8x1024xi32, #tpu.memory_space<vmem>>, vector<16xi32>,
        %gather3A_430 = tpu.vector_load_idx %arg7[%get3A_429] : memref<100000xf32, #tpu.memory_space<vmem>>[vector<16xi32>], vector<16xf32>,
        %swap3A_431 = arith.index_cast %rem3A_273 : i32 to index
        %swap3A_432 = arith.constant 320 : index
        %swap3A_433 = tpu.vector_load %arg9[%swap3A_431, %swap3A_432] {strides = array<i32>} : memref<8x1024xf32, #tpu.memory_space<vmem>>, vector<16xf32>,
        tpu.vector_store %arg9[%swap3A_431, %swap3A_432], %gather3A_430 {strides = array<i32>} : memref<8x1024xf32, #tpu.memory_space<vmem>>, vector<16xf32>,
        %get3A_434 = arith.index_cast %rem3A_273 : i32 to index
        %get3A_435 = arith.constant 336 : index
        %get3A_436 = tpu.vector_load %arg8[%get3A_434, %get3A_435] {strides = array<i32>} : memref<8x1024xi32, #tpu.memory_space<vmem>>, vector<16xi32>,
        %gather3A_437 = tpu.vector_load_idx %arg7[%get3A_436] : memref<100000xf32, #tpu.memory_space<vmem>>[vector<16xi32>], vector<16xf32>,
        %swap3A_438 = arith.index_cast %rem3A_273 : i32 to index
        %swap3A_439 = arith.constant 336 : index
        %swap3A_440 = tpu.vector_load %arg9[%swap3A_438, %swap3A_439] {strides = array<i32>} : memref<8x1024xf32, #tpu.memory_space<vmem>>, vector<16xf32>,
        tpu.vector_store %arg9[%swap3A_438, %swap3A_439], %gather3A_437 {strides = array<i32>} : memref<8x1024xf32, #tpu.memory_space<vmem>>, vector<16xf32>,
        %get3A_441 = arith.index_cast %rem3A_273 : i32 to index
        %get3A_442 = arith.constant 352 : index
        %get3A_443 = tpu.vector_load %arg8[%get3A_441, %get3A_442] {strides = array<i32>} : memref<8x1024xi32, #tpu.memory_space<vmem>>, vector<16xi32>,
        %gather3A_444 = tpu.vector_load_idx %arg7[%get3A_443] : memref<100000xf32, #tpu.memory_space<vmem>>[vector<16xi32>], vector<16xf32>,
        %swap3A_445 = arith.index_cast %rem3A_273 : i32 to index
        %swap3A_446 = arith.constant 352 : index
        %swap3A_447 = tpu.vector_load %arg9[%swap3A_445, %swap3A_446] {strides = array<i32>} : memref<8x1024xf32, #tpu.memory_space<vmem>>, vector<16xf32>,
        tpu.vector_store %arg9[%swap3A_445, %swap3A_446], %gather3A_444 {strides = array<i32>} : memref<8x1024xf32, #tpu.memory_space<vmem>>, vector<16xf32>,
        %get3A_448 = arith.index_cast %rem3A_273 : i32 to index
        %get3A_449 = arith.constant 368 : index
        %get3A_450 = tpu.vector_load %arg8[%get3A_448, %get3A_449] {strides = array<i32>} : memref<8x1024xi32, #tpu.memory_space<vmem>>, vector<16xi32>,
        %gather3A_451 = tpu.vector_load_idx %arg7[%get3A_450] : memref<100000xf32, #tpu.memory_space<vmem>>[vector<16xi32>], vector<16xf32>,
        %swap3A_452 = arith.index_cast %rem3A_273 : i32 to index
        %swap3A_453 = arith.constant 368 : index
        %swap3A_454 = tpu.vector_load %arg9[%swap3A_452, %swap3A_453] {strides = array<i32>} : memref<8x1024xf32, #tpu.memory_space<vmem>>, vector<16xf32>,
        tpu.vector_store %arg9[%swap3A_452, %swap3A_453], %gather3A_451 {strides = array<i32>} : memref<8x1024xf32, #tpu.memory_space<vmem>>, vector<16xf32>,
        %get3A_455 = arith.index_cast %rem3A_273 : i32 to index
        %get3A_456 = arith.constant 384 : index
        %get3A_457 = tpu.vector_load %arg8[%get3A_455, %get3A_456] {strides = array<i32>} : memref<8x1024xi32, #tpu.memory_space<vmem>>, vector<16xi32>,
        %gather3A_458 = tpu.vector_load_idx %arg7[%get3A_457] : memref<100000xf32, #tpu.memory_space<vmem>>[vector<16xi32>], vector<16xf32>,
        %swap3A_459 = arith.index_cast %rem3A_273 : i32 to index
        %swap3A_460 = arith.constant 384 : index
        %swap3A_461 = tpu.vector_load %arg9[%swap3A_459, %swap3A_460] {strides = array<i32>} : memref<8x1024xf32, #tpu.memory_space<vmem>>, vector<16xf32>,
        tpu.vector_store %arg9[%swap3A_459, %swap3A_460], %gather3A_458 {strides = array<i32>} : memref<8x1024xf32, #tpu.memory_space<vmem>>, vector<16xf32>,
        %get3A_462 = arith.index_cast %rem3A_273 : i32 to index
        %get3A_463 = arith.constant 400 : index
        %get3A_464 = tpu.vector_load %arg8[%get3A_462, %get3A_463] {strides = array<i32>} : memref<8x1024xi32, #tpu.memory_space<vmem>>, vector<16xi32>,
        %gather3A_465 = tpu.vector_load_idx %arg7[%get3A_464] : memref<100000xf32, #tpu.memory_space<vmem>>[vector<16xi32>], vector<16xf32>,
        %swap3A_466 = arith.index_cast %rem3A_273 : i32 to index
        %swap3A_467 = arith.constant 400 : index
        %swap3A_468 = tpu.vector_load %arg9[%swap3A_466, %swap3A_467] {strides = array<i32>} : memref<8x1024xf32, #tpu.memory_space<vmem>>, vector<16xf32>,
        tpu.vector_store %arg9[%swap3A_466, %swap3A_467], %gather3A_465 {strides = array<i32>} : memref<8x1024xf32, #tpu.memory_space<vmem>>, vector<16xf32>,
        %get3A_469 = arith.index_cast %rem3A_273 : i32 to index
        %get3A_470 = arith.constant 416 : index
        %get3A_471 = tpu.vector_load %arg8[%get3A_469, %get3A_470] {strides = array<i32>} : memref<8x1024xi32, #tpu.memory_space<vmem>>, vector<16xi32>,
        %gather3A_472 = tpu.vector_load_idx %arg7[%get3A_471] : memref<100000xf32, #tpu.memory_space<vmem>>[vector<16xi32>], vector<16xf32>,
        %swap3A_473 = arith.index_cast %rem3A_273 : i32 to index
        %swap3A_474 = arith.constant 416 : index
        %swap3A_475 = tpu.vector_load %arg9[%swap3A_473, %swap3A_474] {strides = array<i32>} : memref<8x1024xf32, #tpu.memory_space<vmem>>, vector<16xf32>,
        tpu.vector_store %arg9[%swap3A_473, %swap3A_474], %gather3A_472 {strides = array<i32>} : memref<8x1024xf32, #tpu.memory_space<vmem>>, vector<16xf32>,
        %get3A_476 = arith.index_cast %rem3A_273 : i32 to index
        %get3A_477 = arith.constant 432 : index
        %get3A_478 = tpu.vector_load %arg8[%get3A_476, %get3A_477] {strides = array<i32>} : memref<8x1024xi32, #tpu.memory_space<vmem>>, vector<16xi32>,
        %gather3A_479 = tpu.vector_load_idx %arg7[%get3A_478] : memref<100000xf32, #tpu.memory_space<vmem>>[vector<16xi32>], vector<16xf32>,
        %swap3A_480 = arith.index_cast %rem3A_273 : i32 to index
        %swap3A_481 = arith.constant 432 : index
        %swap3A_482 = tpu.vector_load %arg9[%swap3A_480, %swap3A_481] {strides = array<i32>} : memref<8x1024xf32, #tpu.memory_space<vmem>>, vector<16xf32>,
        tpu.vector_store %arg9[%swap3A_480, %swap3A_481], %gather3A_479 {strides = array<i32>} : memref<8x1024xf32, #tpu.memory_space<vmem>>, vector<16xf32>,
        %get3A_483 = arith.index_cast %rem3A_273 : i32 to index
        %get3A_484 = arith.constant 448 : index
        %get3A_485 = tpu.vector_load %arg8[%get3A_483, %get3A_484] {strides = array<i32>} : memref<8x1024xi32, #tpu.memory_space<vmem>>, vector<16xi32>,
        %gather3A_486 = tpu.vector_load_idx %arg7[%get3A_485] : memref<100000xf32, #tpu.memory_space<vmem>>[vector<16xi32>], vector<16xf32>,
        %swap3A_487 = arith.index_cast %rem3A_273 : i32 to index
        %swap3A_488 = arith.constant 448 : index
        %swap3A_489 = tpu.vector_load %arg9[%swap3A_487, %swap3A_488] {strides = array<i32>} : memref<8x1024xf32, #tpu.memory_space<vmem>>, vector<16xf32>,
        tpu.vector_store %arg9[%swap3A_487, %swap3A_488], %gather3A_486 {strides = array<i32>} : memref<8x1024xf32, #tpu.memory_space<vmem>>, vector<16xf32>,
        %get3A_490 = arith.index_cast %rem3A_273 : i32 to index
        %get3A_491 = arith.constant 464 : index
        %get3A_492 = tpu.vector_load %arg8[%get3A_490, %get3A_491] {strides = array<i32>} : memref<8x1024xi32, #tpu.memory_space<vmem>>, vector<16xi32>,
        %gather3A_493 = tpu.vector_load_idx %arg7[%get3A_492] : memref<100000xf32, #tpu.memory_space<vmem>>[vector<16xi32>], vector<16xf32>,
        %swap3A_494 = arith.index_cast %rem3A_273 : i32 to index
        %swap3A_495 = arith.constant 464 : index
        %swap3A_496 = tpu.vector_load %arg9[%swap3A_494, %swap3A_495] {strides = array<i32>} : memref<8x1024xf32, #tpu.memory_space<vmem>>, vector<16xf32>,
        tpu.vector_store %arg9[%swap3A_494, %swap3A_495], %gather3A_493 {strides = array<i32>} : memref<8x1024xf32, #tpu.memory_space<vmem>>, vector<16xf32>,
        %get3A_497 = arith.index_cast %rem3A_273 : i32 to index
        %get3A_498 = arith.constant 480 : index
        %get3A_499 = tpu.vector_load %arg8[%get3A_497, %get3A_498] {strides = array<i32>} : memref<8x1024xi32, #tpu.memory_space<vmem>>, vector<16xi32>,
        %gather3A_500 = tpu.vector_load_idx %arg7[%get3A_499] : memref<100000xf32, #tpu.memory_space<vmem>>[vector<16xi32>], vector<16xf32>,
        %swap3A_501 = arith.index_cast %rem3A_273 : i32 to index
        %swap3A_502 = arith.constant 480 : index
        %swap3A_503 = tpu.vector_load %arg9[%swap3A_501, %swap3A_502] {strides = array<i32>} : memref<8x1024xf32, #tpu.memory_space<vmem>>, vector<16xf32>,
        tpu.vector_store %arg9[%swap3A_501, %swap3A_502], %gather3A_500 {strides = array<i32>} : memref<8x1024xf32, #tpu.memory_space<vmem>>, vector<16xf32>,
        %get3A_504 = arith.index_cast %rem3A_273 : i32 to index
        %get3A_505 = arith.constant 496 : index
        %get3A_506 = tpu.vector_load %arg8[%get3A_504, %get3A_505] {strides = array<i32>} : memref<8x1024xi32, #tpu.memory_space<vmem>>, vector<16xi32>,
        %gather3A_507 = tpu.vector_load_idx %arg7[%get3A_506] : memref<100000xf32, #tpu.memory_space<vmem>>[vector<16xi32>], vector<16xf32>,
        %swap3A_508 = arith.index_cast %rem3A_273 : i32 to index
        %swap3A_509 = arith.constant 496 : index
        %swap3A_510 = tpu.vector_load %arg9[%swap3A_508, %swap3A_509] {strides = array<i32>} : memref<8x1024xf32, #tpu.memory_space<vmem>>, vector<16xf32>,
        tpu.vector_store %arg9[%swap3A_508, %swap3A_509], %gather3A_507 {strides = array<i32>} : memref<8x1024xf32, #tpu.memory_space<vmem>>, vector<16xf32>,
        %get3A_511 = arith.index_cast %rem3A_273 : i32 to index
        %get3A_512 = arith.constant 512 : index
        %get3A_513 = tpu.vector_load %arg8[%get3A_511, %get3A_512] {strides = array<i32>} : memref<8x1024xi32, #tpu.memory_space<vmem>>, vector<16xi32>,
        %gather3A_514 = tpu.vector_load_idx %arg7[%get3A_513] : memref<100000xf32, #tpu.memory_space<vmem>>[vector<16xi32>], vector<16xf32>,
        %swap3A_515 = arith.index_cast %rem3A_273 : i32 to index
        %swap3A_516 = arith.constant 512 : index
        %swap3A_517 = tpu.vector_load %arg9[%swap3A_515, %swap3A_516] {strides = array<i32>} : memref<8x1024xf32, #tpu.memory_space<vmem>>, vector<16xf32>,
        tpu.vector_store %arg9[%swap3A_515, %swap3A_516], %gather3A_514 {strides = array<i32>} : memref<8x1024xf32, #tpu.memory_space<vmem>>, vector<16xf32>,
        %get3A_518 = arith.index_cast %rem3A_273 : i32 to index
        %get3A_519 = arith.constant 528 : index
        %get3A_520 = tpu.vector_load %arg8[%get3A_518, %get3A_519] {strides = array<i32>} : memref<8x1024xi32, #tpu.memory_space<vmem>>, vector<16xi32>,
        %gather3A_521 = tpu.vector_load_idx %arg7[%get3A_520] : memref<100000xf32, #tpu.memory_space<vmem>>[vector<16xi32>], vector<16xf32>,
        %swap3A_522 = arith.index_cast %rem3A_273 : i32 to index
        %swap3A_523 = arith.constant 528 : index
        %swap3A_524 = tpu.vector_load %arg9[%swap3A_522, %swap3A_523] {strides = array<i32>} : memref<8x1024xf32, #tpu.memory_space<vmem>>, vector<16xf32>,
        tpu.vector_store %arg9[%swap3A_522, %swap3A_523], %gather3A_521 {strides = array<i32>} : memref<8x1024xf32, #tpu.memory_space<vmem>>, vector<16xf32>,
        %get3A_525 = arith.index_cast %rem3A_273 : i32 to index
        %get3A_526 = arith.constant 544 : index
        %get3A_527 = tpu.vector_load %arg8[%get3A_525, %get3A_526] {strides = array<i32>} : memref<8x1024xi32, #tpu.memory_space<vmem>>, vector<16xi32>,
        %gather3A_528 = tpu.vector_load_idx %arg7[%get3A_527] : memref<100000xf32, #tpu.memory_space<vmem>>[vector<16xi32>], vector<16xf32>,
        %swap3A_529 = arith.index_cast %rem3A_273 : i32 to index
        %swap3A_530 = arith.constant 544 : index
        %swap3A_531 = tpu.vector_load %arg9[%swap3A_529, %swap3A_530] {strides = array<i32>} : memref<8x1024xf32, #tpu.memory_space<vmem>>, vector<16xf32>,
        tpu.vector_store %arg9[%swap3A_529, %swap3A_530], %gather3A_528 {strides = array<i32>} : memref<8x1024xf32, #tpu.memory_space<vmem>>, vector<16xf32>,
        %get3A_532 = arith.index_cast %rem3A_273 : i32 to index
        %get3A_533 = arith.constant 560 : index
        %get3A_534 = tpu.vector_load %arg8[%get3A_532, %get3A_533] {strides = array<i32>} : memref<8x1024xi32, #tpu.memory_space<vmem>>, vector<16xi32>,
        %gather3A_535 = tpu.vector_load_idx %arg7[%get3A_534] : memref<100000xf32, #tpu.memory_space<vmem>>[vector<16xi32>], vector<16xf32>,
        %swap3A_536 = arith.index_cast %rem3A_273 : i32 to index
        %swap3A_537 = arith.constant 560 : index
        %swap3A_538 = tpu.vector_load %arg9[%swap3A_536, %swap3A_537] {strides = array<i32>} : memref<8x1024xf32, #tpu.memory_space<vmem>>, vector<16xf32>,
        tpu.vector_store %arg9[%swap3A_536, %swap3A_537], %gather3A_535 {strides = array<i32>} : memref<8x1024xf32, #tpu.memory_space<vmem>>, vector<16xf32>,
        %get3A_539 = arith.index_cast %rem3A_273 : i32 to index
        %get3A_540 = arith.constant 576 : index
        %get3A_541 = tpu.vector_load %arg8[%get3A_539, %get3A_540] {strides = array<i32>} : memref<8x1024xi32, #tpu.memory_space<vmem>>, vector<16xi32>,
        %gather3A_542 = tpu.vector_load_idx %arg7[%get3A_541] : memref<100000xf32, #tpu.memory_space<vmem>>[vector<16xi32>], vector<16xf32>,
        %swap3A_543 = arith.index_cast %rem3A_273 : i32 to index
        %swap3A_544 = arith.constant 576 : index
        %swap3A_545 = tpu.vector_load %arg9[%swap3A_543, %swap3A_544] {strides = array<i32>} : memref<8x1024xf32, #tpu.memory_space<vmem>>, vector<16xf32>,
        tpu.vector_store %arg9[%swap3A_543, %swap3A_544], %gather3A_542 {strides = array<i32>} : memref<8x1024xf32, #tpu.memory_space<vmem>>, vector<16xf32>,
        %get3A_546 = arith.index_cast %rem3A_273 : i32 to index
        %get3A_547 = arith.constant 592 : index
        %get3A_548 = tpu.vector_load %arg8[%get3A_546, %get3A_547] {strides = array<i32>} : memref<8x1024xi32, #tpu.memory_space<vmem>>, vector<16xi32>,
        %gather3A_549 = tpu.vector_load_idx %arg7[%get3A_548] : memref<100000xf32, #tpu.memory_space<vmem>>[vector<16xi32>], vector<16xf32>,
        %swap3A_550 = arith.index_cast %rem3A_273 : i32 to index
        %swap3A_551 = arith.constant 592 : index
        %swap3A_552 = tpu.vector_load %arg9[%swap3A_550, %swap3A_551] {strides = array<i32>} : memref<8x1024xf32, #tpu.memory_space<vmem>>, vector<16xf32>,
        tpu.vector_store %arg9[%swap3A_550, %swap3A_551], %gather3A_549 {strides = array<i32>} : memref<8x1024xf32, #tpu.memory_space<vmem>>, vector<16xf32>,
        %get3A_553 = arith.index_cast %rem3A_273 : i32 to index
        %get3A_554 = arith.constant 608 : index
        %get3A_555 = tpu.vector_load %arg8[%get3A_553, %get3A_554] {strides = array<i32>} : memref<8x1024xi32, #tpu.memory_space<vmem>>, vector<16xi32>,
        %gather3A_556 = tpu.vector_load_idx %arg7[%get3A_555] : memref<100000xf32, #tpu.memory_space<vmem>>[vector<16xi32>], vector<16xf32>,
        %swap3A_557 = arith.index_cast %rem3A_273 : i32 to index
        %swap3A_558 = arith.constant 608 : index
        %swap3A_559 = tpu.vector_load %arg9[%swap3A_557, %swap3A_558] {strides = array<i32>} : memref<8x1024xf32, #tpu.memory_space<vmem>>, vector<16xf32>,
        tpu.vector_store %arg9[%swap3A_557, %swap3A_558], %gather3A_556 {strides = array<i32>} : memref<8x1024xf32, #tpu.memory_space<vmem>>, vector<16xf32>,
        %get3A_560 = arith.index_cast %rem3A_273 : i32 to index
        %get3A_561 = arith.constant 624 : index
        %get3A_562 = tpu.vector_load %arg8[%get3A_560, %get3A_561] {strides = array<i32>} : memref<8x1024xi32, #tpu.memory_space<vmem>>, vector<16xi32>,
        %gather3A_563 = tpu.vector_load_idx %arg7[%get3A_562] : memref<100000xf32, #tpu.memory_space<vmem>>[vector<16xi32>], vector<16xf32>,
        %swap3A_564 = arith.index_cast %rem3A_273 : i32 to index
        %swap3A_565 = arith.constant 624 : index
        %swap3A_566 = tpu.vector_load %arg9[%swap3A_564, %swap3A_565] {strides = array<i32>} : memref<8x1024xf32, #tpu.memory_space<vmem>>, vector<16xf32>,
        tpu.vector_store %arg9[%swap3A_564, %swap3A_565], %gather3A_563 {strides = array<i32>} : memref<8x1024xf32, #tpu.memory_space<vmem>>, vector<16xf32>,
        %get3A_567 = arith.index_cast %rem3A_273 : i32 to index
        %get3A_568 = arith.constant 640 : index
        %get3A_569 = tpu.vector_load %arg8[%get3A_567, %get3A_568] {strides = array<i32>} : memref<8x1024xi32, #tpu.memory_space<vmem>>, vector<16xi32>,
        %gather3A_570 = tpu.vector_load_idx %arg7[%get3A_569] : memref<100000xf32, #tpu.memory_space<vmem>>[vector<16xi32>], vector<16xf32>,
        %swap3A_571 = arith.index_cast %rem3A_273 : i32 to index
        %swap3A_572 = arith.constant 640 : index
        %swap3A_573 = tpu.vector_load %arg9[%swap3A_571, %swap3A_572] {strides = array<i32>} : memref<8x1024xf32, #tpu.memory_space<vmem>>, vector<16xf32>,
        tpu.vector_store %arg9[%swap3A_571, %swap3A_572], %gather3A_570 {strides = array<i32>} : memref<8x1024xf32, #tpu.memory_space<vmem>>, vector<16xf32>,
        %get3A_574 = arith.index_cast %rem3A_273 : i32 to index
        %get3A_575 = arith.constant 656 : index
        %get3A_576 = tpu.vector_load %arg8[%get3A_574, %get3A_575] {strides = array<i32>} : memref<8x1024xi32, #tpu.memory_space<vmem>>, vector<16xi32>,
        %gather3A_577 = tpu.vector_load_idx %arg7[%get3A_576] : memref<100000xf32, #tpu.memory_space<vmem>>[vector<16xi32>], vector<16xf32>,
        %swap3A_578 = arith.index_cast %rem3A_273 : i32 to index
        %swap3A_579 = arith.constant 656 : index
        %swap3A_580 = tpu.vector_load %arg9[%swap3A_578, %swap3A_579] {strides = array<i32>} : memref<8x1024xf32, #tpu.memory_space<vmem>>, vector<16xf32>,
        tpu.vector_store %arg9[%swap3A_578, %swap3A_579], %gather3A_577 {strides = array<i32>} : memref<8x1024xf32, #tpu.memory_space<vmem>>, vector<16xf32>,
        %get3A_581 = arith.index_cast %rem3A_273 : i32 to index
        %get3A_582 = arith.constant 672 : index
        %get3A_583 = tpu.vector_load %arg8[%get3A_581, %get3A_582] {strides = array<i32>} : memref<8x1024xi32, #tpu.memory_space<vmem>>, vector<16xi32>,
        %gather3A_584 = tpu.vector_load_idx %arg7[%get3A_583] : memref<100000xf32, #tpu.memory_space<vmem>>[vector<16xi32>], vector<16xf32>,
        %swap3A_585 = arith.index_cast %rem3A_273 : i32 to index
        %swap3A_586 = arith.constant 672 : index
        %swap3A_587 = tpu.vector_load %arg9[%swap3A_585, %swap3A_586] {strides = array<i32>} : memref<8x1024xf32, #tpu.memory_space<vmem>>, vector<16xf32>,
        tpu.vector_store %arg9[%swap3A_585, %swap3A_586], %gather3A_584 {strides = array<i32>} : memref<8x1024xf32, #tpu.memory_space<vmem>>, vector<16xf32>,
        %get3A_588 = arith.index_cast %rem3A_273 : i32 to index
        %get3A_589 = arith.constant 688 : index
        %get3A_590 = tpu.vector_load %arg8[%get3A_588, %get3A_589] {strides = array<i32>} : memref<8x1024xi32, #tpu.memory_space<vmem>>, vector<16xi32>,
        %gather3A_591 = tpu.vector_load_idx %arg7[%get3A_590] : memref<100000xf32, #tpu.memory_space<vmem>>[vector<16xi32>], vector<16xf32>,
        %swap3A_592 = arith.index_cast %rem3A_273 : i32 to index
        %swap3A_593 = arith.constant 688 : index
        %swap3A_594 = tpu.vector_load %arg9[%swap3A_592, %swap3A_593] {strides = array<i32>} : memref<8x1024xf32, #tpu.memory_space<vmem>>, vector<16xf32>,
        tpu.vector_store %arg9[%swap3A_592, %swap3A_593], %gather3A_591 {strides = array<i32>} : memref<8x1024xf32, #tpu.memory_space<vmem>>, vector<16xf32>,
        %get3A_595 = arith.index_cast %rem3A_273 : i32 to index
        %get3A_596 = arith.constant 704 : index
        %get3A_597 = tpu.vector_load %arg8[%get3A_595, %get3A_596] {strides = array<i32>} : memref<8x1024xi32, #tpu.memory_space<vmem>>, vector<16xi32>,
        %gather3A_598 = tpu.vector_load_idx %arg7[%get3A_597] : memref<100000xf32, #tpu.memory_space<vmem>>[vector<16xi32>], vector<16xf32>,
        %swap3A_599 = arith.index_cast %rem3A_273 : i32 to index
        %swap3A_600 = arith.constant 704 : index
        %swap3A_601 = tpu.vector_load %arg9[%swap3A_599, %swap3A_600] {strides = array<i32>} : memref<8x1024xf32, #tpu.memory_space<vmem>>, vector<16xf32>,
        tpu.vector_store %arg9[%swap3A_599, %swap3A_600], %gather3A_598 {strides = array<i32>} : memref<8x1024xf32, #tpu.memory_space<vmem>>, vector<16xf32>,
        %get3A_602 = arith.index_cast %rem3A_273 : i32 to index
        %get3A_603 = arith.constant 720 : index
        %get3A_604 = tpu.vector_load %arg8[%get3A_602, %get3A_603] {strides = array<i32>} : memref<8x1024xi32, #tpu.memory_space<vmem>>, vector<16xi32>,
        %gather3A_605 = tpu.vector_load_idx %arg7[%get3A_604] : memref<100000xf32, #tpu.memory_space<vmem>>[vector<16xi32>], vector<16xf32>,
        %swap3A_606 = arith.index_cast %rem3A_273 : i32 to index
        %swap3A_607 = arith.constant 720 : index
        %swap3A_608 = tpu.vector_load %arg9[%swap3A_606, %swap3A_607] {strides = array<i32>} : memref<8x1024xf32, #tpu.memory_space<vmem>>, vector<16xf32>,
        tpu.vector_store %arg9[%swap3A_606, %swap3A_607], %gather3A_605 {strides = array<i32>} : memref<8x1024xf32, #tpu.memory_space<vmem>>, vector<16xf32>,
        %get3A_609 = arith.index_cast %rem3A_273 : i32 to index
        %get3A_610 = arith.constant 736 : index
        %get3A_611 = tpu.vector_load %arg8[%get3A_609, %get3A_610] {strides = array<i32>} : memref<8x1024xi32, #tpu.memory_space<vmem>>, vector<16xi32>,
        %gather3A_612 = tpu.vector_load_idx %arg7[%get3A_611] : memref<100000xf32, #tpu.memory_space<vmem>>[vector<16xi32>], vector<16xf32>,
        %swap3A_613 = arith.index_cast %rem3A_273 : i32 to index
        %swap3A_614 = arith.constant 736 : index
        %swap3A_615 = tpu.vector_load %arg9[%swap3A_613, %swap3A_614] {strides = array<i32>} : memref<8x1024xf32, #tpu.memory_space<vmem>>, vector<16xf32>,
        tpu.vector_store %arg9[%swap3A_613, %swap3A_614], %gather3A_612 {strides = array<i32>} : memref<8x1024xf32, #tpu.memory_space<vmem>>, vector<16xf32>,
        %get3A_616 = arith.index_cast %rem3A_273 : i32 to index
        %get3A_617 = arith.constant 752 : index
        %get3A_618 = tpu.vector_load %arg8[%get3A_616, %get3A_617] {strides = array<i32>} : memref<8x1024xi32, #tpu.memory_space<vmem>>, vector<16xi32>,
        %gather3A_619 = tpu.vector_load_idx %arg7[%get3A_618] : memref<100000xf32, #tpu.memory_space<vmem>>[vector<16xi32>], vector<16xf32>,
        %swap3A_620 = arith.index_cast %rem3A_273 : i32 to index
        %swap3A_621 = arith.constant 752 : index
        %swap3A_622 = tpu.vector_load %arg9[%swap3A_620, %swap3A_621] {strides = array<i32>} : memref<8x1024xf32, #tpu.memory_space<vmem>>, vector<16xf32>,
        tpu.vector_store %arg9[%swap3A_620, %swap3A_621], %gather3A_619 {strides = array<i32>} : memref<8x1024xf32, #tpu.memory_space<vmem>>, vector<16xf32>,
        %get3A_623 = arith.index_cast %rem3A_273 : i32 to index
        %get3A_624 = arith.constant 768 : index
        %get3A_625 = tpu.vector_load %arg8[%get3A_623, %get3A_624] {strides = array<i32>} : memref<8x1024xi32, #tpu.memory_space<vmem>>, vector<16xi32>,
        %gather3A_626 = tpu.vector_load_idx %arg7[%get3A_625] : memref<100000xf32, #tpu.memory_space<vmem>>[vector<16xi32>], vector<16xf32>,
        %swap3A_627 = arith.index_cast %rem3A_273 : i32 to index
        %swap3A_628 = arith.constant 768 : index
        %swap3A_629 = tpu.vector_load %arg9[%swap3A_627, %swap3A_628] {strides = array<i32>} : memref<8x1024xf32, #tpu.memory_space<vmem>>, vector<16xf32>,
        tpu.vector_store %arg9[%swap3A_627, %swap3A_628], %gather3A_626 {strides = array<i32>} : memref<8x1024xf32, #tpu.memory_space<vmem>>, vector<16xf32>,
        %get3A_630 = arith.index_cast %rem3A_273 : i32 to index
        %get3A_631 = arith.constant 784 : index
        %get3A_632 = tpu.vector_load %arg8[%get3A_630, %get3A_631] {strides = array<i32>} : memref<8x1024xi32, #tpu.memory_space<vmem>>, vector<16xi32>,
        %gather3A_633 = tpu.vector_load_idx %arg7[%get3A_632] : memref<100000xf32, #tpu.memory_space<vmem>>[vector<16xi32>], vector<16xf32>,
        %swap3A_634 = arith.index_cast %rem3A_273 : i32 to index
        %swap3A_635 = arith.constant 784 : index
        %swap3A_636 = tpu.vector_load %arg9[%swap3A_634, %swap3A_635] {strides = array<i32>} : memref<8x1024xf32, #tpu.memory_space<vmem>>, vector<16xf32>,
        tpu.vector_store %arg9[%swap3A_634, %swap3A_635], %gather3A_633 {strides = array<i32>} : memref<8x1024xf32, #tpu.memory_space<vmem>>, vector<16xf32>,
        %get3A_637 = arith.index_cast %rem3A_273 : i32 to index
        %get3A_638 = arith.constant 800 : index
        %get3A_639 = tpu.vector_load %arg8[%get3A_637, %get3A_638] {strides = array<i32>} : memref<8x1024xi32, #tpu.memory_space<vmem>>, vector<16xi32>,
        %gather3A_640 = tpu.vector_load_idx %arg7[%get3A_639] : memref<100000xf32, #tpu.memory_space<vmem>>[vector<16xi32>], vector<16xf32>,
        %swap3A_641 = arith.index_cast %rem3A_273 : i32 to index
        %swap3A_642 = arith.constant 800 : index
        %swap3A_643 = tpu.vector_load %arg9[%swap3A_641, %swap3A_642] {strides = array<i32>} : memref<8x1024xf32, #tpu.memory_space<vmem>>, vector<16xf32>,
        tpu.vector_store %arg9[%swap3A_641, %swap3A_642], %gather3A_640 {strides = array<i32>} : memref<8x1024xf32, #tpu.memory_space<vmem>>, vector<16xf32>,
        %get3A_644 = arith.index_cast %rem3A_273 : i32 to index
        %get3A_645 = arith.constant 816 : index
        %get3A_646 = tpu.vector_load %arg8[%get3A_644, %get3A_645] {strides = array<i32>} : memref<8x1024xi32, #tpu.memory_space<vmem>>, vector<16xi32>,
        %gather3A_647 = tpu.vector_load_idx %arg7[%get3A_646] : memref<100000xf32, #tpu.memory_space<vmem>>[vector<16xi32>], vector<16xf32>,
        %swap3A_648 = arith.index_cast %rem3A_273 : i32 to index
        %swap3A_649 = arith.constant 816 : index
        %swap3A_650 = tpu.vector_load %arg9[%swap3A_648, %swap3A_649] {strides = array<i32>} : memref<8x1024xf32, #tpu.memory_space<vmem>>, vector<16xf32>,
        tpu.vector_store %arg9[%swap3A_648, %swap3A_649], %gather3A_647 {strides = array<i32>} : memref<8x1024xf32, #tpu.memory_space<vmem>>, vector<16xf32>,
        %get3A_651 = arith.index_cast %rem3A_273 : i32 to index
        %get3A_652 = arith.constant 832 : index
        %get3A_653 = tpu.vector_load %arg8[%get3A_651, %get3A_652] {strides = array<i32>} : memref<8x1024xi32, #tpu.memory_space<vmem>>, vector<16xi32>,
        %gather3A_654 = tpu.vector_load_idx %arg7[%get3A_653] : memref<100000xf32, #tpu.memory_space<vmem>>[vector<16xi32>], vector<16xf32>,
        %swap3A_655 = arith.index_cast %rem3A_273 : i32 to index
        %swap3A_656 = arith.constant 832 : index
        %swap3A_657 = tpu.vector_load %arg9[%swap3A_655, %swap3A_656] {strides = array<i32>} : memref<8x1024xf32, #tpu.memory_space<vmem>>, vector<16xf32>,
        tpu.vector_store %arg9[%swap3A_655, %swap3A_656], %gather3A_654 {strides = array<i32>} : memref<8x1024xf32, #tpu.memory_space<vmem>>, vector<16xf32>,
        %get3A_658 = arith.index_cast %rem3A_273 : i32 to index
        %get3A_659 = arith.constant 848 : index
        %get3A_660 = tpu.vector_load %arg8[%get3A_658, %get3A_659] {strides = array<i32>} : memref<8x1024xi32, #tpu.memory_space<vmem>>, vector<16xi32>,
        %gather3A_661 = tpu.vector_load_idx %arg7[%get3A_660] : memref<100000xf32, #tpu.memory_space<vmem>>[vector<16xi32>], vector<16xf32>,
        %swap3A_662 = arith.index_cast %rem3A_273 : i32 to index
        %swap3A_663 = arith.constant 848 : index
        %swap3A_664 = tpu.vector_load %arg9[%swap3A_662, %swap3A_663] {strides = array<i32>} : memref<8x1024xf32, #tpu.memory_space<vmem>>, vector<16xf32>,
        tpu.vector_store %arg9[%swap3A_662, %swap3A_663], %gather3A_661 {strides = array<i32>} : memref<8x1024xf32, #tpu.memory_space<vmem>>, vector<16xf32>,
        %get3A_665 = arith.index_cast %rem3A_273 : i32 to index
        %get3A_666 = arith.constant 864 : index
        %get3A_667 = tpu.vector_load %arg8[%get3A_665, %get3A_666] {strides = array<i32>} : memref<8x1024xi32, #tpu.memory_space<vmem>>, vector<16xi32>,
        %gather3A_668 = tpu.vector_load_idx %arg7[%get3A_667] : memref<100000xf32, #tpu.memory_space<vmem>>[vector<16xi32>], vector<16xf32>,
        %swap3A_669 = arith.index_cast %rem3A_273 : i32 to index
        %swap3A_670 = arith.constant 864 : index
        %swap3A_671 = tpu.vector_load %arg9[%swap3A_669, %swap3A_670] {strides = array<i32>} : memref<8x1024xf32, #tpu.memory_space<vmem>>, vector<16xf32>,
        tpu.vector_store %arg9[%swap3A_669, %swap3A_670], %gather3A_668 {strides = array<i32>} : memref<8x1024xf32, #tpu.memory_space<vmem>>, vector<16xf32>,
        %get3A_672 = arith.index_cast %rem3A_273 : i32 to index
        %get3A_673 = arith.constant 880 : index
        %get3A_674 = tpu.vector_load %arg8[%get3A_672, %get3A_673] {strides = array<i32>} : memref<8x1024xi32, #tpu.memory_space<vmem>>, vector<16xi32>,
        %gather3A_675 = tpu.vector_load_idx %arg7[%get3A_674] : memref<100000xf32, #tpu.memory_space<vmem>>[vector<16xi32>], vector<16xf32>,
        %swap3A_676 = arith.index_cast %rem3A_273 : i32 to index
        %swap3A_677 = arith.constant 880 : index
        %swap3A_678 = tpu.vector_load %arg9[%swap3A_676, %swap3A_677] {strides = array<i32>} : memref<8x1024xf32, #tpu.memory_space<vmem>>, vector<16xf32>,
        tpu.vector_store %arg9[%swap3A_676, %swap3A_677], %gather3A_675 {strides = array<i32>} : memref<8x1024xf32, #tpu.memory_space<vmem>>, vector<16xf32>,
        %get3A_679 = arith.index_cast %rem3A_273 : i32 to index
        %get3A_680 = arith.constant 896 : index
        %get3A_681 = tpu.vector_load %arg8[%get3A_679, %get3A_680] {strides = array<i32>} : memref<8x1024xi32, #tpu.memory_space<vmem>>, vector<16xi32>,
        %gather3A_682 = tpu.vector_load_idx %arg7[%get3A_681] : memref<100000xf32, #tpu.memory_space<vmem>>[vector<16xi32>], vector<16xf32>,
        %swap3A_683 = arith.index_cast %rem3A_273 : i32 to index
        %swap3A_684 = arith.constant 896 : index
        %swap3A_685 = tpu.vector_load %arg9[%swap3A_683, %swap3A_684] {strides = array<i32>} : memref<8x1024xf32, #tpu.memory_space<vmem>>, vector<16xf32>,
        tpu.vector_store %arg9[%swap3A_683, %swap3A_684], %gather3A_682 {strides = array<i32>} : memref<8x1024xf32, #tpu.memory_space<vmem>>, vector<16xf32>,
        %get3A_686 = arith.index_cast %rem3A_273 : i32 to index
        %get3A_687 = arith.constant 912 : index
        %get3A_688 = tpu.vector_load %arg8[%get3A_686, %get3A_687] {strides = array<i32>} : memref<8x1024xi32, #tpu.memory_space<vmem>>, vector<16xi32>,
        %gather3A_689 = tpu.vector_load_idx %arg7[%get3A_688] : memref<100000xf32, #tpu.memory_space<vmem>>[vector<16xi32>], vector<16xf32>,
        %swap3A_690 = arith.index_cast %rem3A_273 : i32 to index
        %swap3A_691 = arith.constant 912 : index
        %swap3A_692 = tpu.vector_load %arg9[%swap3A_690, %swap3A_691] {strides = array<i32>} : memref<8x1024xf32, #tpu.memory_space<vmem>>, vector<16xf32>,
        tpu.vector_store %arg9[%swap3A_690, %swap3A_691], %gather3A_689 {strides = array<i32>} : memref<8x1024xf32, #tpu.memory_space<vmem>>, vector<16xf32>,
        %get3A_693 = arith.index_cast %rem3A_273 : i32 to index
        %get3A_694 = arith.constant 928 : index
        %get3A_695 = tpu.vector_load %arg8[%get3A_693, %get3A_694] {strides = array<i32>} : memref<8x1024xi32, #tpu.memory_space<vmem>>, vector<16xi32>,
        %gather3A_696 = tpu.vector_load_idx %arg7[%get3A_695] : memref<100000xf32, #tpu.memory_space<vmem>>[vector<16xi32>], vector<16xf32>,
        %swap3A_697 = arith.index_cast %rem3A_273 : i32 to index
        %swap3A_698 = arith.constant 928 : index
        %swap3A_699 = tpu.vector_load %arg9[%swap3A_697, %swap3A_698] {strides = array<i32>} : memref<8x1024xf32, #tpu.memory_space<vmem>>, vector<16xf32>,
        tpu.vector_store %arg9[%swap3A_697, %swap3A_698], %gather3A_696 {strides = array<i32>} : memref<8x1024xf32, #tpu.memory_space<vmem>>, vector<16xf32>,
        %get3A_700 = arith.index_cast %rem3A_273 : i32 to index
        %get3A_701 = arith.constant 944 : index
        %get3A_702 = tpu.vector_load %arg8[%get3A_700, %get3A_701] {strides = array<i32>} : memref<8x1024xi32, #tpu.memory_space<vmem>>, vector<16xi32>,
        %gather3A_703 = tpu.vector_load_idx %arg7[%get3A_702] : memref<100000xf32, #tpu.memory_space<vmem>>[vector<16xi32>], vector<16xf32>,
        %swap3A_704 = arith.index_cast %rem3A_273 : i32 to index
        %swap3A_705 = arith.constant 944 : index
        %swap3A_706 = tpu.vector_load %arg9[%swap3A_704, %swap3A_705] {strides = array<i32>} : memref<8x1024xf32, #tpu.memory_space<vmem>>, vector<16xf32>,
        tpu.vector_store %arg9[%swap3A_704, %swap3A_705], %gather3A_703 {strides = array<i32>} : memref<8x1024xf32, #tpu.memory_space<vmem>>, vector<16xf32>,
        %get3A_707 = arith.index_cast %rem3A_273 : i32 to index
        %get3A_708 = arith.constant 960 : index
        %get3A_709 = tpu.vector_load %arg8[%get3A_707, %get3A_708] {strides = array<i32>} : memref<8x1024xi32, #tpu.memory_space<vmem>>, vector<16xi32>,
        %gather3A_710 = tpu.vector_load_idx %arg7[%get3A_709] : memref<100000xf32, #tpu.memory_space<vmem>>[vector<16xi32>], vector<16xf32>,
        %swap3A_711 = arith.index_cast %rem3A_273 : i32 to index
        %swap3A_712 = arith.constant 960 : index
        %swap3A_713 = tpu.vector_load %arg9[%swap3A_711, %swap3A_712] {strides = array<i32>} : memref<8x1024xf32, #tpu.memory_space<vmem>>, vector<16xf32>,
        tpu.vector_store %arg9[%swap3A_711, %swap3A_712], %gather3A_710 {strides = array<i32>} : memref<8x1024xf32, #tpu.memory_space<vmem>>, vector<16xf32>,
        %get3A_714 = arith.index_cast %rem3A_273 : i32 to index
        %get3A_715 = arith.constant 976 : index
        %get3A_716 = tpu.vector_load %arg8[%get3A_714, %get3A_715] {strides = array<i32>} : memref<8x1024xi32, #tpu.memory_space<vmem>>, vector<16xi32>,
        %gather3A_717 = tpu.vector_load_idx %arg7[%get3A_716] : memref<100000xf32, #tpu.memory_space<vmem>>[vector<16xi32>], vector<16xf32>,
        %swap3A_718 = arith.index_cast %rem3A_273 : i32 to index
        %swap3A_719 = arith.constant 976 : index
        %swap3A_720 = tpu.vector_load %arg9[%swap3A_718, %swap3A_719] {strides = array<i32>} : memref<8x1024xf32, #tpu.memory_space<vmem>>, vector<16xf32>,
        tpu.vector_store %arg9[%swap3A_718, %swap3A_719], %gather3A_717 {strides = array<i32>} : memref<8x1024xf32, #tpu.memory_space<vmem>>, vector<16xf32>,
        %get3A_721 = arith.index_cast %rem3A_273 : i32 to index
        %get3A_722 = arith.constant 992 : index
        %get3A_723 = tpu.vector_load %arg8[%get3A_721, %get3A_722] {strides = array<i32>} : memref<8x1024xi32, #tpu.memory_space<vmem>>, vector<16xi32>,
        %gather3A_724 = tpu.vector_load_idx %arg7[%get3A_723] : memref<100000xf32, #tpu.memory_space<vmem>>[vector<16xi32>], vector<16xf32>,
        %swap3A_725 = arith.index_cast %rem3A_273 : i32 to index
        %swap3A_726 = arith.constant 992 : index
        %swap3A_727 = tpu.vector_load %arg9[%swap3A_725, %swap3A_726] {strides = array<i32>} : memref<8x1024xf32, #tpu.memory_space<vmem>>, vector<16xf32>,
        tpu.vector_store %arg9[%swap3A_725, %swap3A_726], %gather3A_724 {strides = array<i32>} : memref<8x1024xf32, #tpu.memory_space<vmem>>, vector<16xf32>,
        %get3A_728 = arith.index_cast %rem3A_273 : i32 to index
        %get3A_729 = arith.constant 1008 : index
        %get3A_730 = tpu.vector_load %arg8[%get3A_728, %get3A_729] {strides = array<i32>} : memref<8x1024xi32, #tpu.memory_space<vmem>>, vector<16xi32>,
        %gather3A_731 = tpu.vector_load_idx %arg7[%get3A_730] : memref<100000xf32, #tpu.memory_space<vmem>>[vector<16xi32>], vector<16xf32>,
        %swap3A_732 = arith.index_cast %rem3A_273 : i32 to index
        %swap3A_733 = arith.constant 1008 : index
        %swap3A_734 = tpu.vector_load %arg9[%swap3A_732, %swap3A_733] {strides = array<i32>} : memref<8x1024xf32, #tpu.memory_space<vmem>>, vector<16xf32>,
        tpu.vector_store %arg9[%swap3A_732, %swap3A_733], %gather3A_731 {strides = array<i32>} : memref<8x1024xf32, #tpu.memory_space<vmem>>, vector<16xf32>,
        %add3A_735 = arith.constant 13 : i32
        %add3A_736 = arith.addi %add3A_735, %select_n3A_72 : i32
        %dma_start3A_737 = arith.constant 0 : i32
        %dma_start3A_738 = tpu.memref_slice %arg9[%rem3A_273, %dma_start3A_737] : memref<8x1024xf32, #tpu.memory_space<vmem>> -> memref<1x1024xf32, #tpu.memory_space<vmem>>
        %dma_start3A_739 = tpu.memref_squeeze %dma_start3A_738 : memref<1x1024xf32, #tpu.memory_space<vmem>> -> memref<1024xf32, #tpu.memory_space<vmem>>
        %dma_start3A_740 = arith.constant 0 : i32
        %dma_start3A_741 = tpu.memref_slice %arg6[%scan3A_271, %add3A_736, %select_n3A_88, %dma_start3A_740] : memref<50x39x16x1024xf32, #tpu.memory_space<hbm>> -> memref<1x1x1x1024xf32, #tpu.memory_space<hbm>>
        %dma_start3A_742 = tpu.memref_squeeze %dma_start3A_741 : memref<1x1x1x1024xf32, #tpu.memory_space<hbm>> -> memref<1024xf32, #tpu.memory_space<hbm>>
        %dma_start3A_743 = arith.constant 0 : i32
        %dma_start3A_744 = tpu.memref_slice %arg6[%scan3A_271, %add3A_736, %select_n3A_88, %dma_start3A_743] : memref<50x39x16x1024xf32, #tpu.memory_space<hbm>> -> memref<1x1x1x1024xf32, #tpu.memory_space<hbm>>
        %dma_start3A_745 = tpu.memref_squeeze %dma_start3A_744 : memref<1x1x1x1024xf32, #tpu.memory_space<hbm>> -> memref<1024xf32, #tpu.memory_space<hbm>>
        %dma_start3A_746 = arith.constant 0 : i32
        %dma_start3A_747 = tpu.memref_slice %arg9[%rem3A_273, %dma_start3A_746] : memref<8x1024xf32, #tpu.memory_space<vmem>> -> memref<1x1024xf32, #tpu.memory_space<vmem>>
        %dma_start3A_748 = tpu.memref_squeeze %dma_start3A_747 : memref<1x1024xf32, #tpu.memory_space<vmem>> -> memref<1024xf32, #tpu.memory_space<vmem>>
        tpu.enqueue_dma source(%dma_start3A_748 : memref<1024xf32, #tpu.memory_space<vmem>>) target(%dma_start3A_745 : memref<1024xf32, #tpu.memory_space<hbm>>) target_semaphore(%arg14 : memref<!tpu.dma_semaphore, #tpu.memory_space<semaphore_mem>>)
        %add3A_749 = arith.constant 8 : i32
        %add3A_750 = arith.addi %scan3A_271, %add3A_749 : i32
        %lt3A_751 = arith.constant 50 : i32
        %lt3A_752 = arith.cmpi slt, %add3A_750, %lt3A_751 : i32
        %convert_element_type3A_753 = arith.extui %lt3A_752 : i1 to i32
        %cond3A_754 = arith.constant 0 : i32
        %cond3A_755 = arith.cmpi ne, %convert_element_type3A_753, %cond3A_754 : i32
        scf.if %cond3A_755 {
          %add3A_756 = arith.constant 8 : i32
          %add3A_757 = arith.addi %scan3A_271, %add3A_756 : i32
          %dma_start3A_758 = arith.constant 0 : i32
          %dma_start3A_759 = tpu.memref_slice %arg8[%rem3A_273, %dma_start3A_758] : memref<8x1024xi32, #tpu.memory_space<vmem>> -> memref<1x1024xi32, #tpu.memory_space<vmem>>
          %dma_start3A_760 = tpu.memref_squeeze %dma_start3A_759 : memref<1x1024xi32, #tpu.memory_space<vmem>> -> memref<1024xi32, #tpu.memory_space<vmem>>
          %dma_start3A_761 = arith.constant 0 : i32
          %dma_start3A_762 = tpu.memref_slice %arg2[%select_n3A_72, %add3A_757, %dma_start3A_761] : memref<26x50x1024xi32, #tpu.memory_space<hbm>> -> memref<1x1x1024xi32, #tpu.memory_space<hbm>>
          %dma_start3A_763 = tpu.memref_squeeze %dma_start3A_762 : memref<1x1x1024xi32, #tpu.memory_space<hbm>> -> memref<1024xi32, #tpu.memory_space<hbm>>
          %dma_start3A_764 = arith.constant 0 : i32
          %dma_start3A_765 = tpu.memref_slice %arg8[%rem3A_273, %dma_start3A_764] : memref<8x1024xi32, #tpu.memory_space<vmem>> -> memref<1x1024xi32, #tpu.memory_space<vmem>>
          %dma_start3A_766 = tpu.memref_squeeze %dma_start3A_765 : memref<1x1024xi32, #tpu.memory_space<vmem>> -> memref<1024xi32, #tpu.memory_space<vmem>>
          %dma_start3A_767 = arith.constant 0 : i32
          %dma_start3A_768 = tpu.memref_slice %arg2[%select_n3A_72, %add3A_757, %dma_start3A_767] : memref<26x50x1024xi32, #tpu.memory_space<hbm>> -> memref<1x1x1024xi32, #tpu.memory_space<hbm>>
          %dma_start3A_769 = tpu.memref_squeeze %dma_start3A_768 : memref<1x1x1024xi32, #tpu.memory_space<hbm>> -> memref<1024xi32, #tpu.memory_space<hbm>>
          tpu.enqueue_dma source(%dma_start3A_769 : memref<1024xi32, #tpu.memory_space<hbm>>) target(%dma_start3A_766 : memref<1024xi32, #tpu.memory_space<vmem>>) target_semaphore(%arg13 : memref<!tpu.dma_semaphore, #tpu.memory_space<semaphore_mem>>)
        } else {
        }
      }
      %scan3A_254 = arith.constant 50 : i32
      %add3A_255 = arith.constant 1 : i32
      %add3A_256 = arith.addi %scan3A_45, %add3A_255 : i32
      %lt3A_257 = arith.constant 13 : i32
      %lt3A_258 = arith.cmpi slt, %add3A_256, %lt3A_257 : i32
      %convert_element_type3A = arith.extui %lt3A_258 : i1 to i32
      %cond3A = arith.constant 0 : i32
      %cond3A_259 = arith.cmpi ne, %convert_element_type3A, %cond3A : i32
      scf.if %cond3A_259 {
        %add3A_271 = arith.constant 1 : i32
        %add3A_272 = arith.addi %scan3A_45, %add3A_271 : i32
        %mul3A_273 = arith.constant 13 : i32
        %mul3A_274 = arith.muli %add3A, %mul3A_273 : i32
        %add3A_275 = arith.addi %mul3A_274, %add3A_272 : i32
        %jit3A_276 = arith.constant 16 : i32
        %div3A_277 = arith.divsi %add3A_275, %jit3A_276 : i32
        %sign3A_278 = arith.constant 0 : i32
        %sign3A_279 = arith.cmpi sgt, %add3A_275, %sign3A_278 : i32
        %sign3A_280 = arith.extui %sign3A_279 : i1 to i32
        %sign3A_281 = arith.constant 0 : i32
        %sign3A_282 = arith.cmpi slt, %add3A_275, %sign3A_281 : i32
        %sign3A_283 = arith.extui %sign3A_282 : i1 to i32
        %sign3A_284 = arith.subi %sign3A_280, %sign3A_283 : i32
        %sign3A_285 = arith.constant 0 : i32
        %sign3A_286 = arith.cmpi sgt, %jit3A_276, %sign3A_285 : i32
        %sign3A_287 = arith.extui %sign3A_286 : i1 to i32
        %sign3A_288 = arith.constant 0 : i32
        %sign3A_289 = arith.cmpi slt, %jit3A_276, %sign3A_288 : i32
        %sign3A_290 = arith.extui %sign3A_289 : i1 to i32
        %sign3A_291 = arith.subi %sign3A_287, %sign3A_290 : i32
        %ne3A_292 = arith.cmpi ne, %sign3A_284, %sign3A_291 : i32
        %rem3A_293 = arith.remsi %add3A_275, %jit3A_276 : i32
        %ne3A_294 = arith.constant 0 : i32
        %ne3A_295 = arith.cmpi ne, %rem3A_293, %ne3A_294 : i32
        %and3A_296 = arith.andi %ne3A_292, %ne3A_295 : i1
        %sub3A_297 = arith.constant 1 : i32
        %sub3A_298 = arith.subi %div3A_277, %sub3A_297 : i32
        %select_n3A_299 = arith.select %and3A_296, %sub3A_298, %div3A_277 : i32
        %jit3A_300 = arith.constant 16 : i32
        %eq3A_301 = arith.constant 0 : i32
        %eq3A_302 = arith.cmpi eq, %jit3A_300, %eq3A_301 : i32
        %jit3A_303 = arith.constant 1 : i32
        %select_n3A_304 = arith.select %eq3A_302, %jit3A_303, %jit3A_300 : i32
        %rem3A_305 = arith.remsi %add3A_275, %select_n3A_304 : i32
        %ne3A_306 = arith.constant 0 : i32
        %ne3A_307 = arith.cmpi ne, %rem3A_305, %ne3A_306 : i32
        %lt3A_308 = arith.constant 0 : i32
        %lt3A_309 = arith.cmpi slt, %rem3A_305, %lt3A_308 : i32
        %lt3A_310 = arith.constant 0 : i32
        %lt3A_311 = arith.cmpi slt, %select_n3A_304, %lt3A_310 : i32
        %ne3A_312 = arith.xori %lt3A_309, %lt3A_311 : i1
        %and3A_313 = arith.andi %ne3A_312, %ne3A_307 : i1
        %add3A_314 = arith.addi %rem3A_305, %select_n3A_304 : i32
        %select_n3A_315 = arith.select %and3A_313, %add3A_314, %rem3A_305 : i32
        %dma_start3A_316 = arith.constant 0 : i32
        %dma_start3A_317 = tpu.memref_slice %arg5[%select_n3A_299, %select_n3A_315, %dma_start3A_316] : memref<26x16x100000xf32, #tpu.memory_space<hbm>> -> memref<1x1x100000xf32, #tpu.memory_space<hbm>>
        %dma_start3A_318 = tpu.memref_squeeze %dma_start3A_317 : memref<1x1x100000xf32, #tpu.memory_space<hbm>> -> memref<100000xf32, #tpu.memory_space<hbm>>
        %dma_start3A_319 = arith.constant 0 : i32
        %dma_start3A_320 = tpu.memref_slice %arg5[%select_n3A_299, %select_n3A_315, %dma_start3A_319] : memref<26x16x100000xf32, #tpu.memory_space<hbm>> -> memref<1x1x100000xf32, #tpu.memory_space<hbm>>
        %dma_start3A_321 = tpu.memref_squeeze %dma_start3A_320 : memref<1x1x100000xf32, #tpu.memory_space<hbm>> -> memref<100000xf32, #tpu.memory_space<hbm>>
        tpu.enqueue_dma source(%dma_start3A_321 : memref<100000xf32, #tpu.memory_space<hbm>>) target(%arg7 : memref<100000xf32, #tpu.memory_space<vmem>>) target_semaphore(%arg12 : memref<!tpu.dma_semaphore, #tpu.memory_space<semaphore_mem>>)
      } else {
      }
      %scan3A_260 = arith.constant 0 : i32
      %scan3A_261 = arith.constant 0 : i32
      %scan3A_262 = arith.constant 8 : i32
      %scan3A_263 = arith.addi %scan3A_261, %scan3A_262 : i32
      %scan3A_264 = arith.constant 1 : i32
      scf.for %scan3A_271 = %scan3A_261 to %scan3A_263 step %scan3A_264  : i32 {
        %dma_wait3A_272 = arith.constant 0 : i32
        %dma_wait3A_273 = arith.constant 0 : i32
        %dma_wait3A_274 = arith.constant 0 : i32
        %dma_wait3A_275 = arith.constant 0 : i32
        %dma_wait3A_276 = tpu.memref_slice %arg9[%scan3A_271, %dma_wait3A_275] : memref<8x1024xf32, #tpu.memory_space<vmem>> -> memref<1x1024xf32, #tpu.memory_space<vmem>>
        %dma_wait3A_277 = tpu.memref_squeeze %dma_wait3A_276 : memref<1x1024xf32, #tpu.memory_space<vmem>> -> memref<1024xf32, #tpu.memory_space<vmem>>
        %dma_wait3A_278 = arith.constant 0 : i32
        %dma_wait3A_279 = tpu.memref_slice %arg6[%dma_wait3A_272, %dma_wait3A_273, %dma_wait3A_274, %dma_wait3A_278] : memref<50x39x16x1024xf32, #tpu.memory_space<hbm>> -> memref<1x1x1x1024xf32, #tpu.memory_space<hbm>>
        %dma_wait3A_280 = tpu.memref_squeeze %dma_wait3A_279 : memref<1x1x1x1024xf32, #tpu.memory_space<hbm>> -> memref<1024xf32, #tpu.memory_space<hbm>>
        %dma_wait3A_281 = arith.constant 0 : i32
        %dma_wait3A_282 = tpu.memref_slice %arg6[%dma_wait3A_272, %dma_wait3A_273, %dma_wait3A_274, %dma_wait3A_281] : memref<50x39x16x1024xf32, #tpu.memory_space<hbm>> -> memref<1x1x1x1024xf32, #tpu.memory_space<hbm>>
        %dma_wait3A_283 = tpu.memref_squeeze %dma_wait3A_282 : memref<1x1x1x1024xf32, #tpu.memory_space<hbm>> -> memref<1024xf32, #tpu.memory_space<hbm>>
        %dma_wait3A_284 = arith.constant 0 : i32
        %dma_wait3A_285 = tpu.memref_slice %arg9[%scan3A_271, %dma_wait3A_284] : memref<8x1024xf32, #tpu.memory_space<vmem>> -> memref<1x1024xf32, #tpu.memory_space<vmem>>
        %dma_wait3A_286 = tpu.memref_squeeze %dma_wait3A_285 : memref<1x1024xf32, #tpu.memory_space<vmem>> -> memref<1024xf32, #tpu.memory_space<vmem>>
        tpu.wait_dma2 semaphore(%arg14 : memref<!tpu.dma_semaphore, #tpu.memory_space<semaphore_mem>>) src(%dma_wait3A_286 : memref<1024xf32, #tpu.memory_space<vmem>>) dst(%dma_wait3A_283 : memref<1024xf32, #tpu.memory_space<hbm>>)
      }
      %scan3A_265 = arith.constant 8 : i32
      %lt3A_266 = arith.constant 7 : i32
      %lt3A_267 = arith.cmpi slt, %scan3A_45, %lt3A_266 : i32
      %convert_element_type3A_268 = arith.extui %lt3A_267 : i1 to i32
      %cond3A_269 = arith.constant 0 : i32
      %cond3A_270 = arith.cmpi ne, %convert_element_type3A_268, %cond3A_269 : i32
      scf.if %cond3A_270 {
        %mul3A_271 = arith.constant 32 : i32
        %mul3A_272 = arith.muli %mul3A_271, %scan3A_45 : i32
        %add3A_273 = arith.addi %add3A, %mul3A_272 : i32
        %lt3A_274 = arith.constant 208 : i32
        %lt3A_275 = arith.cmpi slt, %add3A_273, %lt3A_274 : i32
        %convert_element_type3A_276 = arith.extui %lt3A_275 : i1 to i32
        %cond3A_277 = arith.constant 0 : i32
        %cond3A_278 = arith.cmpi ne, %convert_element_type3A_276, %cond3A_277 : i32
        scf.if %cond3A_278 {
          %jit3A_279 = arith.constant 16 : i32
          %div3A_280 = arith.divsi %add3A_273, %jit3A_279 : i32
          %sign3A_281 = arith.constant 0 : i32
          %sign3A_282 = arith.cmpi sgt, %add3A_273, %sign3A_281 : i32
          %sign3A_283 = arith.extui %sign3A_282 : i1 to i32
          %sign3A_284 = arith.constant 0 : i32
          %sign3A_285 = arith.cmpi slt, %add3A_273, %sign3A_284 : i32
          %sign3A_286 = arith.extui %sign3A_285 : i1 to i32
          %sign3A_287 = arith.subi %sign3A_283, %sign3A_286 : i32
          %sign3A_288 = arith.constant 0 : i32
          %sign3A_289 = arith.cmpi sgt, %jit3A_279, %sign3A_288 : i32
          %sign3A_290 = arith.extui %sign3A_289 : i1 to i32
          %sign3A_291 = arith.constant 0 : i32
          %sign3A_292 = arith.cmpi slt, %jit3A_279, %sign3A_291 : i32
          %sign3A_293 = arith.extui %sign3A_292 : i1 to i32
          %sign3A_294 = arith.subi %sign3A_290, %sign3A_293 : i32
          %ne3A_295 = arith.cmpi ne, %sign3A_287, %sign3A_294 : i32
          %rem3A_296 = arith.remsi %add3A_273, %jit3A_279 : i32
          %ne3A_297 = arith.constant 0 : i32
          %ne3A_298 = arith.cmpi ne, %rem3A_296, %ne3A_297 : i32
          %and3A_299 = arith.andi %ne3A_295, %ne3A_298 : i1
          %sub3A_300 = arith.constant 1 : i32
          %sub3A_301 = arith.subi %div3A_280, %sub3A_300 : i32
          %select_n3A_302 = arith.select %and3A_299, %sub3A_301, %div3A_280 : i32
          %jit3A_303 = arith.constant 16 : i32
          %eq3A_304 = arith.constant 0 : i32
          %eq3A_305 = arith.cmpi eq, %jit3A_303, %eq3A_304 : i32
          %jit3A_306 = arith.constant 1 : i32
          %select_n3A_307 = arith.select %eq3A_305, %jit3A_306, %jit3A_303 : i32
          %rem3A_308 = arith.remsi %add3A_273, %select_n3A_307 : i32
          %ne3A_309 = arith.constant 0 : i32
          %ne3A_310 = arith.cmpi ne, %rem3A_308, %ne3A_309 : i32
          %lt3A_311 = arith.constant 0 : i32
          %lt3A_312 = arith.cmpi slt, %rem3A_308, %lt3A_311 : i32
          %lt3A_313 = arith.constant 0 : i32
          %lt3A_314 = arith.cmpi slt, %select_n3A_307, %lt3A_313 : i32
          %ne3A_315 = arith.xori %lt3A_312, %lt3A_314 : i1
          %and3A_316 = arith.andi %ne3A_315, %ne3A_310 : i1
          %add3A_317 = arith.addi %rem3A_308, %select_n3A_307 : i32
          %select_n3A_318 = arith.select %and3A_316, %add3A_317, %rem3A_308 : i32
          %mul3A_319 = arith.constant 16 : i32
          %mul3A_320 = arith.muli %select_n3A_302, %mul3A_319 : i32
          %add3A_321 = arith.addi %mul3A_320, %select_n3A_318 : i32
          %broadcast_in_dim3A = vector.broadcast %add3A_321 : i32 to vector<16xi32>
          %gather3A = tpu.vector_load_idx %arg11[%broadcast_in_dim3A] : memref<208xf32, #tpu.memory_space<vmem>>[vector<16xi32>], vector<16xf32>,
          %dma_start3A_322 = arith.constant 0 : i32
          %dma_start3A_323 = arith.constant 0 : i32
          %dma_start3A_324 = arith.constant 0 : i32
          %dma_start3A_325 = tpu.memref_slice %arg10[%dma_start3A_323, %dma_start3A_324] : memref<8x1024xf32, #tpu.memory_space<vmem>> -> memref<1x1024xf32, #tpu.memory_space<vmem>>
          %dma_start3A_326 = tpu.memref_squeeze %dma_start3A_325 : memref<1x1024xf32, #tpu.memory_space<vmem>> -> memref<1024xf32, #tpu.memory_space<vmem>>
          %dma_start3A_327 = arith.constant 0 : i32
          %dma_start3A_328 = tpu.memref_slice %arg3[%select_n3A_302, %dma_start3A_322, %dma_start3A_327] : memref<13x50x1024xf32, #tpu.memory_space<hbm>> -> memref<1x1x1024xf32, #tpu.memory_space<hbm>>
          %dma_start3A_329 = tpu.memref_squeeze %dma_start3A_328 : memref<1x1x1024xf32, #tpu.memory_space<hbm>> -> memref<1024xf32, #tpu.memory_space<hbm>>
          %dma_start3A_330 = arith.constant 0 : i32
          %dma_start3A_331 = tpu.memref_slice %arg10[%dma_start3A_323, %dma_start3A_330] : memref<8x1024xf32, #tpu.memory_space<vmem>> -> memref<1x1024xf32, #tpu.memory_space<vmem>>
          %dma_start3A_332 = tpu.memref_squeeze %dma_start3A_331 : memref<1x1024xf32, #tpu.memory_space<vmem>> -> memref<1024xf32, #tpu.memory_space<vmem>>
          %dma_start3A_333 = arith.constant 0 : i32
          %dma_start3A_334 = tpu.memref_slice %arg3[%select_n3A_302, %dma_start3A_322, %dma_start3A_333] : memref<13x50x1024xf32, #tpu.memory_space<hbm>> -> memref<1x1x1024xf32, #tpu.memory_space<hbm>>
          %dma_start3A_335 = tpu.memref_squeeze %dma_start3A_334 : memref<1x1x1024xf32, #tpu.memory_space<hbm>> -> memref<1024xf32, #tpu.memory_space<hbm>>
          tpu.enqueue_dma source(%dma_start3A_335 : memref<1024xf32, #tpu.memory_space<hbm>>) target(%dma_start3A_332 : memref<1024xf32, #tpu.memory_space<vmem>>) target_semaphore(%arg13 : memref<!tpu.dma_semaphore, #tpu.memory_space<semaphore_mem>>)
          %dma_start3A_336 = arith.constant 1 : i32
          %dma_start3A_337 = arith.constant 1 : i32
          %dma_start3A_338 = arith.constant 0 : i32
          %dma_start3A_339 = tpu.memref_slice %arg10[%dma_start3A_337, %dma_start3A_338] : memref<8x1024xf32, #tpu.memory_space<vmem>> -> memref<1x1024xf32, #tpu.memory_space<vmem>>
          %dma_start3A_340 = tpu.memref_squeeze %dma_start3A_339 : memref<1x1024xf32, #tpu.memory_space<vmem>> -> memref<1024xf32, #tpu.memory_space<vmem>>
          %dma_start3A_341 = arith.constant 0 : i32
          %dma_start3A_342 = tpu.memref_slice %arg3[%select_n3A_302, %dma_start3A_336, %dma_start3A_341] : memref<13x50x1024xf32, #tpu.memory_space<hbm>> -> memref<1x1x1024xf32, #tpu.memory_space<hbm>>
          %dma_start3A_343 = tpu.memref_squeeze %dma_start3A_342 : memref<1x1x1024xf32, #tpu.memory_space<hbm>> -> memref<1024xf32, #tpu.memory_space<hbm>>
          %dma_start3A_344 = arith.constant 0 : i32
          %dma_start3A_345 = tpu.memref_slice %arg10[%dma_start3A_337, %dma_start3A_344] : memref<8x1024xf32, #tpu.memory_space<vmem>> -> memref<1x1024xf32, #tpu.memory_space<vmem>>
          %dma_start3A_346 = tpu.memref_squeeze %dma_start3A_345 : memref<1x1024xf32, #tpu.memory_space<vmem>> -> memref<1024xf32, #tpu.memory_space<vmem>>
          %dma_start3A_347 = arith.constant 0 : i32
          %dma_start3A_348 = tpu.memref_slice %arg3[%select_n3A_302, %dma_start3A_336, %dma_start3A_347] : memref<13x50x1024xf32, #tpu.memory_space<hbm>> -> memref<1x1x1024xf32, #tpu.memory_space<hbm>>
          %dma_start3A_349 = tpu.memref_squeeze %dma_start3A_348 : memref<1x1x1024xf32, #tpu.memory_space<hbm>> -> memref<1024xf32, #tpu.memory_space<hbm>>
          tpu.enqueue_dma source(%dma_start3A_349 : memref<1024xf32, #tpu.memory_space<hbm>>) target(%dma_start3A_346 : memref<1024xf32, #tpu.memory_space<vmem>>) target_semaphore(%arg13 : memref<!tpu.dma_semaphore, #tpu.memory_space<semaphore_mem>>)
          %dma_start3A_350 = arith.constant 2 : i32
          %dma_start3A_351 = arith.constant 2 : i32
          %dma_start3A_352 = arith.constant 0 : i32
          %dma_start3A_353 = tpu.memref_slice %arg10[%dma_start3A_351, %dma_start3A_352] : memref<8x1024xf32, #tpu.memory_space<vmem>> -> memref<1x1024xf32, #tpu.memory_space<vmem>>
          %dma_start3A_354 = tpu.memref_squeeze %dma_start3A_353 : memref<1x1024xf32, #tpu.memory_space<vmem>> -> memref<1024xf32, #tpu.memory_space<vmem>>
          %dma_start3A_355 = arith.constant 0 : i32
          %dma_start3A_356 = tpu.memref_slice %arg3[%select_n3A_302, %dma_start3A_350, %dma_start3A_355] : memref<13x50x1024xf32, #tpu.memory_space<hbm>> -> memref<1x1x1024xf32, #tpu.memory_space<hbm>>
          %dma_start3A_357 = tpu.memref_squeeze %dma_start3A_356 : memref<1x1x1024xf32, #tpu.memory_space<hbm>> -> memref<1024xf32, #tpu.memory_space<hbm>>
          %dma_start3A_358 = arith.constant 0 : i32
          %dma_start3A_359 = tpu.memref_slice %arg10[%dma_start3A_351, %dma_start3A_358] : memref<8x1024xf32, #tpu.memory_space<vmem>> -> memref<1x1024xf32, #tpu.memory_space<vmem>>
          %dma_start3A_360 = tpu.memref_squeeze %dma_start3A_359 : memref<1x1024xf32, #tpu.memory_space<vmem>> -> memref<1024xf32, #tpu.memory_space<vmem>>
          %dma_start3A_361 = arith.constant 0 : i32
          %dma_start3A_362 = tpu.memref_slice %arg3[%select_n3A_302, %dma_start3A_350, %dma_start3A_361] : memref<13x50x1024xf32, #tpu.memory_space<hbm>> -> memref<1x1x1024xf32, #tpu.memory_space<hbm>>
          %dma_start3A_363 = tpu.memref_squeeze %dma_start3A_362 : memref<1x1x1024xf32, #tpu.memory_space<hbm>> -> memref<1024xf32, #tpu.memory_space<hbm>>
          tpu.enqueue_dma source(%dma_start3A_363 : memref<1024xf32, #tpu.memory_space<hbm>>) target(%dma_start3A_360 : memref<1024xf32, #tpu.memory_space<vmem>>) target_semaphore(%arg13 : memref<!tpu.dma_semaphore, #tpu.memory_space<semaphore_mem>>)
          %dma_start3A_364 = arith.constant 3 : i32
          %dma_start3A_365 = arith.constant 3 : i32
          %dma_start3A_366 = arith.constant 0 : i32
          %dma_start3A_367 = tpu.memref_slice %arg10[%dma_start3A_365, %dma_start3A_366] : memref<8x1024xf32, #tpu.memory_space<vmem>> -> memref<1x1024xf32, #tpu.memory_space<vmem>>
          %dma_start3A_368 = tpu.memref_squeeze %dma_start3A_367 : memref<1x1024xf32, #tpu.memory_space<vmem>> -> memref<1024xf32, #tpu.memory_space<vmem>>
          %dma_start3A_369 = arith.constant 0 : i32
          %dma_start3A_370 = tpu.memref_slice %arg3[%select_n3A_302, %dma_start3A_364, %dma_start3A_369] : memref<13x50x1024xf32, #tpu.memory_space<hbm>> -> memref<1x1x1024xf32, #tpu.memory_space<hbm>>
          %dma_start3A_371 = tpu.memref_squeeze %dma_start3A_370 : memref<1x1x1024xf32, #tpu.memory_space<hbm>> -> memref<1024xf32, #tpu.memory_space<hbm>>
          %dma_start3A_372 = arith.constant 0 : i32
          %dma_start3A_373 = tpu.memref_slice %arg10[%dma_start3A_365, %dma_start3A_372] : memref<8x1024xf32, #tpu.memory_space<vmem>> -> memref<1x1024xf32, #tpu.memory_space<vmem>>
          %dma_start3A_374 = tpu.memref_squeeze %dma_start3A_373 : memref<1x1024xf32, #tpu.memory_space<vmem>> -> memref<1024xf32, #tpu.memory_space<vmem>>
          %dma_start3A_375 = arith.constant 0 : i32
          %dma_start3A_376 = tpu.memref_slice %arg3[%select_n3A_302, %dma_start3A_364, %dma_start3A_375] : memref<13x50x1024xf32, #tpu.memory_space<hbm>> -> memref<1x1x1024xf32, #tpu.memory_space<hbm>>
          %dma_start3A_377 = tpu.memref_squeeze %dma_start3A_376 : memref<1x1x1024xf32, #tpu.memory_space<hbm>> -> memref<1024xf32, #tpu.memory_space<hbm>>
          tpu.enqueue_dma source(%dma_start3A_377 : memref<1024xf32, #tpu.memory_space<hbm>>) target(%dma_start3A_374 : memref<1024xf32, #tpu.memory_space<vmem>>) target_semaphore(%arg13 : memref<!tpu.dma_semaphore, #tpu.memory_space<semaphore_mem>>)
          %dma_start3A_378 = arith.constant 4 : i32
          %dma_start3A_379 = arith.constant 4 : i32
          %dma_start3A_380 = arith.constant 0 : i32
          %dma_start3A_381 = tpu.memref_slice %arg10[%dma_start3A_379, %dma_start3A_380] : memref<8x1024xf32, #tpu.memory_space<vmem>> -> memref<1x1024xf32, #tpu.memory_space<vmem>>
          %dma_start3A_382 = tpu.memref_squeeze %dma_start3A_381 : memref<1x1024xf32, #tpu.memory_space<vmem>> -> memref<1024xf32, #tpu.memory_space<vmem>>
          %dma_start3A_383 = arith.constant 0 : i32
          %dma_start3A_384 = tpu.memref_slice %arg3[%select_n3A_302, %dma_start3A_378, %dma_start3A_383] : memref<13x50x1024xf32, #tpu.memory_space<hbm>> -> memref<1x1x1024xf32, #tpu.memory_space<hbm>>
          %dma_start3A_385 = tpu.memref_squeeze %dma_start3A_384 : memref<1x1x1024xf32, #tpu.memory_space<hbm>> -> memref<1024xf32, #tpu.memory_space<hbm>>
          %dma_start3A_386 = arith.constant 0 : i32
          %dma_start3A_387 = tpu.memref_slice %arg10[%dma_start3A_379, %dma_start3A_386] : memref<8x1024xf32, #tpu.memory_space<vmem>> -> memref<1x1024xf32, #tpu.memory_space<vmem>>
          %dma_start3A_388 = tpu.memref_squeeze %dma_start3A_387 : memref<1x1024xf32, #tpu.memory_space<vmem>> -> memref<1024xf32, #tpu.memory_space<vmem>>
          %dma_start3A_389 = arith.constant 0 : i32
          %dma_start3A_390 = tpu.memref_slice %arg3[%select_n3A_302, %dma_start3A_378, %dma_start3A_389] : memref<13x50x1024xf32, #tpu.memory_space<hbm>> -> memref<1x1x1024xf32, #tpu.memory_space<hbm>>
          %dma_start3A_391 = tpu.memref_squeeze %dma_start3A_390 : memref<1x1x1024xf32, #tpu.memory_space<hbm>> -> memref<1024xf32, #tpu.memory_space<hbm>>
          tpu.enqueue_dma source(%dma_start3A_391 : memref<1024xf32, #tpu.memory_space<hbm>>) target(%dma_start3A_388 : memref<1024xf32, #tpu.memory_space<vmem>>) target_semaphore(%arg13 : memref<!tpu.dma_semaphore, #tpu.memory_space<semaphore_mem>>)
          %dma_start3A_392 = arith.constant 5 : i32
          %dma_start3A_393 = arith.constant 5 : i32
          %dma_start3A_394 = arith.constant 0 : i32
          %dma_start3A_395 = tpu.memref_slice %arg10[%dma_start3A_393, %dma_start3A_394] : memref<8x1024xf32, #tpu.memory_space<vmem>> -> memref<1x1024xf32, #tpu.memory_space<vmem>>
          %dma_start3A_396 = tpu.memref_squeeze %dma_start3A_395 : memref<1x1024xf32, #tpu.memory_space<vmem>> -> memref<1024xf32, #tpu.memory_space<vmem>>
          %dma_start3A_397 = arith.constant 0 : i32
          %dma_start3A_398 = tpu.memref_slice %arg3[%select_n3A_302, %dma_start3A_392, %dma_start3A_397] : memref<13x50x1024xf32, #tpu.memory_space<hbm>> -> memref<1x1x1024xf32, #tpu.memory_space<hbm>>
          %dma_start3A_399 = tpu.memref_squeeze %dma_start3A_398 : memref<1x1x1024xf32, #tpu.memory_space<hbm>> -> memref<1024xf32, #tpu.memory_space<hbm>>
          %dma_start3A_400 = arith.constant 0 : i32
          %dma_start3A_401 = tpu.memref_slice %arg10[%dma_start3A_393, %dma_start3A_400] : memref<8x1024xf32, #tpu.memory_space<vmem>> -> memref<1x1024xf32, #tpu.memory_space<vmem>>
          %dma_start3A_402 = tpu.memref_squeeze %dma_start3A_401 : memref<1x1024xf32, #tpu.memory_space<vmem>> -> memref<1024xf32, #tpu.memory_space<vmem>>
          %dma_start3A_403 = arith.constant 0 : i32
          %dma_start3A_404 = tpu.memref_slice %arg3[%select_n3A_302, %dma_start3A_392, %dma_start3A_403] : memref<13x50x1024xf32, #tpu.memory_space<hbm>> -> memref<1x1x1024xf32, #tpu.memory_space<hbm>>
          %dma_start3A_405 = tpu.memref_squeeze %dma_start3A_404 : memref<1x1x1024xf32, #tpu.memory_space<hbm>> -> memref<1024xf32, #tpu.memory_space<hbm>>
          tpu.enqueue_dma source(%dma_start3A_405 : memref<1024xf32, #tpu.memory_space<hbm>>) target(%dma_start3A_402 : memref<1024xf32, #tpu.memory_space<vmem>>) target_semaphore(%arg13 : memref<!tpu.dma_semaphore, #tpu.memory_space<semaphore_mem>>)
          %dma_start3A_406 = arith.constant 6 : i32
          %dma_start3A_407 = arith.constant 6 : i32
          %dma_start3A_408 = arith.constant 0 : i32
          %dma_start3A_409 = tpu.memref_slice %arg10[%dma_start3A_407, %dma_start3A_408] : memref<8x1024xf32, #tpu.memory_space<vmem>> -> memref<1x1024xf32, #tpu.memory_space<vmem>>
          %dma_start3A_410 = tpu.memref_squeeze %dma_start3A_409 : memref<1x1024xf32, #tpu.memory_space<vmem>> -> memref<1024xf32, #tpu.memory_space<vmem>>
          %dma_start3A_411 = arith.constant 0 : i32
          %dma_start3A_412 = tpu.memref_slice %arg3[%select_n3A_302, %dma_start3A_406, %dma_start3A_411] : memref<13x50x1024xf32, #tpu.memory_space<hbm>> -> memref<1x1x1024xf32, #tpu.memory_space<hbm>>
          %dma_start3A_413 = tpu.memref_squeeze %dma_start3A_412 : memref<1x1x1024xf32, #tpu.memory_space<hbm>> -> memref<1024xf32, #tpu.memory_space<hbm>>
          %dma_start3A_414 = arith.constant 0 : i32
          %dma_start3A_415 = tpu.memref_slice %arg10[%dma_start3A_407, %dma_start3A_414] : memref<8x1024xf32, #tpu.memory_space<vmem>> -> memref<1x1024xf32, #tpu.memory_space<vmem>>
          %dma_start3A_416 = tpu.memref_squeeze %dma_start3A_415 : memref<1x1024xf32, #tpu.memory_space<vmem>> -> memref<1024xf32, #tpu.memory_space<vmem>>
          %dma_start3A_417 = arith.constant 0 : i32
          %dma_start3A_418 = tpu.memref_slice %arg3[%select_n3A_302, %dma_start3A_406, %dma_start3A_417] : memref<13x50x1024xf32, #tpu.memory_space<hbm>> -> memref<1x1x1024xf32, #tpu.memory_space<hbm>>
          %dma_start3A_419 = tpu.memref_squeeze %dma_start3A_418 : memref<1x1x1024xf32, #tpu.memory_space<hbm>> -> memref<1024xf32, #tpu.memory_space<hbm>>
          tpu.enqueue_dma source(%dma_start3A_419 : memref<1024xf32, #tpu.memory_space<hbm>>) target(%dma_start3A_416 : memref<1024xf32, #tpu.memory_space<vmem>>) target_semaphore(%arg13 : memref<!tpu.dma_semaphore, #tpu.memory_space<semaphore_mem>>)
          %dma_start3A_420 = arith.constant 7 : i32
          %dma_start3A_421 = arith.constant 7 : i32
          %dma_start3A_422 = arith.constant 0 : i32
          %dma_start3A_423 = tpu.memref_slice %arg10[%dma_start3A_421, %dma_start3A_422] : memref<8x1024xf32, #tpu.memory_space<vmem>> -> memref<1x1024xf32, #tpu.memory_space<vmem>>
          %dma_start3A_424 = tpu.memref_squeeze %dma_start3A_423 : memref<1x1024xf32, #tpu.memory_space<vmem>> -> memref<1024xf32, #tpu.memory_space<vmem>>
          %dma_start3A_425 = arith.constant 0 : i32
          %dma_start3A_426 = tpu.memref_slice %arg3[%select_n3A_302, %dma_start3A_420, %dma_start3A_425] : memref<13x50x1024xf32, #tpu.memory_space<hbm>> -> memref<1x1x1024xf32, #tpu.memory_space<hbm>>
          %dma_start3A_427 = tpu.memref_squeeze %dma_start3A_426 : memref<1x1x1024xf32, #tpu.memory_space<hbm>> -> memref<1024xf32, #tpu.memory_space<hbm>>
          %dma_start3A_428 = arith.constant 0 : i32
          %dma_start3A_429 = tpu.memref_slice %arg10[%dma_start3A_421, %dma_start3A_428] : memref<8x1024xf32, #tpu.memory_space<vmem>> -> memref<1x1024xf32, #tpu.memory_space<vmem>>
          %dma_start3A_430 = tpu.memref_squeeze %dma_start3A_429 : memref<1x1024xf32, #tpu.memory_space<vmem>> -> memref<1024xf32, #tpu.memory_space<vmem>>
          %dma_start3A_431 = arith.constant 0 : i32
          %dma_start3A_432 = tpu.memref_slice %arg3[%select_n3A_302, %dma_start3A_420, %dma_start3A_431] : memref<13x50x1024xf32, #tpu.memory_space<hbm>> -> memref<1x1x1024xf32, #tpu.memory_space<hbm>>
          %dma_start3A_433 = tpu.memref_squeeze %dma_start3A_432 : memref<1x1x1024xf32, #tpu.memory_space<hbm>> -> memref<1024xf32, #tpu.memory_space<hbm>>
          tpu.enqueue_dma source(%dma_start3A_433 : memref<1024xf32, #tpu.memory_space<hbm>>) target(%dma_start3A_430 : memref<1024xf32, #tpu.memory_space<vmem>>) target_semaphore(%arg13 : memref<!tpu.dma_semaphore, #tpu.memory_space<semaphore_mem>>)
          %scan3A_434 = arith.constant 0 : i32
          %scan3A_435 = arith.constant 0 : i32
          %scan3A_436 = arith.constant 50 : i32
          %scan3A_437 = arith.addi %scan3A_435, %scan3A_436 : i32
          %scan3A_438 = arith.constant 1 : i32
          scf.for %scan3A_446 = %scan3A_435 to %scan3A_437 step %scan3A_438  : i32 {
            %rem3A_447 = arith.constant 8 : i32
            %rem3A_448 = arith.remsi %scan3A_446, %rem3A_447 : i32
            %dma_wait3A_449 = arith.constant 0 : i32
            %dma_wait3A_450 = tpu.memref_slice %arg10[%rem3A_448, %dma_wait3A_449] : memref<8x1024xf32, #tpu.memory_space<vmem>> -> memref<1x1024xf32, #tpu.memory_space<vmem>>
            %dma_wait3A_451 = tpu.memref_squeeze %dma_wait3A_450 : memref<1x1024xf32, #tpu.memory_space<vmem>> -> memref<1024xf32, #tpu.memory_space<vmem>>
            %dma_wait3A_452 = arith.constant 0 : i32
            %dma_wait3A_453 = tpu.memref_slice %arg3[%select_n3A_302, %scan3A_446, %dma_wait3A_452] : memref<13x50x1024xf32, #tpu.memory_space<hbm>> -> memref<1x1x1024xf32, #tpu.memory_space<hbm>>
            %dma_wait3A_454 = tpu.memref_squeeze %dma_wait3A_453 : memref<1x1x1024xf32, #tpu.memory_space<hbm>> -> memref<1024xf32, #tpu.memory_space<hbm>>
            %dma_wait3A_455 = arith.constant 0 : i32
            %dma_wait3A_456 = tpu.memref_slice %arg10[%rem3A_448, %dma_wait3A_455] : memref<8x1024xf32, #tpu.memory_space<vmem>> -> memref<1x1024xf32, #tpu.memory_space<vmem>>
            %dma_wait3A_457 = tpu.memref_squeeze %dma_wait3A_456 : memref<1x1024xf32, #tpu.memory_space<vmem>> -> memref<1024xf32, #tpu.memory_space<vmem>>
            %dma_wait3A_458 = arith.constant 0 : i32
            %dma_wait3A_459 = tpu.memref_slice %arg3[%select_n3A_302, %scan3A_446, %dma_wait3A_458] : memref<13x50x1024xf32, #tpu.memory_space<hbm>> -> memref<1x1x1024xf32, #tpu.memory_space<hbm>>
            %dma_wait3A_460 = tpu.memref_squeeze %dma_wait3A_459 : memref<1x1x1024xf32, #tpu.memory_space<hbm>> -> memref<1024xf32, #tpu.memory_space<hbm>>
            tpu.wait_dma2 semaphore(%arg13 : memref<!tpu.dma_semaphore, #tpu.memory_space<semaphore_mem>>) src(%dma_wait3A_460 : memref<1024xf32, #tpu.memory_space<hbm>>) dst(%dma_wait3A_457 : memref<1024xf32, #tpu.memory_space<vmem>>)
            %ge3A = arith.constant 8 : i32
            %ge3A_461 = arith.cmpi sge, %scan3A_446, %ge3A : i32
            %convert_element_type3A_462 = arith.extui %ge3A_461 : i1 to i32
            %cond3A_463 = arith.constant 0 : i32
            %cond3A_464 = arith.cmpi ne, %convert_element_type3A_462, %cond3A_463 : i32
            scf.if %cond3A_464 {
              %dma_wait3A_930 = arith.constant 0 : i32
              %dma_wait3A_931 = arith.constant 0 : i32
              %dma_wait3A_932 = arith.constant 0 : i32
              %dma_wait3A_933 = arith.constant 0 : i32
              %dma_wait3A_934 = tpu.memref_slice %arg9[%rem3A_448, %dma_wait3A_933] : memref<8x1024xf32, #tpu.memory_space<vmem>> -> memref<1x1024xf32, #tpu.memory_space<vmem>>
              %dma_wait3A_935 = tpu.memref_squeeze %dma_wait3A_934 : memref<1x1024xf32, #tpu.memory_space<vmem>> -> memref<1024xf32, #tpu.memory_space<vmem>>
              %dma_wait3A_936 = arith.constant 0 : i32
              %dma_wait3A_937 = tpu.memref_slice %arg6[%dma_wait3A_930, %dma_wait3A_931, %dma_wait3A_932, %dma_wait3A_936] : memref<50x39x16x1024xf32, #tpu.memory_space<hbm>> -> memref<1x1x1x1024xf32, #tpu.memory_space<hbm>>
              %dma_wait3A_938 = tpu.memref_squeeze %dma_wait3A_937 : memref<1x1x1x1024xf32, #tpu.memory_space<hbm>> -> memref<1024xf32, #tpu.memory_space<hbm>>
              %dma_wait3A_939 = arith.constant 0 : i32
              %dma_wait3A_940 = tpu.memref_slice %arg6[%dma_wait3A_930, %dma_wait3A_931, %dma_wait3A_932, %dma_wait3A_939] : memref<50x39x16x1024xf32, #tpu.memory_space<hbm>> -> memref<1x1x1x1024xf32, #tpu.memory_space<hbm>>
              %dma_wait3A_941 = tpu.memref_squeeze %dma_wait3A_940 : memref<1x1x1x1024xf32, #tpu.memory_space<hbm>> -> memref<1024xf32, #tpu.memory_space<hbm>>
              %dma_wait3A_942 = arith.constant 0 : i32
              %dma_wait3A_943 = tpu.memref_slice %arg9[%rem3A_448, %dma_wait3A_942] : memref<8x1024xf32, #tpu.memory_space<vmem>> -> memref<1x1024xf32, #tpu.memory_space<vmem>>
              %dma_wait3A_944 = tpu.memref_squeeze %dma_wait3A_943 : memref<1x1024xf32, #tpu.memory_space<vmem>> -> memref<1024xf32, #tpu.memory_space<vmem>>
              tpu.wait_dma2 semaphore(%arg14 : memref<!tpu.dma_semaphore, #tpu.memory_space<semaphore_mem>>) src(%dma_wait3A_944 : memref<1024xf32, #tpu.memory_space<vmem>>) dst(%dma_wait3A_941 : memref<1024xf32, #tpu.memory_space<hbm>>)
            } else {
            }
            %get3A = arith.index_cast %rem3A_448 : i32 to index
            %get3A_465 = arith.constant 0 : index
            %get3A_466 = tpu.vector_load %arg10[%get3A, %get3A_465] {strides = array<i32>} : memref<8x1024xf32, #tpu.memory_space<vmem>>, vector<16xf32>,
            %mul3A_467 = arith.mulf %get3A_466, %gather3A : vector<16xf32>
            %swap3A = arith.index_cast %rem3A_448 : i32 to index
            %swap3A_468 = arith.constant 0 : index
            %swap3A_469 = tpu.vector_load %arg9[%swap3A, %swap3A_468] {strides = array<i32>} : memref<8x1024xf32, #tpu.memory_space<vmem>>, vector<16xf32>,
            tpu.vector_store %arg9[%swap3A, %swap3A_468], %mul3A_467 {strides = array<i32>} : memref<8x1024xf32, #tpu.memory_space<vmem>>, vector<16xf32>,
            %get3A_470 = arith.index_cast %rem3A_448 : i32 to index
            %get3A_471 = arith.constant 16 : index
            %get3A_472 = tpu.vector_load %arg10[%get3A_470, %get3A_471] {strides = array<i32>} : memref<8x1024xf32, #tpu.memory_space<vmem>>, vector<16xf32>,
            %mul3A_473 = arith.mulf %get3A_472, %gather3A : vector<16xf32>
            %swap3A_474 = arith.index_cast %rem3A_448 : i32 to index
            %swap3A_475 = arith.constant 16 : index
            %swap3A_476 = tpu.vector_load %arg9[%swap3A_474, %swap3A_475] {strides = array<i32>} : memref<8x1024xf32, #tpu.memory_space<vmem>>, vector<16xf32>,
            tpu.vector_store %arg9[%swap3A_474, %swap3A_475], %mul3A_473 {strides = array<i32>} : memref<8x1024xf32, #tpu.memory_space<vmem>>, vector<16xf32>,
            %get3A_477 = arith.index_cast %rem3A_448 : i32 to index
            %get3A_478 = arith.constant 32 : index
            %get3A_479 = tpu.vector_load %arg10[%get3A_477, %get3A_478] {strides = array<i32>} : memref<8x1024xf32, #tpu.memory_space<vmem>>, vector<16xf32>,
            %mul3A_480 = arith.mulf %get3A_479, %gather3A : vector<16xf32>
            %swap3A_481 = arith.index_cast %rem3A_448 : i32 to index
            %swap3A_482 = arith.constant 32 : index
            %swap3A_483 = tpu.vector_load %arg9[%swap3A_481, %swap3A_482] {strides = array<i32>} : memref<8x1024xf32, #tpu.memory_space<vmem>>, vector<16xf32>,
            tpu.vector_store %arg9[%swap3A_481, %swap3A_482], %mul3A_480 {strides = array<i32>} : memref<8x1024xf32, #tpu.memory_space<vmem>>, vector<16xf32>,
            %get3A_484 = arith.index_cast %rem3A_448 : i32 to index
            %get3A_485 = arith.constant 48 : index
            %get3A_486 = tpu.vector_load %arg10[%get3A_484, %get3A_485] {strides = array<i32>} : memref<8x1024xf32, #tpu.memory_space<vmem>>, vector<16xf32>,
            %mul3A_487 = arith.mulf %get3A_486, %gather3A : vector<16xf32>
            %swap3A_488 = arith.index_cast %rem3A_448 : i32 to index
            %swap3A_489 = arith.constant 48 : index
            %swap3A_490 = tpu.vector_load %arg9[%swap3A_488, %swap3A_489] {strides = array<i32>} : memref<8x1024xf32, #tpu.memory_space<vmem>>, vector<16xf32>,
            tpu.vector_store %arg9[%swap3A_488, %swap3A_489], %mul3A_487 {strides = array<i32>} : memref<8x1024xf32, #tpu.memory_space<vmem>>, vector<16xf32>,
            %get3A_491 = arith.index_cast %rem3A_448 : i32 to index
            %get3A_492 = arith.constant 64 : index
            %get3A_493 = tpu.vector_load %arg10[%get3A_491, %get3A_492] {strides = array<i32>} : memref<8x1024xf32, #tpu.memory_space<vmem>>, vector<16xf32>,
            %mul3A_494 = arith.mulf %get3A_493, %gather3A : vector<16xf32>
            %swap3A_495 = arith.index_cast %rem3A_448 : i32 to index
            %swap3A_496 = arith.constant 64 : index
            %swap3A_497 = tpu.vector_load %arg9[%swap3A_495, %swap3A_496] {strides = array<i32>} : memref<8x1024xf32, #tpu.memory_space<vmem>>, vector<16xf32>,
            tpu.vector_store %arg9[%swap3A_495, %swap3A_496], %mul3A_494 {strides = array<i32>} : memref<8x1024xf32, #tpu.memory_space<vmem>>, vector<16xf32>,
            %get3A_498 = arith.index_cast %rem3A_448 : i32 to index
            %get3A_499 = arith.constant 80 : index
            %get3A_500 = tpu.vector_load %arg10[%get3A_498, %get3A_499] {strides = array<i32>} : memref<8x1024xf32, #tpu.memory_space<vmem>>, vector<16xf32>,
            %mul3A_501 = arith.mulf %get3A_500, %gather3A : vector<16xf32>
            %swap3A_502 = arith.index_cast %rem3A_448 : i32 to index
            %swap3A_503 = arith.constant 80 : index
            %swap3A_504 = tpu.vector_load %arg9[%swap3A_502, %swap3A_503] {strides = array<i32>} : memref<8x1024xf32, #tpu.memory_space<vmem>>, vector<16xf32>,
            tpu.vector_store %arg9[%swap3A_502, %swap3A_503], %mul3A_501 {strides = array<i32>} : memref<8x1024xf32, #tpu.memory_space<vmem>>, vector<16xf32>,
            %get3A_505 = arith.index_cast %rem3A_448 : i32 to index
            %get3A_506 = arith.constant 96 : index
            %get3A_507 = tpu.vector_load %arg10[%get3A_505, %get3A_506] {strides = array<i32>} : memref<8x1024xf32, #tpu.memory_space<vmem>>, vector<16xf32>,
            %mul3A_508 = arith.mulf %get3A_507, %gather3A : vector<16xf32>
            %swap3A_509 = arith.index_cast %rem3A_448 : i32 to index
            %swap3A_510 = arith.constant 96 : index
            %swap3A_511 = tpu.vector_load %arg9[%swap3A_509, %swap3A_510] {strides = array<i32>} : memref<8x1024xf32, #tpu.memory_space<vmem>>, vector<16xf32>,
            tpu.vector_store %arg9[%swap3A_509, %swap3A_510], %mul3A_508 {strides = array<i32>} : memref<8x1024xf32, #tpu.memory_space<vmem>>, vector<16xf32>,
            %get3A_512 = arith.index_cast %rem3A_448 : i32 to index
            %get3A_513 = arith.constant 112 : index
            %get3A_514 = tpu.vector_load %arg10[%get3A_512, %get3A_513] {strides = array<i32>} : memref<8x1024xf32, #tpu.memory_space<vmem>>, vector<16xf32>,
            %mul3A_515 = arith.mulf %get3A_514, %gather3A : vector<16xf32>
            %swap3A_516 = arith.index_cast %rem3A_448 : i32 to index
            %swap3A_517 = arith.constant 112 : index
            %swap3A_518 = tpu.vector_load %arg9[%swap3A_516, %swap3A_517] {strides = array<i32>} : memref<8x1024xf32, #tpu.memory_space<vmem>>, vector<16xf32>,
            tpu.vector_store %arg9[%swap3A_516, %swap3A_517], %mul3A_515 {strides = array<i32>} : memref<8x1024xf32, #tpu.memory_space<vmem>>, vector<16xf32>,
            %get3A_519 = arith.index_cast %rem3A_448 : i32 to index
            %get3A_520 = arith.constant 128 : index
            %get3A_521 = tpu.vector_load %arg10[%get3A_519, %get3A_520] {strides = array<i32>} : memref<8x1024xf32, #tpu.memory_space<vmem>>, vector<16xf32>,
            %mul3A_522 = arith.mulf %get3A_521, %gather3A : vector<16xf32>
            %swap3A_523 = arith.index_cast %rem3A_448 : i32 to index
            %swap3A_524 = arith.constant 128 : index
            %swap3A_525 = tpu.vector_load %arg9[%swap3A_523, %swap3A_524] {strides = array<i32>} : memref<8x1024xf32, #tpu.memory_space<vmem>>, vector<16xf32>,
            tpu.vector_store %arg9[%swap3A_523, %swap3A_524], %mul3A_522 {strides = array<i32>} : memref<8x1024xf32, #tpu.memory_space<vmem>>, vector<16xf32>,
            %get3A_526 = arith.index_cast %rem3A_448 : i32 to index
            %get3A_527 = arith.constant 144 : index
            %get3A_528 = tpu.vector_load %arg10[%get3A_526, %get3A_527] {strides = array<i32>} : memref<8x1024xf32, #tpu.memory_space<vmem>>, vector<16xf32>,
            %mul3A_529 = arith.mulf %get3A_528, %gather3A : vector<16xf32>
            %swap3A_530 = arith.index_cast %rem3A_448 : i32 to index
            %swap3A_531 = arith.constant 144 : index
            %swap3A_532 = tpu.vector_load %arg9[%swap3A_530, %swap3A_531] {strides = array<i32>} : memref<8x1024xf32, #tpu.memory_space<vmem>>, vector<16xf32>,
            tpu.vector_store %arg9[%swap3A_530, %swap3A_531], %mul3A_529 {strides = array<i32>} : memref<8x1024xf32, #tpu.memory_space<vmem>>, vector<16xf32>,
            %get3A_533 = arith.index_cast %rem3A_448 : i32 to index
            %get3A_534 = arith.constant 160 : index
            %get3A_535 = tpu.vector_load %arg10[%get3A_533, %get3A_534] {strides = array<i32>} : memref<8x1024xf32, #tpu.memory_space<vmem>>, vector<16xf32>,
            %mul3A_536 = arith.mulf %get3A_535, %gather3A : vector<16xf32>
            %swap3A_537 = arith.index_cast %rem3A_448 : i32 to index
            %swap3A_538 = arith.constant 160 : index
            %swap3A_539 = tpu.vector_load %arg9[%swap3A_537, %swap3A_538] {strides = array<i32>} : memref<8x1024xf32, #tpu.memory_space<vmem>>, vector<16xf32>,
            tpu.vector_store %arg9[%swap3A_537, %swap3A_538], %mul3A_536 {strides = array<i32>} : memref<8x1024xf32, #tpu.memory_space<vmem>>, vector<16xf32>,
            %get3A_540 = arith.index_cast %rem3A_448 : i32 to index
            %get3A_541 = arith.constant 176 : index
            %get3A_542 = tpu.vector_load %arg10[%get3A_540, %get3A_541] {strides = array<i32>} : memref<8x1024xf32, #tpu.memory_space<vmem>>, vector<16xf32>,
            %mul3A_543 = arith.mulf %get3A_542, %gather3A : vector<16xf32>
            %swap3A_544 = arith.index_cast %rem3A_448 : i32 to index
            %swap3A_545 = arith.constant 176 : index
            %swap3A_546 = tpu.vector_load %arg9[%swap3A_544, %swap3A_545] {strides = array<i32>} : memref<8x1024xf32, #tpu.memory_space<vmem>>, vector<16xf32>,
            tpu.vector_store %arg9[%swap3A_544, %swap3A_545], %mul3A_543 {strides = array<i32>} : memref<8x1024xf32, #tpu.memory_space<vmem>>, vector<16xf32>,
            %get3A_547 = arith.index_cast %rem3A_448 : i32 to index
            %get3A_548 = arith.constant 192 : index
            %get3A_549 = tpu.vector_load %arg10[%get3A_547, %get3A_548] {strides = array<i32>} : memref<8x1024xf32, #tpu.memory_space<vmem>>, vector<16xf32>,
            %mul3A_550 = arith.mulf %get3A_549, %gather3A : vector<16xf32>
            %swap3A_551 = arith.index_cast %rem3A_448 : i32 to index
            %swap3A_552 = arith.constant 192 : index
            %swap3A_553 = tpu.vector_load %arg9[%swap3A_551, %swap3A_552] {strides = array<i32>} : memref<8x1024xf32, #tpu.memory_space<vmem>>, vector<16xf32>,
            tpu.vector_store %arg9[%swap3A_551, %swap3A_552], %mul3A_550 {strides = array<i32>} : memref<8x1024xf32, #tpu.memory_space<vmem>>, vector<16xf32>,
            %get3A_554 = arith.index_cast %rem3A_448 : i32 to index
            %get3A_555 = arith.constant 208 : index
            %get3A_556 = tpu.vector_load %arg10[%get3A_554, %get3A_555] {strides = array<i32>} : memref<8x1024xf32, #tpu.memory_space<vmem>>, vector<16xf32>,
            %mul3A_557 = arith.mulf %get3A_556, %gather3A : vector<16xf32>
            %swap3A_558 = arith.index_cast %rem3A_448 : i32 to index
            %swap3A_559 = arith.constant 208 : index
            %swap3A_560 = tpu.vector_load %arg9[%swap3A_558, %swap3A_559] {strides = array<i32>} : memref<8x1024xf32, #tpu.memory_space<vmem>>, vector<16xf32>,
            tpu.vector_store %arg9[%swap3A_558, %swap3A_559], %mul3A_557 {strides = array<i32>} : memref<8x1024xf32, #tpu.memory_space<vmem>>, vector<16xf32>,
            %get3A_561 = arith.index_cast %rem3A_448 : i32 to index
            %get3A_562 = arith.constant 224 : index
            %get3A_563 = tpu.vector_load %arg10[%get3A_561, %get3A_562] {strides = array<i32>} : memref<8x1024xf32, #tpu.memory_space<vmem>>, vector<16xf32>,
            %mul3A_564 = arith.mulf %get3A_563, %gather3A : vector<16xf32>
            %swap3A_565 = arith.index_cast %rem3A_448 : i32 to index
            %swap3A_566 = arith.constant 224 : index
            %swap3A_567 = tpu.vector_load %arg9[%swap3A_565, %swap3A_566] {strides = array<i32>} : memref<8x1024xf32, #tpu.memory_space<vmem>>, vector<16xf32>,
            tpu.vector_store %arg9[%swap3A_565, %swap3A_566], %mul3A_564 {strides = array<i32>} : memref<8x1024xf32, #tpu.memory_space<vmem>>, vector<16xf32>,
            %get3A_568 = arith.index_cast %rem3A_448 : i32 to index
            %get3A_569 = arith.constant 240 : index
            %get3A_570 = tpu.vector_load %arg10[%get3A_568, %get3A_569] {strides = array<i32>} : memref<8x1024xf32, #tpu.memory_space<vmem>>, vector<16xf32>,
            %mul3A_571 = arith.mulf %get3A_570, %gather3A : vector<16xf32>
            %swap3A_572 = arith.index_cast %rem3A_448 : i32 to index
            %swap3A_573 = arith.constant 240 : index
            %swap3A_574 = tpu.vector_load %arg9[%swap3A_572, %swap3A_573] {strides = array<i32>} : memref<8x1024xf32, #tpu.memory_space<vmem>>, vector<16xf32>,
            tpu.vector_store %arg9[%swap3A_572, %swap3A_573], %mul3A_571 {strides = array<i32>} : memref<8x1024xf32, #tpu.memory_space<vmem>>, vector<16xf32>,
            %get3A_575 = arith.index_cast %rem3A_448 : i32 to index
            %get3A_576 = arith.constant 256 : index
            %get3A_577 = tpu.vector_load %arg10[%get3A_575, %get3A_576] {strides = array<i32>} : memref<8x1024xf32, #tpu.memory_space<vmem>>, vector<16xf32>,
            %mul3A_578 = arith.mulf %get3A_577, %gather3A : vector<16xf32>
            %swap3A_579 = arith.index_cast %rem3A_448 : i32 to index
            %swap3A_580 = arith.constant 256 : index
            %swap3A_581 = tpu.vector_load %arg9[%swap3A_579, %swap3A_580] {strides = array<i32>} : memref<8x1024xf32, #tpu.memory_space<vmem>>, vector<16xf32>,
            tpu.vector_store %arg9[%swap3A_579, %swap3A_580], %mul3A_578 {strides = array<i32>} : memref<8x1024xf32, #tpu.memory_space<vmem>>, vector<16xf32>,
            %get3A_582 = arith.index_cast %rem3A_448 : i32 to index
            %get3A_583 = arith.constant 272 : index
            %get3A_584 = tpu.vector_load %arg10[%get3A_582, %get3A_583] {strides = array<i32>} : memref<8x1024xf32, #tpu.memory_space<vmem>>, vector<16xf32>,
            %mul3A_585 = arith.mulf %get3A_584, %gather3A : vector<16xf32>
            %swap3A_586 = arith.index_cast %rem3A_448 : i32 to index
            %swap3A_587 = arith.constant 272 : index
            %swap3A_588 = tpu.vector_load %arg9[%swap3A_586, %swap3A_587] {strides = array<i32>} : memref<8x1024xf32, #tpu.memory_space<vmem>>, vector<16xf32>,
            tpu.vector_store %arg9[%swap3A_586, %swap3A_587], %mul3A_585 {strides = array<i32>} : memref<8x1024xf32, #tpu.memory_space<vmem>>, vector<16xf32>,
            %get3A_589 = arith.index_cast %rem3A_448 : i32 to index
            %get3A_590 = arith.constant 288 : index
            %get3A_591 = tpu.vector_load %arg10[%get3A_589, %get3A_590] {strides = array<i32>} : memref<8x1024xf32, #tpu.memory_space<vmem>>, vector<16xf32>,
            %mul3A_592 = arith.mulf %get3A_591, %gather3A : vector<16xf32>
            %swap3A_593 = arith.index_cast %rem3A_448 : i32 to index
            %swap3A_594 = arith.constant 288 : index
            %swap3A_595 = tpu.vector_load %arg9[%swap3A_593, %swap3A_594] {strides = array<i32>} : memref<8x1024xf32, #tpu.memory_space<vmem>>, vector<16xf32>,
            tpu.vector_store %arg9[%swap3A_593, %swap3A_594], %mul3A_592 {strides = array<i32>} : memref<8x1024xf32, #tpu.memory_space<vmem>>, vector<16xf32>,
            %get3A_596 = arith.index_cast %rem3A_448 : i32 to index
            %get3A_597 = arith.constant 304 : index
            %get3A_598 = tpu.vector_load %arg10[%get3A_596, %get3A_597] {strides = array<i32>} : memref<8x1024xf32, #tpu.memory_space<vmem>>, vector<16xf32>,
            %mul3A_599 = arith.mulf %get3A_598, %gather3A : vector<16xf32>
            %swap3A_600 = arith.index_cast %rem3A_448 : i32 to index
            %swap3A_601 = arith.constant 304 : index
            %swap3A_602 = tpu.vector_load %arg9[%swap3A_600, %swap3A_601] {strides = array<i32>} : memref<8x1024xf32, #tpu.memory_space<vmem>>, vector<16xf32>,
            tpu.vector_store %arg9[%swap3A_600, %swap3A_601], %mul3A_599 {strides = array<i32>} : memref<8x1024xf32, #tpu.memory_space<vmem>>, vector<16xf32>,
            %get3A_603 = arith.index_cast %rem3A_448 : i32 to index
            %get3A_604 = arith.constant 320 : index
            %get3A_605 = tpu.vector_load %arg10[%get3A_603, %get3A_604] {strides = array<i32>} : memref<8x1024xf32, #tpu.memory_space<vmem>>, vector<16xf32>,
            %mul3A_606 = arith.mulf %get3A_605, %gather3A : vector<16xf32>
            %swap3A_607 = arith.index_cast %rem3A_448 : i32 to index
            %swap3A_608 = arith.constant 320 : index
            %swap3A_609 = tpu.vector_load %arg9[%swap3A_607, %swap3A_608] {strides = array<i32>} : memref<8x1024xf32, #tpu.memory_space<vmem>>, vector<16xf32>,
            tpu.vector_store %arg9[%swap3A_607, %swap3A_608], %mul3A_606 {strides = array<i32>} : memref<8x1024xf32, #tpu.memory_space<vmem>>, vector<16xf32>,
            %get3A_610 = arith.index_cast %rem3A_448 : i32 to index
            %get3A_611 = arith.constant 336 : index
            %get3A_612 = tpu.vector_load %arg10[%get3A_610, %get3A_611] {strides = array<i32>} : memref<8x1024xf32, #tpu.memory_space<vmem>>, vector<16xf32>,
            %mul3A_613 = arith.mulf %get3A_612, %gather3A : vector<16xf32>
            %swap3A_614 = arith.index_cast %rem3A_448 : i32 to index
            %swap3A_615 = arith.constant 336 : index
            %swap3A_616 = tpu.vector_load %arg9[%swap3A_614, %swap3A_615] {strides = array<i32>} : memref<8x1024xf32, #tpu.memory_space<vmem>>, vector<16xf32>,
            tpu.vector_store %arg9[%swap3A_614, %swap3A_615], %mul3A_613 {strides = array<i32>} : memref<8x1024xf32, #tpu.memory_space<vmem>>, vector<16xf32>,
            %get3A_617 = arith.index_cast %rem3A_448 : i32 to index
            %get3A_618 = arith.constant 352 : index
            %get3A_619 = tpu.vector_load %arg10[%get3A_617, %get3A_618] {strides = array<i32>} : memref<8x1024xf32, #tpu.memory_space<vmem>>, vector<16xf32>,
            %mul3A_620 = arith.mulf %get3A_619, %gather3A : vector<16xf32>
            %swap3A_621 = arith.index_cast %rem3A_448 : i32 to index
            %swap3A_622 = arith.constant 352 : index
            %swap3A_623 = tpu.vector_load %arg9[%swap3A_621, %swap3A_622] {strides = array<i32>} : memref<8x1024xf32, #tpu.memory_space<vmem>>, vector<16xf32>,
            tpu.vector_store %arg9[%swap3A_621, %swap3A_622], %mul3A_620 {strides = array<i32>} : memref<8x1024xf32, #tpu.memory_space<vmem>>, vector<16xf32>,
            %get3A_624 = arith.index_cast %rem3A_448 : i32 to index
            %get3A_625 = arith.constant 368 : index
            %get3A_626 = tpu.vector_load %arg10[%get3A_624, %get3A_625] {strides = array<i32>} : memref<8x1024xf32, #tpu.memory_space<vmem>>, vector<16xf32>,
            %mul3A_627 = arith.mulf %get3A_626, %gather3A : vector<16xf32>
            %swap3A_628 = arith.index_cast %rem3A_448 : i32 to index
            %swap3A_629 = arith.constant 368 : index
            %swap3A_630 = tpu.vector_load %arg9[%swap3A_628, %swap3A_629] {strides = array<i32>} : memref<8x1024xf32, #tpu.memory_space<vmem>>, vector<16xf32>,
            tpu.vector_store %arg9[%swap3A_628, %swap3A_629], %mul3A_627 {strides = array<i32>} : memref<8x1024xf32, #tpu.memory_space<vmem>>, vector<16xf32>,
            %get3A_631 = arith.index_cast %rem3A_448 : i32 to index
            %get3A_632 = arith.constant 384 : index
            %get3A_633 = tpu.vector_load %arg10[%get3A_631, %get3A_632] {strides = array<i32>} : memref<8x1024xf32, #tpu.memory_space<vmem>>, vector<16xf32>,
            %mul3A_634 = arith.mulf %get3A_633, %gather3A : vector<16xf32>
            %swap3A_635 = arith.index_cast %rem3A_448 : i32 to index
            %swap3A_636 = arith.constant 384 : index
            %swap3A_637 = tpu.vector_load %arg9[%swap3A_635, %swap3A_636] {strides = array<i32>} : memref<8x1024xf32, #tpu.memory_space<vmem>>, vector<16xf32>,
            tpu.vector_store %arg9[%swap3A_635, %swap3A_636], %mul3A_634 {strides = array<i32>} : memref<8x1024xf32, #tpu.memory_space<vmem>>, vector<16xf32>,
            %get3A_638 = arith.index_cast %rem3A_448 : i32 to index
            %get3A_639 = arith.constant 400 : index
            %get3A_640 = tpu.vector_load %arg10[%get3A_638, %get3A_639] {strides = array<i32>} : memref<8x1024xf32, #tpu.memory_space<vmem>>, vector<16xf32>,
            %mul3A_641 = arith.mulf %get3A_640, %gather3A : vector<16xf32>
            %swap3A_642 = arith.index_cast %rem3A_448 : i32 to index
            %swap3A_643 = arith.constant 400 : index
            %swap3A_644 = tpu.vector_load %arg9[%swap3A_642, %swap3A_643] {strides = array<i32>} : memref<8x1024xf32, #tpu.memory_space<vmem>>, vector<16xf32>,
            tpu.vector_store %arg9[%swap3A_642, %swap3A_643], %mul3A_641 {strides = array<i32>} : memref<8x1024xf32, #tpu.memory_space<vmem>>, vector<16xf32>,
            %get3A_645 = arith.index_cast %rem3A_448 : i32 to index
            %get3A_646 = arith.constant 416 : index
            %get3A_647 = tpu.vector_load %arg10[%get3A_645, %get3A_646] {strides = array<i32>} : memref<8x1024xf32, #tpu.memory_space<vmem>>, vector<16xf32>,
            %mul3A_648 = arith.mulf %get3A_647, %gather3A : vector<16xf32>
            %swap3A_649 = arith.index_cast %rem3A_448 : i32 to index
            %swap3A_650 = arith.constant 416 : index
            %swap3A_651 = tpu.vector_load %arg9[%swap3A_649, %swap3A_650] {strides = array<i32>} : memref<8x1024xf32, #tpu.memory_space<vmem>>, vector<16xf32>,
            tpu.vector_store %arg9[%swap3A_649, %swap3A_650], %mul3A_648 {strides = array<i32>} : memref<8x1024xf32, #tpu.memory_space<vmem>>, vector<16xf32>,
            %get3A_652 = arith.index_cast %rem3A_448 : i32 to index
            %get3A_653 = arith.constant 432 : index
            %get3A_654 = tpu.vector_load %arg10[%get3A_652, %get3A_653] {strides = array<i32>} : memref<8x1024xf32, #tpu.memory_space<vmem>>, vector<16xf32>,
            %mul3A_655 = arith.mulf %get3A_654, %gather3A : vector<16xf32>
            %swap3A_656 = arith.index_cast %rem3A_448 : i32 to index
            %swap3A_657 = arith.constant 432 : index
            %swap3A_658 = tpu.vector_load %arg9[%swap3A_656, %swap3A_657] {strides = array<i32>} : memref<8x1024xf32, #tpu.memory_space<vmem>>, vector<16xf32>,
            tpu.vector_store %arg9[%swap3A_656, %swap3A_657], %mul3A_655 {strides = array<i32>} : memref<8x1024xf32, #tpu.memory_space<vmem>>, vector<16xf32>,
            %get3A_659 = arith.index_cast %rem3A_448 : i32 to index
            %get3A_660 = arith.constant 448 : index
            %get3A_661 = tpu.vector_load %arg10[%get3A_659, %get3A_660] {strides = array<i32>} : memref<8x1024xf32, #tpu.memory_space<vmem>>, vector<16xf32>,
            %mul3A_662 = arith.mulf %get3A_661, %gather3A : vector<16xf32>
            %swap3A_663 = arith.index_cast %rem3A_448 : i32 to index
            %swap3A_664 = arith.constant 448 : index
            %swap3A_665 = tpu.vector_load %arg9[%swap3A_663, %swap3A_664] {strides = array<i32>} : memref<8x1024xf32, #tpu.memory_space<vmem>>, vector<16xf32>,
            tpu.vector_store %arg9[%swap3A_663, %swap3A_664], %mul3A_662 {strides = array<i32>} : memref<8x1024xf32, #tpu.memory_space<vmem>>, vector<16xf32>,
            %get3A_666 = arith.index_cast %rem3A_448 : i32 to index
            %get3A_667 = arith.constant 464 : index
            %get3A_668 = tpu.vector_load %arg10[%get3A_666, %get3A_667] {strides = array<i32>} : memref<8x1024xf32, #tpu.memory_space<vmem>>, vector<16xf32>,
            %mul3A_669 = arith.mulf %get3A_668, %gather3A : vector<16xf32>
            %swap3A_670 = arith.index_cast %rem3A_448 : i32 to index
            %swap3A_671 = arith.constant 464 : index
            %swap3A_672 = tpu.vector_load %arg9[%swap3A_670, %swap3A_671] {strides = array<i32>} : memref<8x1024xf32, #tpu.memory_space<vmem>>, vector<16xf32>,
            tpu.vector_store %arg9[%swap3A_670, %swap3A_671], %mul3A_669 {strides = array<i32>} : memref<8x1024xf32, #tpu.memory_space<vmem>>, vector<16xf32>,
            %get3A_673 = arith.index_cast %rem3A_448 : i32 to index
            %get3A_674 = arith.constant 480 : index
            %get3A_675 = tpu.vector_load %arg10[%get3A_673, %get3A_674] {strides = array<i32>} : memref<8x1024xf32, #tpu.memory_space<vmem>>, vector<16xf32>,
            %mul3A_676 = arith.mulf %get3A_675, %gather3A : vector<16xf32>
            %swap3A_677 = arith.index_cast %rem3A_448 : i32 to index
            %swap3A_678 = arith.constant 480 : index
            %swap3A_679 = tpu.vector_load %arg9[%swap3A_677, %swap3A_678] {strides = array<i32>} : memref<8x1024xf32, #tpu.memory_space<vmem>>, vector<16xf32>,
            tpu.vector_store %arg9[%swap3A_677, %swap3A_678], %mul3A_676 {strides = array<i32>} : memref<8x1024xf32, #tpu.memory_space<vmem>>, vector<16xf32>,
            %get3A_680 = arith.index_cast %rem3A_448 : i32 to index
            %get3A_681 = arith.constant 496 : index
            %get3A_682 = tpu.vector_load %arg10[%get3A_680, %get3A_681] {strides = array<i32>} : memref<8x1024xf32, #tpu.memory_space<vmem>>, vector<16xf32>,
            %mul3A_683 = arith.mulf %get3A_682, %gather3A : vector<16xf32>
            %swap3A_684 = arith.index_cast %rem3A_448 : i32 to index
            %swap3A_685 = arith.constant 496 : index
            %swap3A_686 = tpu.vector_load %arg9[%swap3A_684, %swap3A_685] {strides = array<i32>} : memref<8x1024xf32, #tpu.memory_space<vmem>>, vector<16xf32>,
            tpu.vector_store %arg9[%swap3A_684, %swap3A_685], %mul3A_683 {strides = array<i32>} : memref<8x1024xf32, #tpu.memory_space<vmem>>, vector<16xf32>,
            %get3A_687 = arith.index_cast %rem3A_448 : i32 to index
            %get3A_688 = arith.constant 512 : index
            %get3A_689 = tpu.vector_load %arg10[%get3A_687, %get3A_688] {strides = array<i32>} : memref<8x1024xf32, #tpu.memory_space<vmem>>, vector<16xf32>,
            %mul3A_690 = arith.mulf %get3A_689, %gather3A : vector<16xf32>
            %swap3A_691 = arith.index_cast %rem3A_448 : i32 to index
            %swap3A_692 = arith.constant 512 : index
            %swap3A_693 = tpu.vector_load %arg9[%swap3A_691, %swap3A_692] {strides = array<i32>} : memref<8x1024xf32, #tpu.memory_space<vmem>>, vector<16xf32>,
            tpu.vector_store %arg9[%swap3A_691, %swap3A_692], %mul3A_690 {strides = array<i32>} : memref<8x1024xf32, #tpu.memory_space<vmem>>, vector<16xf32>,
            %get3A_694 = arith.index_cast %rem3A_448 : i32 to index
            %get3A_695 = arith.constant 528 : index
            %get3A_696 = tpu.vector_load %arg10[%get3A_694, %get3A_695] {strides = array<i32>} : memref<8x1024xf32, #tpu.memory_space<vmem>>, vector<16xf32>,
            %mul3A_697 = arith.mulf %get3A_696, %gather3A : vector<16xf32>
            %swap3A_698 = arith.index_cast %rem3A_448 : i32 to index
            %swap3A_699 = arith.constant 528 : index
            %swap3A_700 = tpu.vector_load %arg9[%swap3A_698, %swap3A_699] {strides = array<i32>} : memref<8x1024xf32, #tpu.memory_space<vmem>>, vector<16xf32>,
            tpu.vector_store %arg9[%swap3A_698, %swap3A_699], %mul3A_697 {strides = array<i32>} : memref<8x1024xf32, #tpu.memory_space<vmem>>, vector<16xf32>,
            %get3A_701 = arith.index_cast %rem3A_448 : i32 to index
            %get3A_702 = arith.constant 544 : index
            %get3A_703 = tpu.vector_load %arg10[%get3A_701, %get3A_702] {strides = array<i32>} : memref<8x1024xf32, #tpu.memory_space<vmem>>, vector<16xf32>,
            %mul3A_704 = arith.mulf %get3A_703, %gather3A : vector<16xf32>
            %swap3A_705 = arith.index_cast %rem3A_448 : i32 to index
            %swap3A_706 = arith.constant 544 : index
            %swap3A_707 = tpu.vector_load %arg9[%swap3A_705, %swap3A_706] {strides = array<i32>} : memref<8x1024xf32, #tpu.memory_space<vmem>>, vector<16xf32>,
            tpu.vector_store %arg9[%swap3A_705, %swap3A_706], %mul3A_704 {strides = array<i32>} : memref<8x1024xf32, #tpu.memory_space<vmem>>, vector<16xf32>,
            %get3A_708 = arith.index_cast %rem3A_448 : i32 to index
            %get3A_709 = arith.constant 560 : index
            %get3A_710 = tpu.vector_load %arg10[%get3A_708, %get3A_709] {strides = array<i32>} : memref<8x1024xf32, #tpu.memory_space<vmem>>, vector<16xf32>,
            %mul3A_711 = arith.mulf %get3A_710, %gather3A : vector<16xf32>
            %swap3A_712 = arith.index_cast %rem3A_448 : i32 to index
            %swap3A_713 = arith.constant 560 : index
            %swap3A_714 = tpu.vector_load %arg9[%swap3A_712, %swap3A_713] {strides = array<i32>} : memref<8x1024xf32, #tpu.memory_space<vmem>>, vector<16xf32>,
            tpu.vector_store %arg9[%swap3A_712, %swap3A_713], %mul3A_711 {strides = array<i32>} : memref<8x1024xf32, #tpu.memory_space<vmem>>, vector<16xf32>,
            %get3A_715 = arith.index_cast %rem3A_448 : i32 to index
            %get3A_716 = arith.constant 576 : index
            %get3A_717 = tpu.vector_load %arg10[%get3A_715, %get3A_716] {strides = array<i32>} : memref<8x1024xf32, #tpu.memory_space<vmem>>, vector<16xf32>,
            %mul3A_718 = arith.mulf %get3A_717, %gather3A : vector<16xf32>
            %swap3A_719 = arith.index_cast %rem3A_448 : i32 to index
            %swap3A_720 = arith.constant 576 : index
            %swap3A_721 = tpu.vector_load %arg9[%swap3A_719, %swap3A_720] {strides = array<i32>} : memref<8x1024xf32, #tpu.memory_space<vmem>>, vector<16xf32>,
            tpu.vector_store %arg9[%swap3A_719, %swap3A_720], %mul3A_718 {strides = array<i32>} : memref<8x1024xf32, #tpu.memory_space<vmem>>, vector<16xf32>,
            %get3A_722 = arith.index_cast %rem3A_448 : i32 to index
            %get3A_723 = arith.constant 592 : index
            %get3A_724 = tpu.vector_load %arg10[%get3A_722, %get3A_723] {strides = array<i32>} : memref<8x1024xf32, #tpu.memory_space<vmem>>, vector<16xf32>,
            %mul3A_725 = arith.mulf %get3A_724, %gather3A : vector<16xf32>
            %swap3A_726 = arith.index_cast %rem3A_448 : i32 to index
            %swap3A_727 = arith.constant 592 : index
            %swap3A_728 = tpu.vector_load %arg9[%swap3A_726, %swap3A_727] {strides = array<i32>} : memref<8x1024xf32, #tpu.memory_space<vmem>>, vector<16xf32>,
            tpu.vector_store %arg9[%swap3A_726, %swap3A_727], %mul3A_725 {strides = array<i32>} : memref<8x1024xf32, #tpu.memory_space<vmem>>, vector<16xf32>,
            %get3A_729 = arith.index_cast %rem3A_448 : i32 to index
            %get3A_730 = arith.constant 608 : index
            %get3A_731 = tpu.vector_load %arg10[%get3A_729, %get3A_730] {strides = array<i32>} : memref<8x1024xf32, #tpu.memory_space<vmem>>, vector<16xf32>,
            %mul3A_732 = arith.mulf %get3A_731, %gather3A : vector<16xf32>
            %swap3A_733 = arith.index_cast %rem3A_448 : i32 to index
            %swap3A_734 = arith.constant 608 : index
            %swap3A_735 = tpu.vector_load %arg9[%swap3A_733, %swap3A_734] {strides = array<i32>} : memref<8x1024xf32, #tpu.memory_space<vmem>>, vector<16xf32>,
            tpu.vector_store %arg9[%swap3A_733, %swap3A_734], %mul3A_732 {strides = array<i32>} : memref<8x1024xf32, #tpu.memory_space<vmem>>, vector<16xf32>,
            %get3A_736 = arith.index_cast %rem3A_448 : i32 to index
            %get3A_737 = arith.constant 624 : index
            %get3A_738 = tpu.vector_load %arg10[%get3A_736, %get3A_737] {strides = array<i32>} : memref<8x1024xf32, #tpu.memory_space<vmem>>, vector<16xf32>,
            %mul3A_739 = arith.mulf %get3A_738, %gather3A : vector<16xf32>
            %swap3A_740 = arith.index_cast %rem3A_448 : i32 to index
            %swap3A_741 = arith.constant 624 : index
            %swap3A_742 = tpu.vector_load %arg9[%swap3A_740, %swap3A_741] {strides = array<i32>} : memref<8x1024xf32, #tpu.memory_space<vmem>>, vector<16xf32>,
            tpu.vector_store %arg9[%swap3A_740, %swap3A_741], %mul3A_739 {strides = array<i32>} : memref<8x1024xf32, #tpu.memory_space<vmem>>, vector<16xf32>,
            %get3A_743 = arith.index_cast %rem3A_448 : i32 to index
            %get3A_744 = arith.constant 640 : index
            %get3A_745 = tpu.vector_load %arg10[%get3A_743, %get3A_744] {strides = array<i32>} : memref<8x1024xf32, #tpu.memory_space<vmem>>, vector<16xf32>,
            %mul3A_746 = arith.mulf %get3A_745, %gather3A : vector<16xf32>
            %swap3A_747 = arith.index_cast %rem3A_448 : i32 to index
            %swap3A_748 = arith.constant 640 : index
            %swap3A_749 = tpu.vector_load %arg9[%swap3A_747, %swap3A_748] {strides = array<i32>} : memref<8x1024xf32, #tpu.memory_space<vmem>>, vector<16xf32>,
            tpu.vector_store %arg9[%swap3A_747, %swap3A_748], %mul3A_746 {strides = array<i32>} : memref<8x1024xf32, #tpu.memory_space<vmem>>, vector<16xf32>,
            %get3A_750 = arith.index_cast %rem3A_448 : i32 to index
            %get3A_751 = arith.constant 656 : index
            %get3A_752 = tpu.vector_load %arg10[%get3A_750, %get3A_751] {strides = array<i32>} : memref<8x1024xf32, #tpu.memory_space<vmem>>, vector<16xf32>,
            %mul3A_753 = arith.mulf %get3A_752, %gather3A : vector<16xf32>
            %swap3A_754 = arith.index_cast %rem3A_448 : i32 to index
            %swap3A_755 = arith.constant 656 : index
            %swap3A_756 = tpu.vector_load %arg9[%swap3A_754, %swap3A_755] {strides = array<i32>} : memref<8x1024xf32, #tpu.memory_space<vmem>>, vector<16xf32>,
            tpu.vector_store %arg9[%swap3A_754, %swap3A_755], %mul3A_753 {strides = array<i32>} : memref<8x1024xf32, #tpu.memory_space<vmem>>, vector<16xf32>,
            %get3A_757 = arith.index_cast %rem3A_448 : i32 to index
            %get3A_758 = arith.constant 672 : index
            %get3A_759 = tpu.vector_load %arg10[%get3A_757, %get3A_758] {strides = array<i32>} : memref<8x1024xf32, #tpu.memory_space<vmem>>, vector<16xf32>,
            %mul3A_760 = arith.mulf %get3A_759, %gather3A : vector<16xf32>
            %swap3A_761 = arith.index_cast %rem3A_448 : i32 to index
            %swap3A_762 = arith.constant 672 : index
            %swap3A_763 = tpu.vector_load %arg9[%swap3A_761, %swap3A_762] {strides = array<i32>} : memref<8x1024xf32, #tpu.memory_space<vmem>>, vector<16xf32>,
            tpu.vector_store %arg9[%swap3A_761, %swap3A_762], %mul3A_760 {strides = array<i32>} : memref<8x1024xf32, #tpu.memory_space<vmem>>, vector<16xf32>,
            %get3A_764 = arith.index_cast %rem3A_448 : i32 to index
            %get3A_765 = arith.constant 688 : index
            %get3A_766 = tpu.vector_load %arg10[%get3A_764, %get3A_765] {strides = array<i32>} : memref<8x1024xf32, #tpu.memory_space<vmem>>, vector<16xf32>,
            %mul3A_767 = arith.mulf %get3A_766, %gather3A : vector<16xf32>
            %swap3A_768 = arith.index_cast %rem3A_448 : i32 to index
            %swap3A_769 = arith.constant 688 : index
            %swap3A_770 = tpu.vector_load %arg9[%swap3A_768, %swap3A_769] {strides = array<i32>} : memref<8x1024xf32, #tpu.memory_space<vmem>>, vector<16xf32>,
            tpu.vector_store %arg9[%swap3A_768, %swap3A_769], %mul3A_767 {strides = array<i32>} : memref<8x1024xf32, #tpu.memory_space<vmem>>, vector<16xf32>,
            %get3A_771 = arith.index_cast %rem3A_448 : i32 to index
            %get3A_772 = arith.constant 704 : index
            %get3A_773 = tpu.vector_load %arg10[%get3A_771, %get3A_772] {strides = array<i32>} : memref<8x1024xf32, #tpu.memory_space<vmem>>, vector<16xf32>,
            %mul3A_774 = arith.mulf %get3A_773, %gather3A : vector<16xf32>
            %swap3A_775 = arith.index_cast %rem3A_448 : i32 to index
            %swap3A_776 = arith.constant 704 : index
            %swap3A_777 = tpu.vector_load %arg9[%swap3A_775, %swap3A_776] {strides = array<i32>} : memref<8x1024xf32, #tpu.memory_space<vmem>>, vector<16xf32>,
            tpu.vector_store %arg9[%swap3A_775, %swap3A_776], %mul3A_774 {strides = array<i32>} : memref<8x1024xf32, #tpu.memory_space<vmem>>, vector<16xf32>,
            %get3A_778 = arith.index_cast %rem3A_448 : i32 to index
            %get3A_779 = arith.constant 720 : index
            %get3A_780 = tpu.vector_load %arg10[%get3A_778, %get3A_779] {strides = array<i32>} : memref<8x1024xf32, #tpu.memory_space<vmem>>, vector<16xf32>,
            %mul3A_781 = arith.mulf %get3A_780, %gather3A : vector<16xf32>
            %swap3A_782 = arith.index_cast %rem3A_448 : i32 to index
            %swap3A_783 = arith.constant 720 : index
            %swap3A_784 = tpu.vector_load %arg9[%swap3A_782, %swap3A_783] {strides = array<i32>} : memref<8x1024xf32, #tpu.memory_space<vmem>>, vector<16xf32>,
            tpu.vector_store %arg9[%swap3A_782, %swap3A_783], %mul3A_781 {strides = array<i32>} : memref<8x1024xf32, #tpu.memory_space<vmem>>, vector<16xf32>,
            %get3A_785 = arith.index_cast %rem3A_448 : i32 to index
            %get3A_786 = arith.constant 736 : index
            %get3A_787 = tpu.vector_load %arg10[%get3A_785, %get3A_786] {strides = array<i32>} : memref<8x1024xf32, #tpu.memory_space<vmem>>, vector<16xf32>,
            %mul3A_788 = arith.mulf %get3A_787, %gather3A : vector<16xf32>
            %swap3A_789 = arith.index_cast %rem3A_448 : i32 to index
            %swap3A_790 = arith.constant 736 : index
            %swap3A_791 = tpu.vector_load %arg9[%swap3A_789, %swap3A_790] {strides = array<i32>} : memref<8x1024xf32, #tpu.memory_space<vmem>>, vector<16xf32>,
            tpu.vector_store %arg9[%swap3A_789, %swap3A_790], %mul3A_788 {strides = array<i32>} : memref<8x1024xf32, #tpu.memory_space<vmem>>, vector<16xf32>,
            %get3A_792 = arith.index_cast %rem3A_448 : i32 to index
            %get3A_793 = arith.constant 752 : index
            %get3A_794 = tpu.vector_load %arg10[%get3A_792, %get3A_793] {strides = array<i32>} : memref<8x1024xf32, #tpu.memory_space<vmem>>, vector<16xf32>,
            %mul3A_795 = arith.mulf %get3A_794, %gather3A : vector<16xf32>
            %swap3A_796 = arith.index_cast %rem3A_448 : i32 to index
            %swap3A_797 = arith.constant 752 : index
            %swap3A_798 = tpu.vector_load %arg9[%swap3A_796, %swap3A_797] {strides = array<i32>} : memref<8x1024xf32, #tpu.memory_space<vmem>>, vector<16xf32>,
            tpu.vector_store %arg9[%swap3A_796, %swap3A_797], %mul3A_795 {strides = array<i32>} : memref<8x1024xf32, #tpu.memory_space<vmem>>, vector<16xf32>,
            %get3A_799 = arith.index_cast %rem3A_448 : i32 to index
            %get3A_800 = arith.constant 768 : index
            %get3A_801 = tpu.vector_load %arg10[%get3A_799, %get3A_800] {strides = array<i32>} : memref<8x1024xf32, #tpu.memory_space<vmem>>, vector<16xf32>,
            %mul3A_802 = arith.mulf %get3A_801, %gather3A : vector<16xf32>
            %swap3A_803 = arith.index_cast %rem3A_448 : i32 to index
            %swap3A_804 = arith.constant 768 : index
            %swap3A_805 = tpu.vector_load %arg9[%swap3A_803, %swap3A_804] {strides = array<i32>} : memref<8x1024xf32, #tpu.memory_space<vmem>>, vector<16xf32>,
            tpu.vector_store %arg9[%swap3A_803, %swap3A_804], %mul3A_802 {strides = array<i32>} : memref<8x1024xf32, #tpu.memory_space<vmem>>, vector<16xf32>,
            %get3A_806 = arith.index_cast %rem3A_448 : i32 to index
            %get3A_807 = arith.constant 784 : index
            %get3A_808 = tpu.vector_load %arg10[%get3A_806, %get3A_807] {strides = array<i32>} : memref<8x1024xf32, #tpu.memory_space<vmem>>, vector<16xf32>,
            %mul3A_809 = arith.mulf %get3A_808, %gather3A : vector<16xf32>
            %swap3A_810 = arith.index_cast %rem3A_448 : i32 to index
            %swap3A_811 = arith.constant 784 : index
            %swap3A_812 = tpu.vector_load %arg9[%swap3A_810, %swap3A_811] {strides = array<i32>} : memref<8x1024xf32, #tpu.memory_space<vmem>>, vector<16xf32>,
            tpu.vector_store %arg9[%swap3A_810, %swap3A_811], %mul3A_809 {strides = array<i32>} : memref<8x1024xf32, #tpu.memory_space<vmem>>, vector<16xf32>,
            %get3A_813 = arith.index_cast %rem3A_448 : i32 to index
            %get3A_814 = arith.constant 800 : index
            %get3A_815 = tpu.vector_load %arg10[%get3A_813, %get3A_814] {strides = array<i32>} : memref<8x1024xf32, #tpu.memory_space<vmem>>, vector<16xf32>,
            %mul3A_816 = arith.mulf %get3A_815, %gather3A : vector<16xf32>
            %swap3A_817 = arith.index_cast %rem3A_448 : i32 to index
            %swap3A_818 = arith.constant 800 : index
            %swap3A_819 = tpu.vector_load %arg9[%swap3A_817, %swap3A_818] {strides = array<i32>} : memref<8x1024xf32, #tpu.memory_space<vmem>>, vector<16xf32>,
            tpu.vector_store %arg9[%swap3A_817, %swap3A_818], %mul3A_816 {strides = array<i32>} : memref<8x1024xf32, #tpu.memory_space<vmem>>, vector<16xf32>,
            %get3A_820 = arith.index_cast %rem3A_448 : i32 to index
            %get3A_821 = arith.constant 816 : index
            %get3A_822 = tpu.vector_load %arg10[%get3A_820, %get3A_821] {strides = array<i32>} : memref<8x1024xf32, #tpu.memory_space<vmem>>, vector<16xf32>,
            %mul3A_823 = arith.mulf %get3A_822, %gather3A : vector<16xf32>
            %swap3A_824 = arith.index_cast %rem3A_448 : i32 to index
            %swap3A_825 = arith.constant 816 : index
            %swap3A_826 = tpu.vector_load %arg9[%swap3A_824, %swap3A_825] {strides = array<i32>} : memref<8x1024xf32, #tpu.memory_space<vmem>>, vector<16xf32>,
            tpu.vector_store %arg9[%swap3A_824, %swap3A_825], %mul3A_823 {strides = array<i32>} : memref<8x1024xf32, #tpu.memory_space<vmem>>, vector<16xf32>,
            %get3A_827 = arith.index_cast %rem3A_448 : i32 to index
            %get3A_828 = arith.constant 832 : index
            %get3A_829 = tpu.vector_load %arg10[%get3A_827, %get3A_828] {strides = array<i32>} : memref<8x1024xf32, #tpu.memory_space<vmem>>, vector<16xf32>,
            %mul3A_830 = arith.mulf %get3A_829, %gather3A : vector<16xf32>
            %swap3A_831 = arith.index_cast %rem3A_448 : i32 to index
            %swap3A_832 = arith.constant 832 : index
            %swap3A_833 = tpu.vector_load %arg9[%swap3A_831, %swap3A_832] {strides = array<i32>} : memref<8x1024xf32, #tpu.memory_space<vmem>>, vector<16xf32>,
            tpu.vector_store %arg9[%swap3A_831, %swap3A_832], %mul3A_830 {strides = array<i32>} : memref<8x1024xf32, #tpu.memory_space<vmem>>, vector<16xf32>,
            %get3A_834 = arith.index_cast %rem3A_448 : i32 to index
            %get3A_835 = arith.constant 848 : index
            %get3A_836 = tpu.vector_load %arg10[%get3A_834, %get3A_835] {strides = array<i32>} : memref<8x1024xf32, #tpu.memory_space<vmem>>, vector<16xf32>,
            %mul3A_837 = arith.mulf %get3A_836, %gather3A : vector<16xf32>
            %swap3A_838 = arith.index_cast %rem3A_448 : i32 to index
            %swap3A_839 = arith.constant 848 : index
            %swap3A_840 = tpu.vector_load %arg9[%swap3A_838, %swap3A_839] {strides = array<i32>} : memref<8x1024xf32, #tpu.memory_space<vmem>>, vector<16xf32>,
            tpu.vector_store %arg9[%swap3A_838, %swap3A_839], %mul3A_837 {strides = array<i32>} : memref<8x1024xf32, #tpu.memory_space<vmem>>, vector<16xf32>,
            %get3A_841 = arith.index_cast %rem3A_448 : i32 to index
            %get3A_842 = arith.constant 864 : index
            %get3A_843 = tpu.vector_load %arg10[%get3A_841, %get3A_842] {strides = array<i32>} : memref<8x1024xf32, #tpu.memory_space<vmem>>, vector<16xf32>,
            %mul3A_844 = arith.mulf %get3A_843, %gather3A : vector<16xf32>
            %swap3A_845 = arith.index_cast %rem3A_448 : i32 to index
            %swap3A_846 = arith.constant 864 : index
            %swap3A_847 = tpu.vector_load %arg9[%swap3A_845, %swap3A_846] {strides = array<i32>} : memref<8x1024xf32, #tpu.memory_space<vmem>>, vector<16xf32>,
            tpu.vector_store %arg9[%swap3A_845, %swap3A_846], %mul3A_844 {strides = array<i32>} : memref<8x1024xf32, #tpu.memory_space<vmem>>, vector<16xf32>,
            %get3A_848 = arith.index_cast %rem3A_448 : i32 to index
            %get3A_849 = arith.constant 880 : index
            %get3A_850 = tpu.vector_load %arg10[%get3A_848, %get3A_849] {strides = array<i32>} : memref<8x1024xf32, #tpu.memory_space<vmem>>, vector<16xf32>,
            %mul3A_851 = arith.mulf %get3A_850, %gather3A : vector<16xf32>
            %swap3A_852 = arith.index_cast %rem3A_448 : i32 to index
            %swap3A_853 = arith.constant 880 : index
            %swap3A_854 = tpu.vector_load %arg9[%swap3A_852, %swap3A_853] {strides = array<i32>} : memref<8x1024xf32, #tpu.memory_space<vmem>>, vector<16xf32>,
            tpu.vector_store %arg9[%swap3A_852, %swap3A_853], %mul3A_851 {strides = array<i32>} : memref<8x1024xf32, #tpu.memory_space<vmem>>, vector<16xf32>,
            %get3A_855 = arith.index_cast %rem3A_448 : i32 to index
            %get3A_856 = arith.constant 896 : index
            %get3A_857 = tpu.vector_load %arg10[%get3A_855, %get3A_856] {strides = array<i32>} : memref<8x1024xf32, #tpu.memory_space<vmem>>, vector<16xf32>,
            %mul3A_858 = arith.mulf %get3A_857, %gather3A : vector<16xf32>
            %swap3A_859 = arith.index_cast %rem3A_448 : i32 to index
            %swap3A_860 = arith.constant 896 : index
            %swap3A_861 = tpu.vector_load %arg9[%swap3A_859, %swap3A_860] {strides = array<i32>} : memref<8x1024xf32, #tpu.memory_space<vmem>>, vector<16xf32>,
            tpu.vector_store %arg9[%swap3A_859, %swap3A_860], %mul3A_858 {strides = array<i32>} : memref<8x1024xf32, #tpu.memory_space<vmem>>, vector<16xf32>,
            %get3A_862 = arith.index_cast %rem3A_448 : i32 to index
            %get3A_863 = arith.constant 912 : index
            %get3A_864 = tpu.vector_load %arg10[%get3A_862, %get3A_863] {strides = array<i32>} : memref<8x1024xf32, #tpu.memory_space<vmem>>, vector<16xf32>,
            %mul3A_865 = arith.mulf %get3A_864, %gather3A : vector<16xf32>
            %swap3A_866 = arith.index_cast %rem3A_448 : i32 to index
            %swap3A_867 = arith.constant 912 : index
            %swap3A_868 = tpu.vector_load %arg9[%swap3A_866, %swap3A_867] {strides = array<i32>} : memref<8x1024xf32, #tpu.memory_space<vmem>>, vector<16xf32>,
            tpu.vector_store %arg9[%swap3A_866, %swap3A_867], %mul3A_865 {strides = array<i32>} : memref<8x1024xf32, #tpu.memory_space<vmem>>, vector<16xf32>,
            %get3A_869 = arith.index_cast %rem3A_448 : i32 to index
            %get3A_870 = arith.constant 928 : index
            %get3A_871 = tpu.vector_load %arg10[%get3A_869, %get3A_870] {strides = array<i32>} : memref<8x1024xf32, #tpu.memory_space<vmem>>, vector<16xf32>,
            %mul3A_872 = arith.mulf %get3A_871, %gather3A : vector<16xf32>
            %swap3A_873 = arith.index_cast %rem3A_448 : i32 to index
            %swap3A_874 = arith.constant 928 : index
            %swap3A_875 = tpu.vector_load %arg9[%swap3A_873, %swap3A_874] {strides = array<i32>} : memref<8x1024xf32, #tpu.memory_space<vmem>>, vector<16xf32>,
            tpu.vector_store %arg9[%swap3A_873, %swap3A_874], %mul3A_872 {strides = array<i32>} : memref<8x1024xf32, #tpu.memory_space<vmem>>, vector<16xf32>,
            %get3A_876 = arith.index_cast %rem3A_448 : i32 to index
            %get3A_877 = arith.constant 944 : index
            %get3A_878 = tpu.vector_load %arg10[%get3A_876, %get3A_877] {strides = array<i32>} : memref<8x1024xf32, #tpu.memory_space<vmem>>, vector<16xf32>,
            %mul3A_879 = arith.mulf %get3A_878, %gather3A : vector<16xf32>
            %swap3A_880 = arith.index_cast %rem3A_448 : i32 to index
            %swap3A_881 = arith.constant 944 : index
            %swap3A_882 = tpu.vector_load %arg9[%swap3A_880, %swap3A_881] {strides = array<i32>} : memref<8x1024xf32, #tpu.memory_space<vmem>>, vector<16xf32>,
            tpu.vector_store %arg9[%swap3A_880, %swap3A_881], %mul3A_879 {strides = array<i32>} : memref<8x1024xf32, #tpu.memory_space<vmem>>, vector<16xf32>,
            %get3A_883 = arith.index_cast %rem3A_448 : i32 to index
            %get3A_884 = arith.constant 960 : index
            %get3A_885 = tpu.vector_load %arg10[%get3A_883, %get3A_884] {strides = array<i32>} : memref<8x1024xf32, #tpu.memory_space<vmem>>, vector<16xf32>,
            %mul3A_886 = arith.mulf %get3A_885, %gather3A : vector<16xf32>
            %swap3A_887 = arith.index_cast %rem3A_448 : i32 to index
            %swap3A_888 = arith.constant 960 : index
            %swap3A_889 = tpu.vector_load %arg9[%swap3A_887, %swap3A_888] {strides = array<i32>} : memref<8x1024xf32, #tpu.memory_space<vmem>>, vector<16xf32>,
            tpu.vector_store %arg9[%swap3A_887, %swap3A_888], %mul3A_886 {strides = array<i32>} : memref<8x1024xf32, #tpu.memory_space<vmem>>, vector<16xf32>,
            %get3A_890 = arith.index_cast %rem3A_448 : i32 to index
            %get3A_891 = arith.constant 976 : index
            %get3A_892 = tpu.vector_load %arg10[%get3A_890, %get3A_891] {strides = array<i32>} : memref<8x1024xf32, #tpu.memory_space<vmem>>, vector<16xf32>,
            %mul3A_893 = arith.mulf %get3A_892, %gather3A : vector<16xf32>
            %swap3A_894 = arith.index_cast %rem3A_448 : i32 to index
            %swap3A_895 = arith.constant 976 : index
            %swap3A_896 = tpu.vector_load %arg9[%swap3A_894, %swap3A_895] {strides = array<i32>} : memref<8x1024xf32, #tpu.memory_space<vmem>>, vector<16xf32>,
            tpu.vector_store %arg9[%swap3A_894, %swap3A_895], %mul3A_893 {strides = array<i32>} : memref<8x1024xf32, #tpu.memory_space<vmem>>, vector<16xf32>,
            %get3A_897 = arith.index_cast %rem3A_448 : i32 to index
            %get3A_898 = arith.constant 992 : index
            %get3A_899 = tpu.vector_load %arg10[%get3A_897, %get3A_898] {strides = array<i32>} : memref<8x1024xf32, #tpu.memory_space<vmem>>, vector<16xf32>,
            %mul3A_900 = arith.mulf %get3A_899, %gather3A : vector<16xf32>
            %swap3A_901 = arith.index_cast %rem3A_448 : i32 to index
            %swap3A_902 = arith.constant 992 : index
            %swap3A_903 = tpu.vector_load %arg9[%swap3A_901, %swap3A_902] {strides = array<i32>} : memref<8x1024xf32, #tpu.memory_space<vmem>>, vector<16xf32>,
            tpu.vector_store %arg9[%swap3A_901, %swap3A_902], %mul3A_900 {strides = array<i32>} : memref<8x1024xf32, #tpu.memory_space<vmem>>, vector<16xf32>,
            %get3A_904 = arith.index_cast %rem3A_448 : i32 to index
            %get3A_905 = arith.constant 1008 : index
            %get3A_906 = tpu.vector_load %arg10[%get3A_904, %get3A_905] {strides = array<i32>} : memref<8x1024xf32, #tpu.memory_space<vmem>>, vector<16xf32>,
            %mul3A_907 = arith.mulf %get3A_906, %gather3A : vector<16xf32>
            %swap3A_908 = arith.index_cast %rem3A_448 : i32 to index
            %swap3A_909 = arith.constant 1008 : index
            %swap3A_910 = tpu.vector_load %arg9[%swap3A_908, %swap3A_909] {strides = array<i32>} : memref<8x1024xf32, #tpu.memory_space<vmem>>, vector<16xf32>,
            tpu.vector_store %arg9[%swap3A_908, %swap3A_909], %mul3A_907 {strides = array<i32>} : memref<8x1024xf32, #tpu.memory_space<vmem>>, vector<16xf32>,
            %dma_start3A_911 = arith.constant 0 : i32
            %dma_start3A_912 = tpu.memref_slice %arg9[%rem3A_448, %dma_start3A_911] : memref<8x1024xf32, #tpu.memory_space<vmem>> -> memref<1x1024xf32, #tpu.memory_space<vmem>>
            %dma_start3A_913 = tpu.memref_squeeze %dma_start3A_912 : memref<1x1024xf32, #tpu.memory_space<vmem>> -> memref<1024xf32, #tpu.memory_space<vmem>>
            %dma_start3A_914 = arith.constant 0 : i32
            %dma_start3A_915 = tpu.memref_slice %arg6[%scan3A_446, %select_n3A_302, %select_n3A_318, %dma_start3A_914] : memref<50x39x16x1024xf32, #tpu.memory_space<hbm>> -> memref<1x1x1x1024xf32, #tpu.memory_space<hbm>>
            %dma_start3A_916 = tpu.memref_squeeze %dma_start3A_915 : memref<1x1x1x1024xf32, #tpu.memory_space<hbm>> -> memref<1024xf32, #tpu.memory_space<hbm>>
            %dma_start3A_917 = arith.constant 0 : i32
            %dma_start3A_918 = tpu.memref_slice %arg6[%scan3A_446, %select_n3A_302, %select_n3A_318, %dma_start3A_917] : memref<50x39x16x1024xf32, #tpu.memory_space<hbm>> -> memref<1x1x1x1024xf32, #tpu.memory_space<hbm>>
            %dma_start3A_919 = tpu.memref_squeeze %dma_start3A_918 : memref<1x1x1x1024xf32, #tpu.memory_space<hbm>> -> memref<1024xf32, #tpu.memory_space<hbm>>
            %dma_start3A_920 = arith.constant 0 : i32
            %dma_start3A_921 = tpu.memref_slice %arg9[%rem3A_448, %dma_start3A_920] : memref<8x1024xf32, #tpu.memory_space<vmem>> -> memref<1x1024xf32, #tpu.memory_space<vmem>>
            %dma_start3A_922 = tpu.memref_squeeze %dma_start3A_921 : memref<1x1024xf32, #tpu.memory_space<vmem>> -> memref<1024xf32, #tpu.memory_space<vmem>>
            tpu.enqueue_dma source(%dma_start3A_922 : memref<1024xf32, #tpu.memory_space<vmem>>) target(%dma_start3A_919 : memref<1024xf32, #tpu.memory_space<hbm>>) target_semaphore(%arg14 : memref<!tpu.dma_semaphore, #tpu.memory_space<semaphore_mem>>)
            %add3A_923 = arith.constant 8 : i32
            %add3A_924 = arith.addi %scan3A_446, %add3A_923 : i32
            %lt3A_925 = arith.constant 50 : i32
            %lt3A_926 = arith.cmpi slt, %add3A_924, %lt3A_925 : i32
            %convert_element_type3A_927 = arith.extui %lt3A_926 : i1 to i32
            %cond3A_928 = arith.constant 0 : i32
            %cond3A_929 = arith.cmpi ne, %convert_element_type3A_927, %cond3A_928 : i32
            scf.if %cond3A_929 {
              %add3A_930 = arith.constant 8 : i32
              %add3A_931 = arith.addi %scan3A_446, %add3A_930 : i32
              %dma_start3A_932 = arith.constant 0 : i32
              %dma_start3A_933 = tpu.memref_slice %arg10[%rem3A_448, %dma_start3A_932] : memref<8x1024xf32, #tpu.memory_space<vmem>> -> memref<1x1024xf32, #tpu.memory_space<vmem>>
              %dma_start3A_934 = tpu.memref_squeeze %dma_start3A_933 : memref<1x1024xf32, #tpu.memory_space<vmem>> -> memref<1024xf32, #tpu.memory_space<vmem>>
              %dma_start3A_935 = arith.constant 0 : i32
              %dma_start3A_936 = tpu.memref_slice %arg3[%select_n3A_302, %add3A_931, %dma_start3A_935] : memref<13x50x1024xf32, #tpu.memory_space<hbm>> -> memref<1x1x1024xf32, #tpu.memory_space<hbm>>
              %dma_start3A_937 = tpu.memref_squeeze %dma_start3A_936 : memref<1x1x1024xf32, #tpu.memory_space<hbm>> -> memref<1024xf32, #tpu.memory_space<hbm>>
              %dma_start3A_938 = arith.constant 0 : i32
              %dma_start3A_939 = tpu.memref_slice %arg10[%rem3A_448, %dma_start3A_938] : memref<8x1024xf32, #tpu.memory_space<vmem>> -> memref<1x1024xf32, #tpu.memory_space<vmem>>
              %dma_start3A_940 = tpu.memref_squeeze %dma_start3A_939 : memref<1x1024xf32, #tpu.memory_space<vmem>> -> memref<1024xf32, #tpu.memory_space<vmem>>
              %dma_start3A_941 = arith.constant 0 : i32
              %dma_start3A_942 = tpu.memref_slice %arg3[%select_n3A_302, %add3A_931, %dma_start3A_941] : memref<13x50x1024xf32, #tpu.memory_space<hbm>> -> memref<1x1x1024xf32, #tpu.memory_space<hbm>>
              %dma_start3A_943 = tpu.memref_squeeze %dma_start3A_942 : memref<1x1x1024xf32, #tpu.memory_space<hbm>> -> memref<1024xf32, #tpu.memory_space<hbm>>
              tpu.enqueue_dma source(%dma_start3A_943 : memref<1024xf32, #tpu.memory_space<hbm>>) target(%dma_start3A_940 : memref<1024xf32, #tpu.memory_space<vmem>>) target_semaphore(%arg13 : memref<!tpu.dma_semaphore, #tpu.memory_space<semaphore_mem>>)
            } else {
            }
          }
          %scan3A_439 = arith.constant 50 : i32
          %scan3A_440 = arith.constant 0 : i32
          %scan3A_441 = arith.constant 0 : i32
          %scan3A_442 = arith.constant 8 : i32
          %scan3A_443 = arith.addi %scan3A_441, %scan3A_442 : i32
          %scan3A_444 = arith.constant 1 : i32
          scf.for %scan3A_446 = %scan3A_441 to %scan3A_443 step %scan3A_444  : i32 {
            %dma_wait3A_447 = arith.constant 0 : i32
            %dma_wait3A_448 = arith.constant 0 : i32
            %dma_wait3A_449 = arith.constant 0 : i32
            %dma_wait3A_450 = arith.constant 0 : i32
            %dma_wait3A_451 = tpu.memref_slice %arg9[%scan3A_446, %dma_wait3A_450] : memref<8x1024xf32, #tpu.memory_space<vmem>> -> memref<1x1024xf32, #tpu.memory_space<vmem>>
            %dma_wait3A_452 = tpu.memref_squeeze %dma_wait3A_451 : memref<1x1024xf32, #tpu.memory_space<vmem>> -> memref<1024xf32, #tpu.memory_space<vmem>>
            %dma_wait3A_453 = arith.constant 0 : i32
            %dma_wait3A_454 = tpu.memref_slice %arg6[%dma_wait3A_447, %dma_wait3A_448, %dma_wait3A_449, %dma_wait3A_453] : memref<50x39x16x1024xf32, #tpu.memory_space<hbm>> -> memref<1x1x1x1024xf32, #tpu.memory_space<hbm>>
            %dma_wait3A_455 = tpu.memref_squeeze %dma_wait3A_454 : memref<1x1x1x1024xf32, #tpu.memory_space<hbm>> -> memref<1024xf32, #tpu.memory_space<hbm>>
            %dma_wait3A_456 = arith.constant 0 : i32
            %dma_wait3A_457 = tpu.memref_slice %arg6[%dma_wait3A_447, %dma_wait3A_448, %dma_wait3A_449, %dma_wait3A_456] : memref<50x39x16x1024xf32, #tpu.memory_space<hbm>> -> memref<1x1x1x1024xf32, #tpu.memory_space<hbm>>
            %dma_wait3A_458 = tpu.memref_squeeze %dma_wait3A_457 : memref<1x1x1x1024xf32, #tpu.memory_space<hbm>> -> memref<1024xf32, #tpu.memory_space<hbm>>
            %dma_wait3A_459 = arith.constant 0 : i32
            %dma_wait3A_460 = tpu.memref_slice %arg9[%scan3A_446, %dma_wait3A_459] : memref<8x1024xf32, #tpu.memory_space<vmem>> -> memref<1x1024xf32, #tpu.memory_space<vmem>>
            %dma_wait3A_461 = tpu.memref_squeeze %dma_wait3A_460 : memref<1x1024xf32, #tpu.memory_space<vmem>> -> memref<1024xf32, #tpu.memory_space<vmem>>
            tpu.wait_dma2 semaphore(%arg14 : memref<!tpu.dma_semaphore, #tpu.memory_space<semaphore_mem>>) src(%dma_wait3A_461 : memref<1024xf32, #tpu.memory_space<vmem>>) dst(%dma_wait3A_458 : memref<1024xf32, #tpu.memory_space<hbm>>)
          }
          %scan3A_445 = arith.constant 8 : i32
        } else {
        }
      } else {
      }
    }
    %scan3A_44 = arith.constant 13 : i32
    return
  }
}

</mosaic_0001>

<sc_bundles>
// kernel: _sc_embed.3.cloned.1.call-start
scs
__scs_entry_jumppad:
0x0: {  	(pc) =	sbr.rel $0x88, $3  }
0x1: {  	(tag) =	ssettag $0x0;
	lr =	simm.s32 $0x1  }
0x2: {  	[smem:$0x3F9D] =	sst lr;
	_ =	strace $0xD0000000  }
0x3: {  	_ = 	snop  }
0x4: {  	_ = 	snop  }
0x5: {  	_ = 	snop  }
0x6: {  	_ = 	snop  }
0x7: {  	_ = 	snop  }
__scs_overlays_trampoline_lowered:
0x8: {  	[smem:$0x3FAC] =	sst s0  }
0x9: {  	[smem:$0x3FAD] =	sst s1  }
0xa: {  	[smem:$0x3FAE] =	sst s2  }
0xb: {  	[smem:$0x3FAF] =	sst s3  }
0xc: {  	[smem:$0x3FB0] =	sst s4  }
0xd: {  	[smem:$0x3FB1] =	sst s5  }
0xe: {  	[smem:$0x3FB2] =	sst s6  }
0xf: {  	[smem:$0x3FB3] =	sst s7  }
0x10: {  	[smem:$0x3FB4] =	sst s8  }
0x11: {  	[smem:$0x3FB5] =	sst s9;
	s0 =	simm.s32 @!p0 $0x0  }
0x12: {  	s1 =	sld [smem:$0x3F9B];
	s0 =	simm.s32 @p0 $0x1  }
0x13: {  	[smem:$0x3FB6] =	sst s0;
	s0 =	simm.s32 @!p1 $0x0  }
0x14: {  	s2 =	sld [smem:$0x3F9A];
	s0 =	simm.s32 @p1 $0x1  }
0x15: {  	[smem:$0x3FB7] =	sst s0;
	s0 =	simm.s32 @!p2 $0x0  }
0x16: {  	s3 =	sld [smem:$0x3FDB];
	s0 =	simm.s32 @p2 $0x1  }
0x17: {  	s4 =	simm.s32 $0x1BF5;
	[smem:$0x3FB9] =	sst s0  }
0x18: {  	s0 =	sld [smem:$0x3F9C];
	_ =	swait.ge [sflag:s4], $0x0  }
0x19: {  	s7 =	sld [smem:$0x3F9D]  }
0x1a: {  	s8 =	sadd.s32 $0xFFFFE003, lr  }
0x1b: {  	s9 =	sadd.s32 $0xFFFFFEF7, lr;
	s5 =	simm.s32 $0xFFFFFFFF;
	p2 =	slt.u32 s8, $0xFFFFF086  }
0x1c: {  	p1 =	slt.u32 s9, $0xF7A;
	s5 =	simm.s32 @!p2 $0x0  }
0x1d: {  	s5 =	simm.s32 @p1 $0x1;
	p0 =	seq.s32 s7, s2  }
0x1e: {  	s7 =	smul.u32 @!p0 $0xF7A, s2;
	p2 =	seq.s32 @!p0 s5, $0x0  }
0x1f: {  	s9 =	smul.u32 $0xF7A, s1;
	s8 =	simm.s32 @!p0 $0x1BF5;
	p2 =	por !p2, p0  }
0x20: {  	[sflag:s8] =	ssyncset.s32 @!p0 $0xFFFFF086;
	s6 =	sadd.s32 @!p0 s3, s7;
	s7 =	simm.s32 @!p0 $0x108  }
0x21: {  	s3 =	sadd.s32 s3, s9;
	s6 =	sadd.s32 @!p0 $0x88, s6;
	s7 =	simm.s32 @p2 $0x1082  }
0x22: {  	[simem:s7], [sflag:s8] =	dma.local @!p0 [hbm:s6], $0xF7A  }
0x23: {  	s9 =	sor.u32 $0xD0000000, s2;
	s6 =	simm.s32 $0x108;
	_ =	swait.ge @!p0 [sflag:s8], $0x0  }
0x24: {  	s3 =	sadd.s32 $0x88, s3;
	s6 =	simm.s32 @!p1 $0x1082;
	[sflag:s4] =	ssyncset.s32 $0xFFFFF086  }
0x25: {  	[simem:s6], [sflag:s4] =	dma.local [hbm:s3], $0xF7A  }
0x26: {  	[smem:$0x3F9D] =	sst s1;
	(tag) =	ssettag s2;
	_ =	strace s9  }
0x27: {  	s1 =	sld [smem:$0x3FAD]  }
0x28: {  	s2 =	sld [smem:$0x3FAE]  }
0x29: {  	s4 =	sld [smem:$0x3FB0]  }
0x2a: {  	p0 =	seq.s32 s5, $0x0;
	s5 =	sld [smem:$0x3FB1]  }
0x2b: {  	s6 =	sld [smem:$0x3FB2]  }
0x2c: {  	s7 =	sld [smem:$0x3FB3]  }
0x2d: {  	s3 =	simm.s32 $0x108;
	s8 =	sld [smem:$0x3FB4]  }
0x2e: {  	s3 =	simm.s32 @!p0 $0x1082;
	s9 =	sld [smem:$0x3FB5]  }
0x2f: {  	lr =	sadd.s32 s0, s3;
	s0 =	sld [smem:$0x3FAC]  }
0x30: {  	s3 =	sld [smem:$0x3FAF]  }
0x31: {  	[smem:$0x3FB8] =	sst s10  }
0x32: {  	s10 =	sld [smem:$0x3FB6];
	_ =	sdelay $0x3  }
0x33: {  	p0 =	seq.s32 s10, $0x1;
	s10 =	sld [smem:$0x3FB8];
	_ =	sdelay $0x3  }
0x34: {  	[smem:$0x3FB8] =	sst s10  }
0x35: {  	s10 =	sld [smem:$0x3FB7];
	_ =	sdelay $0x3  }
0x36: {  	p1 =	seq.s32 s10, $0x1;
	s10 =	sld [smem:$0x3FB8];
	_ =	sdelay $0x3  }
0x37: {  	[smem:$0x3FB8] =	sst s10  }
0x38: {  	s10 =	sld [smem:$0x3FB9]  }
0x39: {  	_ = 	snop;
	(pc) =	sbr.ind lr, $3  }
0x3a: {  	_ = 	snop  }
0x3b: {  	_ = 	snop  }
0x3c: {  	p2 =	seq.s32 s10, $0x1;
	s10 =	sld [smem:$0x3FB8]  }
0x3d: {  	_ =	shalt  }
0x3e: {  	_ =	shalt  }
0x3f: {  	_ =	shalt  }
0x40: {  	_ =	shalt  }
0x41: {  	_ =	shalt  }
0x42: {  	_ =	shalt  }
0x43: {  	_ =	shalt  }
0x44: {  	_ =	shalt  }
0x45: {  	_ =	shalt  }
0x46: {  	_ =	shalt  }
0x47: {  	_ =	shalt  }
0x48: {  	_ =	shalt  }
0x49: {  	_ =	shalt  }
0x4a: {  	_ =	shalt  }
0x4b: {  	_ =	shalt  }
0x4c: {  	_ =	shalt  }
0x4d: {  	_ =	shalt  }
0x4e: {  	_ =	shalt  }
0x4f: {  	_ =	shalt  }
0x50: {  	_ =	shalt  }
0x51: {  	_ =	shalt  }
0x52: {  	_ =	shalt  }
0x53: {  	_ =	shalt  }
0x54: {  	_ =	shalt  }
0x55: {  	_ =	shalt  }
0x56: {  	_ =	shalt  }
0x57: {  	_ =	shalt  }
0x58: {  	_ =	shalt  }
0x59: {  	_ =	shalt  }
0x5a: {  	_ =	shalt  }
0x5b: {  	_ =	shalt  }
0x5c: {  	_ =	shalt  }
0x5d: {  	_ =	shalt  }
0x5e: {  	_ =	shalt  }
0x5f: {  	_ =	shalt  }
0x60: {  	_ =	shalt  }
0x61: {  	_ =	shalt  }
0x62: {  	_ =	shalt  }
0x63: {  	_ =	shalt  }
0x64: {  	_ =	shalt  }
0x65: {  	_ =	shalt  }
0x66: {  	_ =	shalt  }
0x67: {  	_ =	shalt  }
0x68: {  	_ =	shalt  }
0x69: {  	_ =	shalt  }
0x6a: {  	_ =	shalt  }
0x6b: {  	_ =	shalt  }
0x6c: {  	_ =	shalt  }
0x6d: {  	_ =	shalt  }
0x6e: {  	_ =	shalt  }
0x6f: {  	_ =	shalt  }
0x70: {  	_ =	shalt  }
0x71: {  	_ =	shalt  }
0x72: {  	_ =	shalt  }
0x73: {  	_ =	shalt  }
0x74: {  	_ =	shalt  }
0x75: {  	_ =	shalt  }
0x76: {  	_ =	shalt  }
0x77: {  	_ =	shalt  }
0x78: {  	_ =	shalt  }
0x79: {  	_ =	shalt  }
0x7a: {  	_ =	shalt  }
0x7b: {  	_ =	shalt  }
0x7c: {  	_ =	shalt  }
0x7d: {  	_ =	shalt  }
0x7e: {  	_ =	shalt  }
0x7f: {  	_ =	shalt  }
0x80: {  	_ =	shalt  }
0x81: {  	_ =	shalt  }
0x82: {  	_ =	shalt  }
0x83: {  	_ =	shalt  }
0x84: {  	_ =	shalt  }
0x85: {  	_ =	shalt  }
0x86: {  	_ =	shalt  }
0x87: {  	_ =	shalt  }
.Lfunc_end0:
.L_simem_size_0:
called_computation_lowered:
.L_overlay_start_0:
0x88: {  	s2 =	sld [smem:$0x3FD9]  }
0x89: {  	s3 =	sld [smem:$0x3FFE];
	_ =	sdelay $0x1  }
0x8a: {  	s1 =	srdreg.scid  }
0x8b: {  	s0 =	sand.u32 $0x1, s1  }
0x8c: {  	s18 =	sshll.u32 s0, $0xA;
	s2 =	sadd.s32 s3, s2  }
0x8d: {  	s2 =	sadd.s32 s2, s18  }
0x8e: {  	[smem:$0x3FC4] =	sst s2  }
0x8f: {  	_ = 	snop  }
0x90: {  	s2 =	sld [smem:$0x3FC9]  }
0x91: {  	s19 =	sld [smem:$0x3FC8]  }
0x92: {  	s4 =	sld [smem:$0x3FC7]  }
0x93: {  	s5 =	sld [smem:$0x3FC6]  }
0x94: {  	s6 =	sld [smem:$0x3FD0];
	(tm) =	ssettm $0x1  }
0x95: {  	s7 =	sld [smem:$0x3FFB];
	_ =	sdelay $0x3  }
0x96: {  	_ =	strace s7  }
0x97: {  	s7 =	sld [smem:$0x3FFC];
	_ =	sdelay $0x3  }
0x98: {  	_ =	strace s7  }
0x99: {  	s7 =	sld [smem:$0x3FFD];
	_ =	sdelay $0x3  }
0x9a: {  	_ =	strace s7  }
0x9b: {  	_ =	strace $0x8FFFFFFF  }
0x9c: {  	s20 =	sld [smem:$0x3FDB];
	_ =	sdelay $0x1  }
0x9d: {  	s8 =	simm.s32 $_scs_section_size  }
0x9e: {  	s9 =	simm.s32 $_size__tile_overlayer_lowered;
	s10 =	simm.s32 $_tile_overlayer_lowered  }
0x9f: {  	s23 =	simm.s32 $0x1BFF;
	s22 =	sshll.u32 s10, $0x1;
	s7 =	sadd.s32 s8, s20  }
0xa0: {  	s11 =	simm.s32 $0x0;
	s21 =	sshll.u32 s9, $0x1;
	s9 =	sadd.s32 s22, s7  }
0xa1: {  	[timem:s11], [sflag:s23] =	dma.local [hbm:s9], s21  }
0xa2: {  	_ =	swait.ge [sflag:s23], s21  }
0xa3: {  	s8 =	ssub.s32 $0x0, s21;
	[sflag:s23] =	ssyncset.done $0x0  }
0xa4: {  	[sflag:s23] =	ssyncadd.s32 s8;
	_ =	sdelay $0x1  }
0xa5: {  	s24 =	simm.s32 $0x1B8B  }
0xa6: {  	_ =	swait.ge [sflag:s24], $0x1  }
0xa7: {  	[sflag:s24] =	ssyncset.done $0x0  }
0xa8: {  	s25 =	simm.s32 $0x1B8E;
	[sflag:s24] =	ssyncadd.s32 $0xFFFFFFFF  }
0xa9: {  	s26 =	simm.s32 $execute0_lowered;
	[smem:$0x3FD2] =	sst s25  }
0xaa: {  	s8 =	sshll.u32 s26, $0x1;
	_ =	strace $0x80000046;
	[dreg:$0x1] =	wrdreg $0xFFFFFFFF  }
0xab: {  	s28 =	simm.s32 $_size_execute0_lowered;
	s7 =	sadd.s32 s7, s8;
	[dreg:$0x0] =	wrdreg $0x0  }
0xac: {  	s8 =	sshll.u32 s28, $0x1;
	[dreg:$0x2] =	wrdreg s7  }
0xad: {  	[dreg:$0x3] =	wrdreg s8  }
0xae: {  	[dreg:$0x4] =	wrdreg $0xC0  }
0xaf: {  	_ =	task [dreg:s11], $0x5FFFF  }
0xb0: {  	[dreg:$0x1] =	wrdreg $0xFFFFFFFF  }
0xb1: {  	[dreg:$0x0] =	wrdreg $0x60  }
0xb2: {  	[dreg:$0x2] =	wrdreg s2  }
0xb3: {  	[dreg:$0x3] =	wrdreg s19  }
0xb4: {  	[dreg:$0x4] =	wrdreg s4  }
0xb5: {  	[dreg:$0x5] =	wrdreg s5  }
0xb6: {  	[dreg:$0x6] =	wrdreg s6  }
0xb7: {  	[dreg:$0x7] =	wrdreg $0x9  }
0xb8: {  	_ =	task.clear_ibuf [dreg:s11], $0x8FFFF;
	_ =	strace $0x90000046  }
0xb9: {  	s29 =	simm.s32 $0x9;
	_ =	strace $0x80000048  }
0xba: {  	_ =	swait.ge [sflag:s29], $0x1  }
0xbb: {  	[sflag:s29] =	ssyncadd.s32 $0xFFFFFFFF  }
0xbc: {  	_ =	strace $0x90000048  }
0xbd: {  	_ =	sfence  }
0xbe: {  	s30 =	sld [smem:$0x0];
	_ =	sdelay $0x2  }
0xbf: {  	s31 =	sshll.u32 s1, $0xD;
	s1 =	sshrl.u32 s1, $0x2  }
0xc0: {  	s3 =	sand.u32 $0x4000, s31;
	s1 =	sadd.s32 s1, s30  }
0xc1: {  	s0 =	sor.u32 s3, s0;
	s1 =	sshll.u32 s1, $0x11  }
0xc2: {  	s0 =	sor.u32 s1, s0  }
0xc3: {  	s0 =	sadd.s32 $0x8F2B, s0  }
0xc4: {  	[sflag:s0] =	ssyncadd.remote.s32 $0x1  }
0xc5: {  	_ =	sfence.sel $0xFFFF  }
0xc6: {  	[dreg:$0x0] =	wrdreg $0xFFFFFFFF;
	(pc) =	sbr.abs _section_cstart, $3  }
0xc7: {  	[dreg:$0x1] =	wrdreg $0xFFFFFFFF  }
0xc8: {  	_ =	task.clear_ibuf [dreg:s11], $0x2FFFF;
	_ =	strace $0x9FFFFFFF  }
0xc9: {  	(tm) =	ssettm $0x7FFFFFFF  }
tec
execute0_lowered:
.L_overlay_start_1:
0x0: {  	(tag) =	ssettag $0x1  }
0x1: {  	s2 =	rddreg [dreg:$0x0]  }
0x2: {  	s4 =	rddreg [dreg:$0x1]  }
0x3: {  	s0 =	srdreg.scid;
	s12 =	rddreg [dreg:$0x3]  }
0x4: {  	s21 =	stileid.u32;
	s8 =	rddreg [dreg:$0x4]  }
0x5: {  	s9 =	simm.s32 $0x0;
	s29 =	simm.s32 $0x2;
	s30 =	simm.s32 $0x3  }
0x6: {  	s0 =	sand.u32 $0x1, s0;
	s5 =	sshll.u32 s21, $0x1;
	s24 =	smul.u32 $0x1A, s21  }
0x7: {  	[smem:$0x7FF] =	sst s9;
	s13 =	sadd.s32 $0x30, s2;
	s26 =	smul.u32 $0x6, s21  }
0x8: {  	s14 =	sadd.s32 $0x40, s2;
	s1 =	sor.u32 s0, s5;
	s19 =	smul.u32 $0xD, s0  }
0x9: {  	s11 =	ssub.s32 $0x2, s0;
	s18 =	sshll.u32 s0, $0x7;
	s0 =	smul.u32 $0x3, s0  }
0xa: {  	s15 =	sadd.s32 $0x50, s2;
	s25 =	sshll.u32 s21, $0x8;
	s3 =	smul.u32 $0xD, s1  }
0xb: {  	_ =	strace $0x80000047;
	s10 =	smul.u32 $0x280, s1;
	s22 =	sshrl.u32 s11, $0x1  }
0xc: {  	s28 =	sand.u32 $0xF, s1;
	s23 =	ssub.s32 s11, s22;
	s31 =	ssub.s32 s19, s26  }
0xd: {  	s0 =	ssub.s32 s5, s0;
	s22 =	sshrl.u32 s5, $0x4;
	[dreg:$0x7] =	wrdreg s28  }
0xe: {  	p0 =	sne.s32 s28, $0x0;
	s26 =	sadd.s32 $0x50, s4;
	s28 =	sadd.s32 $0x60, s4  }
0xf: {  	s6 =	sshrl.u32 s3, $0x4;
	s7 =	sshll.u32 s3, $0x1C;
	[dreg:$0x9] =	wrdreg s31  }
0x10: {  	s20 =	sand.u32 $0x380, s10;
	s10 =	sor.u32 s18, s25;
	[dreg:$0xc] =	wrdreg s0  }
0x11: {  	[dreg:$0xe] =	wrdreg s22;
	s6 =	smul.u32 $0x187000, s6;
	s7 =	sshra.s32 s7, $0x1F  }
0x12: {  	s18 =	sadd.s32 $0x10, s4;
	[dreg:$0x12] =	wrdreg s26;
	s7 =	sand.u32 $0xC3800, s7  }
0x13: {  	s25 =	sadd.s32 $0x40, s4;
	[dreg:$0x13] =	wrdreg s28;
	s6 =	sadd.s32 s6, s7  }
0x14: {  	s31 =	sadd.s32 $0x70, s4;
	[dreg:$0xa] =	wrdreg s18;
	s6 =	sor.u32 s20, s6  }
0x15: {  	[dreg:$0x11] =	wrdreg s25;
	s20 =	sshll.u32 s21, $0xB;
	s6 =	sshrl.u32 s6, $0x3  }
0x16: {  	[dreg:$0x14] =	wrdreg s31;
	s10 =	sor.u32 s10, s20;
	s6 =	sadd.s32 s12, s6  }
0x17: {  	s16 =	sadd.s32 $0x60, s2;
	s21 =	sand.u32 $0x2380, s10;
	[dreg:$0x6] =	wrdreg s6  }
.Ltmp0:
0x18: {  	s6 =	sadd.s32 s19, s24;
	[dreg:$0xd] =	wrdreg s21;
	(pc) =	sbr.rel .LBB2_1-.Ltmp0, $4  }
0x19: {  	s17 =	sadd.s32 $0x70, s2;
	s19 =	smax.u32 s23, $0x1;
	[dreg:$0x8] =	wrdreg s6  }
0x1a: {  	s11 =	sadd.s32 $0x10, s2;
	s23 =	sadd.s32 $0x20, s4;
	[dreg:$0xb] =	wrdreg s19  }
0x1b: {  	s5 =	simm.s32 $0x0;
	s24 =	sadd.s32 $0x30, s4;
	[dreg:$0xf] =	wrdreg s23  }
0x1c: {  	s12 =	sadd.s32 $0x20, s2;
	s10 =	simm.s32 $0x1;
	[dreg:$0x10] =	wrdreg s24  }
.LBB2_9:
0x1d: {  	s5 =	rddreg [dreg:$0x15]  }
0x1e: {  	s0 =	rddreg [dreg:$0xb];
	s5 =	sadd.s32 $0x1, s5  }
0x1f: {  	p1 =	sne.s32 s5, s0  }
.Ltmp1:
0x20: {  	_ = 	snop;
	(pc) =	sbr.rel @!p1 .LBB2_10-.Ltmp1, $1  }
0x21: {  	_ =	sdelay $0x3  }
.LBB2_1:
0x22: {  	[dreg:$0x15] =	wrdreg s5  }
0x23: {  	s0 =	rddreg [dreg:$0x2];
	s24 =	simm.s32 $0x1E700;
	s25 =	simm.s32 $0x4  }
0x24: {  	[tilespmem:s24], [sflag:$0x4] =	stream.linear.gather [hbm4b:s0+s9], $0x100, $0x38;
	[tilespmem:$0x1E800] =	vst v63  }
0x25: {  	_ =	swait.ge [sflag:s25], $0x100  }
0x26: {  	s26 =	rddreg [dreg:$0x6]  }
.Ltmp2:
0x27: {  	s31 =	rddreg [dreg:$0xe];
	(pc) =	sbr.rel .LBB2_2-.Ltmp2, $4  }
0x28: {  	s28 =	simm.s32 $0x80;
	[sflag:s25] =	ssyncset.done $0x0;
	s22 =	rddreg [dreg:$0x9]  }
0x29: {  	s6 =	simm.s32 $0x400;
	s19 =	rddreg [dreg:$0x8];
	[sflag:s25] =	ssyncadd.s32 $0xFFFFFF00  }
0x2a: {  	[tilespmem:s9], [sflag:$0x1] =	stream.strided.gather [hbm4b:s26+s28], $0x18700, s6, s28, $0x38;
	[tilespmem:$0x1E800] =	vst v63  }
0x2b: {  	s23 =	simm.s32 $0x0;
	s6 =	rddreg [dreg:$0xc]  }
.LBB2_8:
0x2c: {  	p1 =	sne.s32 s23, $0xD  }
.Ltmp3:
0x2d: {  	_ = 	snop;
	(pc) =	sbr.rel @!p1 .LBB2_9-.Ltmp3, $3  }
0x2e: {  	_ =	sdelay $0x1  }
0x2f: {  	s19 =	sadd.s32 $0x1, s19  }
0x30: {  	s22 =	sadd.s32 $0x1, s22;
	s6 =	sadd.s32 $0x1, s6;
	s31 =	sadd.s32 $0x2, s31  }
.LBB2_2:
0x31: {  	s0 =	sadd.s32 s3, s23  }
0x32: {  	s0 =	sshrl.u32 s0, $0x4  }
0x33: {  	s20 =	smov.u32 s23;
	s23 =	smul.u32 $0xE000, s0  }
0x34: {  	_ =	swait.ge [sflag:s10], $0x18700  }
0x35: {  	s25 =	simm.s32 $0x0;
	[sflag:s10] =	ssyncset.done $0x0;
	s0 =	sshrl.u32 s23, $0x3  }
0x36: {  	s7 =	simm.s32 $0x18700;
	[sflag:s10] =	ssyncadd.s32 $0xFFFE7900;
	s5 =	sadd.s32 s2, s0  }
0x37: {  	[tilespmem:s7], [sflag:$0x2] =	stream.linear.gather [hbm4b:s5+s25], $0x80, $0x38;
	[tilespmem:$0x1E800] =	vst v63  }
0x38: {  	s18 =	simm.s32 $0x18B00;
	s24 =	sadd.s32 $0x80, s5  }
0x39: {  	[tilespmem:s18], [sflag:$0x2] =	stream.linear.gather [hbm4b:s24+s25], $0x80, $0x38;
	[tilespmem:$0x1E800] =	vst v63  }
0x3a: {  	s28 =	simm.s32 $0x18F00;
	s26 =	sadd.s32 $0x100, s5  }
0x3b: {  	[tilespmem:s28], [sflag:$0x2] =	stream.linear.gather [hbm4b:s26+s25], $0x80, $0x38;
	[tilespmem:$0x1E800] =	vst v63  }
0x3c: {  	s21 =	sadd.s32 $0x180, s5;
	s24 =	simm.s32 $0x19300  }
0x3d: {  	[tilespmem:s24], [sflag:$0x2] =	stream.linear.gather [hbm4b:s21+s25], $0x80, $0x38;
	[tilespmem:$0x1E800] =	vst v63  }
0x3e: {  	s26 =	sadd.s32 $0x200, s5;
	s28 =	simm.s32 $0x19700  }
0x3f: {  	[tilespmem:s28], [sflag:$0x2] =	stream.linear.gather [hbm4b:s26+s25], $0x80, $0x38;
	[tilespmem:$0x1E800] =	vst v63  }
0x40: {  	s18 =	sadd.s32 $0x280, s5;
	s21 =	simm.s32 $0x19B00  }
0x41: {  	[tilespmem:s21], [sflag:$0x2] =	stream.linear.gather [hbm4b:s18+s25], $0x80, $0x38;
	[tilespmem:$0x1E800] =	vst v63  }
0x42: {  	s24 =	sadd.s32 $0x300, s5;
	s26 =	simm.s32 $0x19F00  }
0x43: {  	[tilespmem:s26], [sflag:$0x2] =	stream.linear.gather [hbm4b:s24+s25], $0x80, $0x38;
	[tilespmem:$0x1E800] =	vst v63  }
0x44: {  	s5 =	sadd.s32 $0x380, s5;
	s28 =	simm.s32 $0x1A300  }
0x45: {  	[tilespmem:s28], [sflag:$0x2] =	stream.linear.gather [hbm4b:s5+s25], $0x80, $0x38;
	[tilespmem:$0x1E800] =	vst v63  }
0x46: {  	s18 =	simm.s32 $0x18780;
	s5 =	sadd.s32 s0, s11  }
0x47: {  	[tilespmem:s18], [sflag:$0x2] =	stream.linear.gather [hbm4b:s5+s25], $0x80, $0x38;
	[tilespmem:$0x1E800] =	vst v63  }
0x48: {  	s24 =	simm.s32 $0x18B80;
	s21 =	sadd.s32 $0x80, s5  }
0x49: {  	[tilespmem:s24], [sflag:$0x2] =	stream.linear.gather [hbm4b:s21+s25], $0x80, $0x38;
	[tilespmem:$0x1E800] =	vst v63  }
0x4a: {  	s28 =	simm.s32 $0x18F80;
	s26 =	sadd.s32 $0x100, s5  }
0x4b: {  	[tilespmem:s28], [sflag:$0x2] =	stream.linear.gather [hbm4b:s26+s25], $0x80, $0x38;
	[tilespmem:$0x1E800] =	vst v63  }
0x4c: {  	s21 =	sadd.s32 $0x180, s5;
	s24 =	simm.s32 $0x19380  }
0x4d: {  	[tilespmem:s24], [sflag:$0x2] =	stream.linear.gather [hbm4b:s21+s25], $0x80, $0x38;
	[tilespmem:$0x1E800] =	vst v63  }
0x4e: {  	s26 =	sadd.s32 $0x200, s5;
	s28 =	simm.s32 $0x19780  }
0x4f: {  	[tilespmem:s28], [sflag:$0x2] =	stream.linear.gather [hbm4b:s26+s25], $0x80, $0x38;
	[tilespmem:$0x1E800] =	vst v63  }
0x50: {  	s18 =	sadd.s32 $0x280, s5;
	s21 =	simm.s32 $0x19B80  }
0x51: {  	[tilespmem:s21], [sflag:$0x2] =	stream.linear.gather [hbm4b:s18+s25], $0x80, $0x38;
	[tilespmem:$0x1E800] =	vst v63  }
0x52: {  	s24 =	sadd.s32 $0x300, s5;
	s26 =	simm.s32 $0x19F80  }
0x53: {  	[tilespmem:s26], [sflag:$0x2] =	stream.linear.gather [hbm4b:s24+s25], $0x80, $0x38;
	[tilespmem:$0x1E800] =	vst v63  }
0x54: {  	s5 =	sadd.s32 $0x380, s5;
	s28 =	simm.s32 $0x1A380  }
0x55: {  	[tilespmem:s28], [sflag:$0x2] =	stream.linear.gather [hbm4b:s5+s25], $0x80, $0x38;
	[tilespmem:$0x1E800] =	vst v63  }
0x56: {  	s18 =	simm.s32 $0x18800;
	s5 =	sadd.s32 s0, s12  }
0x57: {  	[tilespmem:s18], [sflag:$0x2] =	stream.linear.gather [hbm4b:s5+s25], $0x80, $0x38;
	[tilespmem:$0x1E800] =	vst v63  }
0x58: {  	s24 =	simm.s32 $0x18C00;
	s21 =	sadd.s32 $0x80, s5  }
0x59: {  	[tilespmem:s24], [sflag:$0x2] =	stream.linear.gather [hbm4b:s21+s25], $0x80, $0x38;
	[tilespmem:$0x1E800] =	vst v63  }
0x5a: {  	s28 =	simm.s32 $0x19000;
	s26 =	sadd.s32 $0x100, s5  }
0x5b: {  	[tilespmem:s28], [sflag:$0x2] =	stream.linear.gather [hbm4b:s26+s25], $0x80, $0x38;
	[tilespmem:$0x1E800] =	vst v63  }
0x5c: {  	s21 =	sadd.s32 $0x180, s5;
	s24 =	simm.s32 $0x19400  }
0x5d: {  	[tilespmem:s24], [sflag:$0x2] =	stream.linear.gather [hbm4b:s21+s25], $0x80, $0x38;
	[tilespmem:$0x1E800] =	vst v63  }
0x5e: {  	s26 =	sadd.s32 $0x200, s5;
	s28 =	simm.s32 $0x19800  }
0x5f: {  	[tilespmem:s28], [sflag:$0x2] =	stream.linear.gather [hbm4b:s26+s25], $0x80, $0x38;
	[tilespmem:$0x1E800] =	vst v63  }
0x60: {  	s18 =	sadd.s32 $0x280, s5;
	s21 =	simm.s32 $0x19C00  }
0x61: {  	[tilespmem:s21], [sflag:$0x2] =	stream.linear.gather [hbm4b:s18+s25], $0x80, $0x38;
	[tilespmem:$0x1E800] =	vst v63  }
0x62: {  	s24 =	sadd.s32 $0x300, s5;
	s26 =	simm.s32 $0x1A000  }
0x63: {  	[tilespmem:s26], [sflag:$0x2] =	stream.linear.gather [hbm4b:s24+s25], $0x80, $0x38;
	[tilespmem:$0x1E800] =	vst v63  }
0x64: {  	s5 =	sadd.s32 $0x380, s5;
	s28 =	simm.s32 $0x1A400  }
0x65: {  	[tilespmem:s28], [sflag:$0x2] =	stream.linear.gather [hbm4b:s5+s25], $0x80, $0x38;
	[tilespmem:$0x1E800] =	vst v63  }
0x66: {  	s18 =	simm.s32 $0x18880;
	s5 =	sadd.s32 s0, s13  }
0x67: {  	[tilespmem:s18], [sflag:$0x2] =	stream.linear.gather [hbm4b:s5+s25], $0x80, $0x38;
	[tilespmem:$0x1E800] =	vst v63  }
0x68: {  	s24 =	simm.s32 $0x18C80;
	s21 =	sadd.s32 $0x80, s5  }
0x69: {  	[tilespmem:s24], [sflag:$0x2] =	stream.linear.gather [hbm4b:s21+s25], $0x80, $0x38;
	[tilespmem:$0x1E800] =	vst v63  }
0x6a: {  	s28 =	simm.s32 $0x19080;
	s26 =	sadd.s32 $0x100, s5  }
0x6b: {  	[tilespmem:s28], [sflag:$0x2] =	stream.linear.gather [hbm4b:s26+s25], $0x80, $0x38;
	[tilespmem:$0x1E800] =	vst v63  }
0x6c: {  	s21 =	sadd.s32 $0x180, s5;
	s24 =	simm.s32 $0x19480  }
0x6d: {  	[tilespmem:s24], [sflag:$0x2] =	stream.linear.gather [hbm4b:s21+s25], $0x80, $0x38;
	[tilespmem:$0x1E800] =	vst v63  }
0x6e: {  	s26 =	sadd.s32 $0x200, s5;
	s28 =	simm.s32 $0x19880  }
0x6f: {  	[tilespmem:s28], [sflag:$0x2] =	stream.linear.gather [hbm4b:s26+s25], $0x80, $0x38;
	[tilespmem:$0x1E800] =	vst v63  }
0x70: {  	s18 =	sadd.s32 $0x280, s5;
	s21 =	simm.s32 $0x19C80  }
0x71: {  	[tilespmem:s21], [sflag:$0x2] =	stream.linear.gather [hbm4b:s18+s25], $0x80, $0x38;
	[tilespmem:$0x1E800] =	vst v63  }
0x72: {  	s24 =	sadd.s32 $0x300, s5;
	s26 =	simm.s32 $0x1A080  }
0x73: {  	[tilespmem:s26], [sflag:$0x2] =	stream.linear.gather [hbm4b:s24+s25], $0x80, $0x38;
	[tilespmem:$0x1E800] =	vst v63  }
0x74: {  	s5 =	sadd.s32 $0x380, s5;
	s28 =	simm.s32 $0x1A480  }
0x75: {  	[tilespmem:s28], [sflag:$0x2] =	stream.linear.gather [hbm4b:s5+s25], $0x80, $0x38;
	[tilespmem:$0x1E800] =	vst v63  }
0x76: {  	s18 =	simm.s32 $0x18900;
	s5 =	sadd.s32 s0, s14  }
0x77: {  	[tilespmem:s18], [sflag:$0x2] =	stream.linear.gather [hbm4b:s5+s25], $0x80, $0x38;
	[tilespmem:$0x1E800] =	vst v63  }
0x78: {  	s24 =	simm.s32 $0x18D00;
	s21 =	sadd.s32 $0x80, s5  }
0x79: {  	[tilespmem:s24], [sflag:$0x2] =	stream.linear.gather [hbm4b:s21+s25], $0x80, $0x38;
	[tilespmem:$0x1E800] =	vst v63  }
0x7a: {  	s28 =	simm.s32 $0x19100;
	s26 =	sadd.s32 $0x100, s5  }
0x7b: {  	[tilespmem:s28], [sflag:$0x2] =	stream.linear.gather [hbm4b:s26+s25], $0x80, $0x38;
	[tilespmem:$0x1E800] =	vst v63  }
0x7c: {  	s21 =	sadd.s32 $0x180, s5;
	s24 =	simm.s32 $0x19500  }
0x7d: {  	[tilespmem:s24], [sflag:$0x2] =	stream.linear.gather [hbm4b:s21+s25], $0x80, $0x38;
	[tilespmem:$0x1E800] =	vst v63  }
0x7e: {  	s26 =	sadd.s32 $0x200, s5;
	s28 =	simm.s32 $0x19900  }
0x7f: {  	[tilespmem:s28], [sflag:$0x2] =	stream.linear.gather [hbm4b:s26+s25], $0x80, $0x38;
	[tilespmem:$0x1E800] =	vst v63  }
0x80: {  	s18 =	sadd.s32 $0x280, s5;
	s21 =	simm.s32 $0x19D00  }
0x81: {  	[tilespmem:s21], [sflag:$0x2] =	stream.linear.gather [hbm4b:s18+s25], $0x80, $0x38;
	[tilespmem:$0x1E800] =	vst v63  }
0x82: {  	s24 =	sadd.s32 $0x300, s5;
	s26 =	simm.s32 $0x1A100  }
0x83: {  	[tilespmem:s26], [sflag:$0x2] =	stream.linear.gather [hbm4b:s24+s25], $0x80, $0x38;
	[tilespmem:$0x1E800] =	vst v63  }
0x84: {  	s5 =	sadd.s32 $0x380, s5;
	s28 =	simm.s32 $0x1A500  }
0x85: {  	[tilespmem:s28], [sflag:$0x2] =	stream.linear.gather [hbm4b:s5+s25], $0x80, $0x38;
	[tilespmem:$0x1E800] =	vst v63  }
0x86: {  	s18 =	simm.s32 $0x18980;
	s5 =	sadd.s32 s0, s15  }
0x87: {  	[tilespmem:s18], [sflag:$0x2] =	stream.linear.gather [hbm4b:s5+s25], $0x80, $0x38;
	[tilespmem:$0x1E800] =	vst v63  }
0x88: {  	s24 =	simm.s32 $0x18D80;
	s21 =	sadd.s32 $0x80, s5  }
0x89: {  	[tilespmem:s24], [sflag:$0x2] =	stream.linear.gather [hbm4b:s21+s25], $0x80, $0x38;
	[tilespmem:$0x1E800] =	vst v63  }
0x8a: {  	s28 =	simm.s32 $0x19180;
	s26 =	sadd.s32 $0x100, s5  }
0x8b: {  	[tilespmem:s28], [sflag:$0x2] =	stream.linear.gather [hbm4b:s26+s25], $0x80, $0x38;
	[tilespmem:$0x1E800] =	vst v63  }
0x8c: {  	s21 =	sadd.s32 $0x180, s5;
	s24 =	simm.s32 $0x19580  }
0x8d: {  	[tilespmem:s24], [sflag:$0x2] =	stream.linear.gather [hbm4b:s21+s25], $0x80, $0x38;
	[tilespmem:$0x1E800] =	vst v63  }
0x8e: {  	s26 =	sadd.s32 $0x200, s5;
	s28 =	simm.s32 $0x19980  }
0x8f: {  	[tilespmem:s28], [sflag:$0x2] =	stream.linear.gather [hbm4b:s26+s25], $0x80, $0x38;
	[tilespmem:$0x1E800] =	vst v63  }
0x90: {  	s18 =	sadd.s32 $0x280, s5;
	s21 =	simm.s32 $0x19D80  }
0x91: {  	[tilespmem:s21], [sflag:$0x2] =	stream.linear.gather [hbm4b:s18+s25], $0x80, $0x38;
	[tilespmem:$0x1E800] =	vst v63  }
0x92: {  	s24 =	sadd.s32 $0x300, s5;
	s26 =	simm.s32 $0x1A180  }
0x93: {  	[tilespmem:s26], [sflag:$0x2] =	stream.linear.gather [hbm4b:s24+s25], $0x80, $0x38;
	[tilespmem:$0x1E800] =	vst v63  }
0x94: {  	s5 =	sadd.s32 $0x380, s5;
	s28 =	simm.s32 $0x1A580  }
0x95: {  	[tilespmem:s28], [sflag:$0x2] =	stream.linear.gather [hbm4b:s5+s25], $0x80, $0x38;
	[tilespmem:$0x1E800] =	vst v63  }
0x96: {  	s18 =	simm.s32 $0x18A00;
	s5 =	sadd.s32 s0, s16  }
0x97: {  	[tilespmem:s18], [sflag:$0x2] =	stream.linear.gather [hbm4b:s5+s25], $0x80, $0x38;
	[tilespmem:$0x1E800] =	vst v63  }
0x98: {  	s24 =	simm.s32 $0x18E00;
	s21 =	sadd.s32 $0x80, s5  }
0x99: {  	[tilespmem:s24], [sflag:$0x2] =	stream.linear.gather [hbm4b:s21+s25], $0x80, $0x38;
	[tilespmem:$0x1E800] =	vst v63  }
0x9a: {  	s28 =	simm.s32 $0x19200;
	s26 =	sadd.s32 $0x100, s5  }
0x9b: {  	[tilespmem:s28], [sflag:$0x2] =	stream.linear.gather [hbm4b:s26+s25], $0x80, $0x38;
	[tilespmem:$0x1E800] =	vst v63  }
0x9c: {  	s21 =	sadd.s32 $0x180, s5;
	s24 =	simm.s32 $0x19600  }
0x9d: {  	[tilespmem:s24], [sflag:$0x2] =	stream.linear.gather [hbm4b:s21+s25], $0x80, $0x38;
	[tilespmem:$0x1E800] =	vst v63  }
0x9e: {  	s26 =	sadd.s32 $0x200, s5;
	s28 =	simm.s32 $0x19A00  }
0x9f: {  	[tilespmem:s28], [sflag:$0x2] =	stream.linear.gather [hbm4b:s26+s25], $0x80, $0x38;
	[tilespmem:$0x1E800] =	vst v63  }
0xa0: {  	s21 =	sadd.s32 $0x280, s5;
	s24 =	simm.s32 $0x19E00  }
0xa1: {  	[tilespmem:s24], [sflag:$0x2] =	stream.linear.gather [hbm4b:s21+s25], $0x80, $0x38;
	[tilespmem:$0x1E800] =	vst v63  }
0xa2: {  	s26 =	sadd.s32 $0x300, s5;
	s28 =	simm.s32 $0x1A200  }
0xa3: {  	[tilespmem:s28], [sflag:$0x2] =	stream.linear.gather [hbm4b:s26+s25], $0x80, $0x38;
	[tilespmem:$0x1E800] =	vst v63  }
0xa4: {  	s5 =	sadd.s32 $0x380, s5;
	s21 =	simm.s32 $0x1A600  }
0xa5: {  	[tilespmem:s21], [sflag:$0x2] =	stream.linear.gather [hbm4b:s5+s25], $0x80, $0x38;
	[tilespmem:$0x1E800] =	vst v63  }
0xa6: {  	s0 =	sadd.s32 s0, s17;
	s24 =	simm.s32 $0x18A80  }
0xa7: {  	[tilespmem:s24], [sflag:$0x2] =	stream.linear.gather [hbm4b:s0+s25], $0x80, $0x38;
	[tilespmem:$0x1E800] =	vst v63  }
0xa8: {  	s26 =	sadd.s32 $0x80, s0;
	s28 =	simm.s32 $0x18E80  }
0xa9: {  	[tilespmem:s28], [sflag:$0x2] =	stream.linear.gather [hbm4b:s26+s25], $0x80, $0x38;
	[tilespmem:$0x1E800] =	vst v63  }
0xaa: {  	s7 =	sadd.s32 $0x100, s0;
	s18 =	simm.s32 $0x19280;
	s21 =	sadd.s32 $0x180, s0  }
0xab: {  	[tilespmem:s18], [sflag:$0x2] =	stream.linear.gather [hbm4b:s7+s25], $0x80, $0x38;
	[tilespmem:$0x1E800] =	vst v63  }
0xac: {  	s24 =	simm.s32 $0x19680;
	s26 =	sadd.s32 $0x200, s0;
	s7 =	sshll.u32 s19, $0xA  }
0xad: {  	[tilespmem:s24], [sflag:$0x2] =	stream.linear.gather [hbm4b:s21+s25], $0x80, $0x38;
	[tilespmem:$0x1E800] =	vst v63  }
0xae: {  	s28 =	simm.s32 $0x19A80;
	s5 =	sand.u32 $0xFFFFC000, s7;
	s24 =	sshll.u32 s22, $0xA  }
0xaf: {  	[tilespmem:s28], [sflag:$0x2] =	stream.linear.gather [hbm4b:s26+s25], $0x80, $0x38;
	[tilespmem:$0x1E800] =	vst v63  }
0xb0: {  	s21 =	simm.s32 $0x19E80;
	s7 =	sand.u32 $0x2000, s24;
	s28 =	sand.u32 $0x7, s6  }
0xb1: {  	s26 =	sadd.s32 $0x280, s0;
	s5 =	sor.u32 s7, s5;
	s18 =	sshll.u32 s28, $0x7  }
0xb2: {  	[tilespmem:s21], [sflag:$0x2] =	stream.linear.gather [hbm4b:s26+s25], $0x80, $0x38;
	[tilespmem:$0x1E800] =	vst v63  }
0xb3: {  	s5 =	sor.u32 s18, s5  }
0xb4: {  	s24 =	simm.s32 $0x1A280;
	s21 =	sadd.s32 $0x300, s0;
	s5 =	sadd.s32 $0x34000, s5  }
0xb5: {  	[tilespmem:s24], [sflag:$0x2] =	stream.linear.gather [hbm4b:s21+s25], $0x80, $0x38;
	[tilespmem:$0x1E800] =	vst v63  }
0xb6: {  	s0 =	sadd.s32 $0x380, s0;
	s26 =	simm.s32 $0x1A680;
	s28 =	sshrl.u32 s5, $0x3  }
0xb7: {  	[tilespmem:s26], [sflag:$0x2] =	stream.linear.gather [hbm4b:s0+s25], $0x80, $0x38;
	[tilespmem:$0x1E800] =	vst v63  }
0xb8: {  	s7 =	simm.s32 $0x0;
	s5 =	simm.s32 $0x2000;
	s0 =	sadd.s32 s28, s8  }
.LBB2_3:
0xb9: {  	_ =	swait.ge [sflag:s29], $0x400  }
0xba: {  	p1 =	slt.u32 s7, $0x8;
	[sflag:s29] =	ssyncset.done $0x0  }
0xbb: {  	s21 =	simm.s32 @!p1 $0x3;
	[sflag:s29] =	ssyncadd.s32 $0xFFFFFC00  }
0xbc: {  	_ =	swait.ge @!p1 [sflag:s21], $0x400  }
0xbd: {  	[sflag:s21] =	ssyncset.done @!p1 $0x0  }
0xbe: {  	s18 =	sand.u32 $0x380, s25;
	[sflag:s21] =	ssyncadd.s32 @!p1 $0xFFFFFC00  }
0xbf: {  	v0 =	vld [tilespmem:s18+$0x18700];
	_ =	sdelay $0x5  }
0xc0: {  	v1 =	vld [tilespmem:s18+$0x18710];
	_ =	sdelay $0x1  }
0xc1: {  	v0 =	vld.idx.msk [tilespmem:v0+s9+$0x0], $0xffff;
	_ =	sdelay $0x3  }
0xc2: {  	v2 =	vld [tilespmem:s18+$0x18720]  }
0xc3: {  	[tilespmem:s18+$0x1A700] =	vst v0  }
0xc4: {  	v0 =	vld.idx.msk [tilespmem:v1+s9+$0x0], $0xffff;
	_ =	sdelay $0x3  }
0xc5: {  	v11 =	vld [tilespmem:s18+$0x18730]  }
0xc6: {  	[tilespmem:s18+$0x1A710] =	vst v0  }
0xc7: {  	v0 =	vld.idx.msk [tilespmem:v2+s9+$0x0], $0xffff;
	_ =	sdelay $0x3  }
0xc8: {  	v12 =	vld [tilespmem:s18+$0x18740]  }
0xc9: {  	[tilespmem:s18+$0x1A720] =	vst v0  }
0xca: {  	v0 =	vld.idx.msk [tilespmem:v11+s9+$0x0], $0xffff;
	_ =	sdelay $0x3  }
0xcb: {  	v13 =	vld [tilespmem:s18+$0x18750]  }
0xcc: {  	[tilespmem:s18+$0x1A730] =	vst v0  }
0xcd: {  	v0 =	vld.idx.msk [tilespmem:v12+s9+$0x0], $0xffff;
	_ =	sdelay $0x3  }
0xce: {  	v14 =	vld [tilespmem:s18+$0x18760]  }
0xcf: {  	[tilespmem:s18+$0x1A740] =	vst v0  }
0xd0: {  	v0 =	vld.idx.msk [tilespmem:v13+s9+$0x0], $0xffff;
	_ =	sdelay $0x3  }
0xd1: {  	v15 =	vld [tilespmem:s18+$0x18770]  }
0xd2: {  	[tilespmem:s18+$0x1A750] =	vst v0  }
0xd3: {  	v0 =	vld.idx.msk [tilespmem:v14+s9+$0x0], $0xffff;
	_ =	sdelay $0x3  }
0xd4: {  	v16 =	vld [tilespmem:s18+$0x18B00]  }
0xd5: {  	[tilespmem:s18+$0x1A760] =	vst v0  }
0xd6: {  	v0 =	vld.idx.msk [tilespmem:v15+s9+$0x0], $0xffff;
	_ =	sdelay $0x3  }
0xd7: {  	v17 =	vld [tilespmem:s18+$0x18B10]  }
0xd8: {  	[tilespmem:s18+$0x1A770] =	vst v0  }
0xd9: {  	v0 =	vld.idx.msk [tilespmem:v16+s9+$0x0], $0xffff;
	_ =	sdelay $0x3  }
0xda: {  	v18 =	vld [tilespmem:s18+$0x18B20]  }
0xdb: {  	[tilespmem:s18+$0x1AB00] =	vst v0  }
0xdc: {  	v0 =	vld.idx.msk [tilespmem:v17+s9+$0x0], $0xffff;
	_ =	sdelay $0x3  }
0xdd: {  	v19 =	vld [tilespmem:s18+$0x18B30]  }
0xde: {  	[tilespmem:s18+$0x1AB10] =	vst v0  }
0xdf: {  	v0 =	vld.idx.msk [tilespmem:v18+s9+$0x0], $0xffff;
	_ =	sdelay $0x3  }
0xe0: {  	v20 =	vld [tilespmem:s18+$0x18B40]  }
0xe1: {  	[tilespmem:s18+$0x1AB20] =	vst v0  }
0xe2: {  	v0 =	vld.idx.msk [tilespmem:v19+s9+$0x0], $0xffff;
	_ =	sdelay $0x3  }
0xe3: {  	v21 =	vld [tilespmem:s18+$0x18B50]  }
0xe4: {  	[tilespmem:s18+$0x1AB30] =	vst v0  }
0xe5: {  	v0 =	vld.idx.msk [tilespmem:v20+s9+$0x0], $0xffff;
	_ =	sdelay $0x3  }
0xe6: {  	v22 =	vld [tilespmem:s18+$0x18B60]  }
0xe7: {  	[tilespmem:s18+$0x1AB40] =	vst v0  }
0xe8: {  	v0 =	vld.idx.msk [tilespmem:v21+s9+$0x0], $0xffff;
	_ =	sdelay $0x3  }
0xe9: {  	v23 =	vld [tilespmem:s18+$0x18B70]  }
0xea: {  	[tilespmem:s18+$0x1AB50] =	vst v0  }
0xeb: {  	v0 =	vld.idx.msk [tilespmem:v22+s9+$0x0], $0xffff;
	_ =	sdelay $0x3  }
0xec: {  	v24 =	vld [tilespmem:s18+$0x18F00]  }
0xed: {  	[tilespmem:s18+$0x1AB60] =	vst v0  }
0xee: {  	v0 =	vld.idx.msk [tilespmem:v23+s9+$0x0], $0xffff;
	_ =	sdelay $0x3  }
0xef: {  	v25 =	vld [tilespmem:s18+$0x18F10]  }
0xf0: {  	[tilespmem:s18+$0x1AB70] =	vst v0  }
0xf1: {  	v0 =	vld.idx.msk [tilespmem:v24+s9+$0x0], $0xffff;
	_ =	sdelay $0x3  }
0xf2: {  	v26 =	vld [tilespmem:s18+$0x18F20]  }
0xf3: {  	[tilespmem:s18+$0x1AF00] =	vst v0  }
0xf4: {  	v0 =	vld.idx.msk [tilespmem:v25+s9+$0x0], $0xffff;
	_ =	sdelay $0x3  }
0xf5: {  	v27 =	vld [tilespmem:s18+$0x18F30]  }
0xf6: {  	[tilespmem:s18+$0x1AF10] =	vst v0  }
0xf7: {  	v0 =	vld.idx.msk [tilespmem:v26+s9+$0x0], $0xffff;
	_ =	sdelay $0x3  }
0xf8: {  	v28 =	vld [tilespmem:s18+$0x18F40]  }
0xf9: {  	[tilespmem:s18+$0x1AF20] =	vst v0  }
0xfa: {  	v0 =	vld.idx.msk [tilespmem:v27+s9+$0x0], $0xffff;
	_ =	sdelay $0x3  }
0xfb: {  	v29 =	vld [tilespmem:s18+$0x18F50]  }
0xfc: {  	[tilespmem:s18+$0x1AF30] =	vst v0  }
0xfd: {  	v0 =	vld.idx.msk [tilespmem:v28+s9+$0x0], $0xffff;
	_ =	sdelay $0x3  }
0xfe: {  	v30 =	vld [tilespmem:s18+$0x18F60]  }
0xff: {  	[tilespmem:s18+$0x1AF40] =	vst v0  }
0x100: {  	v0 =	vld.idx.msk [tilespmem:v29+s9+$0x0], $0xffff;
	_ =	sdelay $0x3  }
0x101: {  	v31 =	vld [tilespmem:s18+$0x18F70]  }
0x102: {  	[tilespmem:s18+$0x1AF50] =	vst v0  }
0x103: {  	v0 =	vld.idx.msk [tilespmem:v30+s9+$0x0], $0xffff;
	_ =	sdelay $0x3  }
0x104: {  	v32 =	vld [tilespmem:s18+$0x19300]  }
0x105: {  	[tilespmem:s18+$0x1AF60] =	vst v0  }
0x106: {  	v0 =	vld.idx.msk [tilespmem:v31+s9+$0x0], $0xffff;
	_ =	sdelay $0x3  }
0x107: {  	v33 =	vld [tilespmem:s18+$0x19310]  }
0x108: {  	[tilespmem:s18+$0x1AF70] =	vst v0  }
0x109: {  	v0 =	vld.idx.msk [tilespmem:v32+s9+$0x0], $0xffff;
	_ =	sdelay $0x3  }
0x10a: {  	v34 =	vld [tilespmem:s18+$0x19320]  }
0x10b: {  	[tilespmem:s18+$0x1B300] =	vst v0  }
0x10c: {  	v0 =	vld.idx.msk [tilespmem:v33+s9+$0x0], $0xffff;
	_ =	sdelay $0x3  }
0x10d: {  	v35 =	vld [tilespmem:s18+$0x19330]  }
0x10e: {  	[tilespmem:s18+$0x1B310] =	vst v0  }
0x10f: {  	v0 =	vld.idx.msk [tilespmem:v34+s9+$0x0], $0xffff;
	_ =	sdelay $0x3  }
0x110: {  	v36 =	vld [tilespmem:s18+$0x19340]  }
0x111: {  	[tilespmem:s18+$0x1B320] =	vst v0  }
0x112: {  	v0 =	vld.idx.msk [tilespmem:v35+s9+$0x0], $0xffff;
	_ =	sdelay $0x3  }
0x113: {  	v37 =	vld [tilespmem:s18+$0x19350]  }
0x114: {  	[tilespmem:s18+$0x1B330] =	vst v0  }
0x115: {  	v0 =	vld.idx.msk [tilespmem:v36+s9+$0x0], $0xffff;
	_ =	sdelay $0x3  }
0x116: {  	v38 =	vld [tilespmem:s18+$0x19360]  }
0x117: {  	[tilespmem:s18+$0x1B340] =	vst v0  }
0x118: {  	v0 =	vld.idx.msk [tilespmem:v37+s9+$0x0], $0xffff;
	_ =	sdelay $0x3  }
0x119: {  	v39 =	vld [tilespmem:s18+$0x19370]  }
0x11a: {  	[tilespmem:s18+$0x1B350] =	vst v0  }
0x11b: {  	v0 =	vld.idx.msk [tilespmem:v38+s9+$0x0], $0xffff;
	_ =	sdelay $0x3  }
0x11c: {  	v40 =	vld [tilespmem:s18+$0x19700]  }
0x11d: {  	[tilespmem:s18+$0x1B360] =	vst v0  }
0x11e: {  	v0 =	vld.idx.msk [tilespmem:v39+s9+$0x0], $0xffff;
	_ =	sdelay $0x3  }
0x11f: {  	v41 =	vld [tilespmem:s18+$0x19710]  }
0x120: {  	[tilespmem:s18+$0x1B370] =	vst v0  }
0x121: {  	v0 =	vld.idx.msk [tilespmem:v40+s9+$0x0], $0xffff;
	_ =	sdelay $0x3  }
0x122: {  	v42 =	vld [tilespmem:s18+$0x19720]  }
0x123: {  	[tilespmem:s18+$0x1B700] =	vst v0  }
0x124: {  	v0 =	vld.idx.msk [tilespmem:v41+s9+$0x0], $0xffff;
	_ =	sdelay $0x3  }
0x125: {  	v43 =	vld [tilespmem:s18+$0x19730]  }
0x126: {  	[tilespmem:s18+$0x1B710] =	vst v0  }
0x127: {  	v0 =	vld.idx.msk [tilespmem:v42+s9+$0x0], $0xffff;
	_ =	sdelay $0x3  }
0x128: {  	v44 =	vld [tilespmem:s18+$0x19740]  }
0x129: {  	[tilespmem:s18+$0x1B720] =	vst v0  }
0x12a: {  	v0 =	vld.idx.msk [tilespmem:v43+s9+$0x0], $0xffff;
	_ =	sdelay $0x3  }
0x12b: {  	v45 =	vld [tilespmem:s18+$0x19750]  }
0x12c: {  	[tilespmem:s18+$0x1B730] =	vst v0  }
0x12d: {  	v0 =	vld.idx.msk [tilespmem:v44+s9+$0x0], $0xffff;
	_ =	sdelay $0x3  }
0x12e: {  	v46 =	vld [tilespmem:s18+$0x19760]  }
0x12f: {  	[tilespmem:s18+$0x1B740] =	vst v0  }
0x130: {  	v0 =	vld.idx.msk [tilespmem:v45+s9+$0x0], $0xffff;
	_ =	sdelay $0x3  }
0x131: {  	v47 =	vld [tilespmem:s18+$0x19770]  }
0x132: {  	[tilespmem:s18+$0x1B750] =	vst v0  }
0x133: {  	v0 =	vld.idx.msk [tilespmem:v46+s9+$0x0], $0xffff;
	_ =	sdelay $0x3  }
0x134: {  	v48 =	vld [tilespmem:s18+$0x19B00]  }
0x135: {  	[tilespmem:s18+$0x1B760] =	vst v0  }
0x136: {  	v0 =	vld.idx.msk [tilespmem:v47+s9+$0x0], $0xffff;
	_ =	sdelay $0x3  }
0x137: {  	v49 =	vld [tilespmem:s18+$0x19B10]  }
0x138: {  	[tilespmem:s18+$0x1B770] =	vst v0  }
0x139: {  	v0 =	vld.idx.msk [tilespmem:v48+s9+$0x0], $0xffff;
	_ =	sdelay $0x3  }
0x13a: {  	v50 =	vld [tilespmem:s18+$0x19B20]  }
0x13b: {  	[tilespmem:s18+$0x1BB00] =	vst v0  }
0x13c: {  	v0 =	vld.idx.msk [tilespmem:v49+s9+$0x0], $0xffff;
	_ =	sdelay $0x3  }
0x13d: {  	v51 =	vld [tilespmem:s18+$0x19B30]  }
0x13e: {  	[tilespmem:s18+$0x1BB10] =	vst v0  }
0x13f: {  	v0 =	vld.idx.msk [tilespmem:v50+s9+$0x0], $0xffff;
	_ =	sdelay $0x3  }
0x140: {  	v52 =	vld [tilespmem:s18+$0x19B40]  }
0x141: {  	[tilespmem:s18+$0x1BB20] =	vst v0  }
0x142: {  	v0 =	vld.idx.msk [tilespmem:v51+s9+$0x0], $0xffff;
	_ =	sdelay $0x3  }
0x143: {  	v53 =	vld [tilespmem:s18+$0x19B50]  }
0x144: {  	[tilespmem:s18+$0x1BB30] =	vst v0  }
0x145: {  	v0 =	vld.idx.msk [tilespmem:v52+s9+$0x0], $0xffff;
	_ =	sdelay $0x3  }
0x146: {  	v54 =	vld [tilespmem:s18+$0x19B60]  }
0x147: {  	[tilespmem:s18+$0x1BB40] =	vst v0  }
0x148: {  	v0 =	vld.idx.msk [tilespmem:v53+s9+$0x0], $0xffff;
	_ =	sdelay $0x3  }
0x149: {  	v55 =	vld [tilespmem:s18+$0x19B70]  }
0x14a: {  	[tilespmem:s18+$0x1BB50] =	vst v0  }
0x14b: {  	v0 =	vld.idx.msk [tilespmem:v54+s9+$0x0], $0xffff;
	_ =	sdelay $0x3  }
0x14c: {  	v56 =	vld [tilespmem:s18+$0x19F00]  }
0x14d: {  	[tilespmem:s18+$0x1BB60] =	vst v0  }
0x14e: {  	v0 =	vld.idx.msk [tilespmem:v55+s9+$0x0], $0xffff;
	_ =	sdelay $0x3  }
0x14f: {  	v57 =	vld [tilespmem:s18+$0x19F10]  }
0x150: {  	[tilespmem:s18+$0x1BB70] =	vst v0  }
0x151: {  	v0 =	vld.idx.msk [tilespmem:v56+s9+$0x0], $0xffff;
	_ =	sdelay $0x3  }
0x152: {  	v58 =	vld [tilespmem:s18+$0x19F20]  }
0x153: {  	[tilespmem:s18+$0x1BF00] =	vst v0  }
0x154: {  	v0 =	vld.idx.msk [tilespmem:v57+s9+$0x0], $0xffff;
	_ =	sdelay $0x3  }
0x155: {  	v59 =	vld [tilespmem:s18+$0x19F30]  }
0x156: {  	[tilespmem:s18+$0x1BF10] =	vst v0  }
0x157: {  	v0 =	vld.idx.msk [tilespmem:v58+s9+$0x0], $0xffff;
	_ =	sdelay $0x3  }
0x158: {  	v60 =	vld [tilespmem:s18+$0x19F40]  }
0x159: {  	[tilespmem:s18+$0x1BF20] =	vst v0  }
0x15a: {  	v0 =	vld.idx.msk [tilespmem:v59+s9+$0x0], $0xffff;
	_ =	sdelay $0x3  }
0x15b: {  	v61 =	vld [tilespmem:s18+$0x19F50]  }
0x15c: {  	[tilespmem:s18+$0x1BF30] =	vst v0  }
0x15d: {  	v0 =	vld.idx.msk [tilespmem:v60+s9+$0x0], $0xffff;
	_ =	sdelay $0x3  }
0x15e: {  	v62 =	vld [tilespmem:s18+$0x19F60]  }
0x15f: {  	[tilespmem:s18+$0x1BF40] =	vst v0  }
0x160: {  	v0 =	vld.idx.msk [tilespmem:v61+s9+$0x0], $0xffff;
	_ =	sdelay $0x3  }
0x161: {  	v63 =	vld [tilespmem:s18+$0x19F70]  }
0x162: {  	[tilespmem:s18+$0x1BF50] =	vst v0  }
0x163: {  	v0 =	vld.idx.msk [tilespmem:v62+s9+$0x0], $0xffff;
	_ =	sdelay $0x4  }
0x164: {  	[tilespmem:s18+$0x1BF60] =	vst v0  }
0x165: {  	v0 =	vld.idx.msk [tilespmem:v63+s9+$0x0], $0xffff;
	_ =	sdelay $0x4  }
0x166: {  	s26 =	sor.u32 $0x1C00, s25;
	[tilespmem:s18+$0x1BF70] =	vst v0  }
0x167: {  	v0 =	vld [tilespmem:s26+$0x18700];
	_ =	sdelay $0x7  }
0x168: {  	v0 =	vld.idx.msk [tilespmem:v0+s9+$0x0], $0xffff;
	_ =	sdelay $0x4  }
0x169: {  	s28 =	sor.u32 $0x1C10, s25;
	[tilespmem:s26+$0x1A700] =	vst v0  }
0x16a: {  	v0 =	vld [tilespmem:s28+$0x18700];
	_ =	sdelay $0x7  }
0x16b: {  	v0 =	vld.idx.msk [tilespmem:v0+s9+$0x0], $0xffff;
	_ =	sdelay $0x4  }
0x16c: {  	s24 =	sor.u32 $0x1C20, s25;
	[tilespmem:s28+$0x1A700] =	vst v0  }
0x16d: {  	v0 =	vld [tilespmem:s24+$0x18700];
	_ =	sdelay $0x7  }
0x16e: {  	v0 =	vld.idx.msk [tilespmem:v0+s9+$0x0], $0xffff;
	_ =	sdelay $0x4  }
0x16f: {  	s26 =	sor.u32 $0x1C30, s25;
	[tilespmem:s24+$0x1A700] =	vst v0  }
0x170: {  	v0 =	vld [tilespmem:s26+$0x18700];
	_ =	sdelay $0x7  }
0x171: {  	v0 =	vld.idx.msk [tilespmem:v0+s9+$0x0], $0xffff;
	_ =	sdelay $0x4  }
0x172: {  	s28 =	sor.u32 $0x1C40, s25;
	[tilespmem:s26+$0x1A700] =	vst v0  }
0x173: {  	v0 =	vld [tilespmem:s28+$0x18700];
	_ =	sdelay $0x7  }
0x174: {  	v0 =	vld.idx.msk [tilespmem:v0+s9+$0x0], $0xffff;
	_ =	sdelay $0x4  }
0x175: {  	s24 =	sor.u32 $0x1C50, s25;
	[tilespmem:s28+$0x1A700] =	vst v0  }
0x176: {  	v0 =	vld [tilespmem:s24+$0x18700];
	_ =	sdelay $0x7  }
0x177: {  	v0 =	vld.idx.msk [tilespmem:v0+s9+$0x0], $0xffff;
	_ =	sdelay $0x4  }
0x178: {  	s26 =	sor.u32 $0x1C60, s25;
	[tilespmem:s24+$0x1A700] =	vst v0  }
0x179: {  	v0 =	vld [tilespmem:s26+$0x18700];
	_ =	sdelay $0x7  }
0x17a: {  	v0 =	vld.idx.msk [tilespmem:v0+s9+$0x0], $0xffff;
	_ =	sdelay $0x4  }
0x17b: {  	s28 =	sor.u32 $0x1C70, s25;
	[tilespmem:s26+$0x1A700] =	vst v0  }
0x17c: {  	v0 =	vld [tilespmem:s28+$0x18700];
	_ =	sdelay $0x7  }
0x17d: {  	v0 =	vld.idx.msk [tilespmem:v0+s9+$0x0], $0xffff;
	_ =	sdelay $0x4  }
0x17e: {  	s24 =	sadd.s32 $0x1A700, s18;
	[tilespmem:s28+$0x1A700] =	vst v0  }
0x17f: {  	[hbm4b:s0+s9] =	stream.linear.scatter [tilespmem:s24], [sflag:$0x3], $0x80, $0x38;
	[tilespmem:$0x1E800] =	vst v63  }
0x180: {  	s26 =	sadd.s32 $0x1AB00, s18;
	s28 =	sadd.s32 $0x80, s0  }
0x181: {  	[hbm4b:s28+s9] =	stream.linear.scatter [tilespmem:s26], [sflag:$0x3], $0x80, $0x38;
	[tilespmem:$0x1E800] =	vst v63  }
0x182: {  	s26 =	sadd.s32 $0x1AF00, s18;
	s28 =	sadd.s32 $0x100, s0  }
0x183: {  	[hbm4b:s28+s9] =	stream.linear.scatter [tilespmem:s26], [sflag:$0x3], $0x80, $0x38;
	[tilespmem:$0x1E800] =	vst v63  }
0x184: {  	p1 =	sgt.u32 s7, $0x29;
	s26 =	sadd.s32 $0x1B300, s18;
	s28 =	sadd.s32 $0x180, s0  }
0x185: {  	[hbm4b:s28+s9] =	stream.linear.scatter [tilespmem:s26], [sflag:$0x3], $0x80, $0x38;
	[tilespmem:$0x1E800] =	vst v63  }
0x186: {  	s21 =	sand.u32 @!p1 $0x1E000, s5;
	s26 =	sadd.s32 $0x1B700, s18;
	s28 =	sadd.s32 $0x200, s0  }
0x187: {  	[hbm4b:s28+s9] =	stream.linear.scatter [tilespmem:s26], [sflag:$0x3], $0x80, $0x38;
	[tilespmem:$0x1E800] =	vst v63  }
0x188: {  	s21 =	sadd.s32 @!p1 s23, s21;
	s26 =	sadd.s32 $0x1BB00, s18;
	s28 =	sadd.s32 $0x280, s0  }
0x189: {  	[hbm4b:s28+s9] =	stream.linear.scatter [tilespmem:s26], [sflag:$0x3], $0x80, $0x38;
	[tilespmem:$0x1E800] =	vst v63  }
0x18a: {  	s21 =	sor.u32 @!p1 s18, s21;
	s26 =	sadd.s32 $0x1BF00, s18;
	s28 =	sadd.s32 $0x300, s0  }
0x18b: {  	[hbm4b:s28+s9] =	stream.linear.scatter [tilespmem:s26], [sflag:$0x3], $0x80, $0x38;
	[tilespmem:$0x1E800] =	vst v63  }
0x18c: {  	s21 =	sshrl.u32 @!p1 s21, $0x3;
	s26 =	sadd.s32 $0x1C300, s18;
	s28 =	sadd.s32 $0x380, s0  }
0x18d: {  	[hbm4b:s28+s9] =	stream.linear.scatter [tilespmem:s26], [sflag:$0x3], $0x80, $0x38;
	[tilespmem:$0x1E800] =	vst v63  }
0x18e: {  	s21 =	sadd.s32 @!p1 s2, s21;
	s24 =	sadd.s32 $0x18700, s18;
	s26 =	simm.s32 @!p1 $0x0  }
0x18f: {  	[tilespmem:s24], [sflag:$0x2] =	stream.linear.gather @!p1 [hbm4b:s21+s26], $0x80, $0x38;
	[tilespmem:$0x1E800] =	vst v63  }
0x190: {  	s28 =	sadd.s32 @!p1 $0x18B00, s18;
	s24 =	sadd.s32 @!p1 $0x80, s21  }
0x191: {  	[tilespmem:s28], [sflag:$0x2] =	stream.linear.gather @!p1 [hbm4b:s24+s26], $0x80, $0x38;
	[tilespmem:$0x1E800] =	vst v63  }
0x192: {  	s24 =	sadd.s32 @!p1 $0x100, s21;
	s28 =	sadd.s32 @!p1 $0x18F00, s18  }
0x193: {  	[tilespmem:s28], [sflag:$0x2] =	stream.linear.gather @!p1 [hbm4b:s24+s26], $0x80, $0x38;
	[tilespmem:$0x1E800] =	vst v63  }
0x194: {  	s24 =	sadd.s32 @!p1 $0x180, s21;
	s28 =	sadd.s32 @!p1 $0x19300, s18  }
0x195: {  	[tilespmem:s28], [sflag:$0x2] =	stream.linear.gather @!p1 [hbm4b:s24+s26], $0x80, $0x38;
	[tilespmem:$0x1E800] =	vst v63  }
0x196: {  	s24 =	sadd.s32 @!p1 $0x200, s21;
	s28 =	sadd.s32 @!p1 $0x19700, s18  }
0x197: {  	[tilespmem:s28], [sflag:$0x2] =	stream.linear.gather @!p1 [hbm4b:s24+s26], $0x80, $0x38;
	[tilespmem:$0x1E800] =	vst v63  }
0x198: {  	s24 =	sadd.s32 @!p1 $0x280, s21;
	s28 =	sadd.s32 @!p1 $0x19B00, s18  }
0x199: {  	[tilespmem:s28], [sflag:$0x2] =	stream.linear.gather @!p1 [hbm4b:s24+s26], $0x80, $0x38;
	[tilespmem:$0x1E800] =	vst v63  }
0x19a: {  	s24 =	sadd.s32 @!p1 $0x300, s21;
	s28 =	sadd.s32 @!p1 $0x19F00, s18  }
0x19b: {  	[tilespmem:s28], [sflag:$0x2] =	stream.linear.gather @!p1 [hbm4b:s24+s26], $0x80, $0x38;
	[tilespmem:$0x1E800] =	vst v63  }
0x19c: {  	s5 =	sadd.s32 $0x400, s5;
	s21 =	sadd.s32 @!p1 $0x380, s21;
	s18 =	sadd.s32 @!p1 $0x1A300, s18  }
0x19d: {  	[tilespmem:s18], [sflag:$0x2] =	stream.linear.gather @!p1 [hbm4b:s21+s26], $0x80, $0x38;
	[tilespmem:$0x1E800] =	vst v63  }
0x19e: {  	p1 =	sne.s32 s5, $0xE800  }
.Ltmp4:
0x19f: {  	_ = 	snop;
	(pc) =	sbr.rel @p1 .LBB2_3-.Ltmp4, $2  }
0x1a0: {  	_ =	sdelay $0x2  }
0x1a1: {  	s7 =	sadd.s32 $0x1, s7;
	s25 =	sadd.s32 $0x80, s25;
	s0 =	sadd.s32 $0x13800, s0  }
0x1a2: {  	s23 =	sadd.s32 $0x1, s20;
	p1 =	seq.s32 s20, $0xC  }
0x1a3: {  	s0 =	sadd.s32 @!p1 s3, s23  }
0x1a4: {  	s5 =	sshrl.u32 @!p1 s0, $0x4;
	s7 =	sshll.u32 @!p1 s0, $0x1C  }
0x1a5: {  	s5 =	smul.u32 @!p1 $0x187000, s5;
	s7 =	sshra.s32 @!p1 s7, $0x1F  }
0x1a6: {  	s0 =	sshll.u32 @!p1 s0, $0x7;
	s7 =	sand.u32 @!p1 $0xC3800, s7  }
0x1a7: {  	s0 =	sand.u32 @!p1 $0x380, s0;
	s5 =	sadd.s32 @!p1 s5, s7  }
0x1a8: {  	s0 =	sor.u32 @!p1 s0, s5  }
0x1a9: {  	s18 =	simm.s32 @!p1 $0x0;
	s5 =	rddreg [dreg:$0x3];
	s0 =	sshrl.u32 @!p1 s0, $0x3  }
0x1aa: {  	s7 =	simm.s32 @!p1 $0x400;
	s0 =	sadd.s32 @!p1 s5, s0;
	s5 =	simm.s32 @!p1 $0x80  }
0x1ab: {  	[tilespmem:s18], [sflag:$0x1] =	stream.strided.gather @!p1 [hbm4b:s0+s5], $0x18700, s7, s5, $0x38;
	[tilespmem:$0x1E800] =	vst v63  }
0x1ac: {  	_ =	swait.ge [sflag:s30], $0x400  }
0x1ad: {  	[sflag:s30] =	ssyncset.done $0x0  }
0x1ae: {  	[sflag:s30] =	ssyncadd.s32 $0xFFFFFC00  }
0x1af: {  	_ =	swait.ge [sflag:s30], $0x400  }
0x1b0: {  	[sflag:s30] =	ssyncset.done $0x0  }
0x1b1: {  	[sflag:s30] =	ssyncadd.s32 $0xFFFFFC00  }
0x1b2: {  	_ =	swait.ge [sflag:s30], $0x400  }
0x1b3: {  	[sflag:s30] =	ssyncset.done $0x0  }
0x1b4: {  	[sflag:s30] =	ssyncadd.s32 $0xFFFFFC00  }
0x1b5: {  	_ =	swait.ge [sflag:s30], $0x400  }
0x1b6: {  	[sflag:s30] =	ssyncset.done $0x0  }
0x1b7: {  	[sflag:s30] =	ssyncadd.s32 $0xFFFFFC00  }
0x1b8: {  	_ =	swait.ge [sflag:s30], $0x400  }
0x1b9: {  	[sflag:s30] =	ssyncset.done $0x0  }
0x1ba: {  	p1 =	sgt.u32 s20, $0x6;
	[sflag:s30] =	ssyncadd.s32 $0xFFFFFC00  }
0x1bb: {  	s0 =	sshll.u32 @!p1 s20, $0x5;
	_ =	swait.ge [sflag:s30], $0x400  }
0x1bc: {  	s5 =	sor.u32 @!p1 s1, s0;
	[sflag:s30] =	ssyncset.done $0x0  }
0x1bd: {  	p2 =	sgt.u32 @!p1 s5, $0xCF;
	[sflag:s30] =	ssyncadd.s32 $0xFFFFFC00  }
0x1be: {  	p1 =	por p1, p2;
	_ =	swait.ge [sflag:s30], $0x400  }
.Ltmp5:
0x1bf: {  	[sflag:s30] =	ssyncset.done $0x0;
	(pc) =	sbr.rel @p1 .LBB2_8-.Ltmp5, $4  }
0x1c0: {  	[sflag:s30] =	ssyncadd.s32 $0xFFFFFC00  }
0x1c1: {  	_ =	swait.ge [sflag:s30], $0x400  }
0x1c2: {  	[sflag:s30] =	ssyncset.done $0x0  }
0x1c3: {  	[sflag:s30] =	ssyncadd.s32 $0xFFFFFC00  }
0x1c4: {  	p1 =	seq.s32 s5, $0x0  }
0x1c5: {  	p1 =	por !p0, !p1  }
0x1c6: {  	s0 =	simm.s32 $0x1;
	p1 =	por !p1, !p1  }
0x1c7: {  	s24 =	sshrl.u32 s5, $0x4;
	s0 =	simm.s32 @!p1 $0x0  }
0x1c8: {  	s5 =	ssub.s32 s24, s0  }
0x1c9: {  	s18 =	rddreg [dreg:$0x7];
	s7 =	sshll.u32 s5, $0x4  }
0x1ca: {  	s7 =	sor.u32 s18, s7  }
0x1cb: {  	v0 =	vmov s7;
	_ =	sdelay $0x1  }
0x1cc: {  	s20 =	smul.u32 $0xE000, s5;
	_ =	sdelay $0x1  }
0x1cd: {  	s25 =	simm.s32 $0x1E700;
	s5 =	sshrl.u32 s20, $0x3  }
0x1ce: {  	s26 =	simm.s32 $0x1C700;
	s7 =	sadd.s32 s4, s5;
	v0 =	vld.idx.msk [tilespmem:v0+s25+$0x0], $0xffff;
	s25 =	simm.s32 $0x0  }
0x1cf: {  	[tilespmem:s26], [sflag:$0x2] =	stream.linear.gather [hbm4b:s7+s25], $0x80, $0x38;
	[tilespmem:$0x1E800] =	vst v63  }
0x1d0: {  	s21 =	simm.s32 $0x1CB00;
	s28 =	sadd.s32 $0x80, s7  }
0x1d1: {  	[tilespmem:s21], [sflag:$0x2] =	stream.linear.gather [hbm4b:s28+s25], $0x80, $0x38;
	[tilespmem:$0x1E800] =	vst v63  }
0x1d2: {  	s24 =	simm.s32 $0x1CF00;
	s21 =	sadd.s32 $0x100, s7  }
0x1d3: {  	[tilespmem:s24], [sflag:$0x2] =	stream.linear.gather [hbm4b:s21+s25], $0x80, $0x38;
	[tilespmem:$0x1E800] =	vst v63  }
0x1d4: {  	s26 =	sadd.s32 $0x180, s7;
	s28 =	simm.s32 $0x1D300  }
0x1d5: {  	[tilespmem:s28], [sflag:$0x2] =	stream.linear.gather [hbm4b:s26+s25], $0x80, $0x38;
	[tilespmem:$0x1E800] =	vst v63  }
0x1d6: {  	s21 =	sadd.s32 $0x200, s7;
	s24 =	simm.s32 $0x1D700  }
0x1d7: {  	[tilespmem:s24], [sflag:$0x2] =	stream.linear.gather [hbm4b:s21+s25], $0x80, $0x38;
	[tilespmem:$0x1E800] =	vst v63  }
0x1d8: {  	s26 =	sadd.s32 $0x280, s7;
	s28 =	simm.s32 $0x1DB00  }
0x1d9: {  	[tilespmem:s28], [sflag:$0x2] =	stream.linear.gather [hbm4b:s26+s25], $0x80, $0x38;
	[tilespmem:$0x1E800] =	vst v63  }
0x1da: {  	s24 =	sadd.s32 $0x300, s7;
	s26 =	simm.s32 $0x1DF00  }
0x1db: {  	[tilespmem:s26], [sflag:$0x2] =	stream.linear.gather [hbm4b:s24+s25], $0x80, $0x38;
	[tilespmem:$0x1E800] =	vst v63  }
0x1dc: {  	s7 =	sadd.s32 $0x380, s7;
	s21 =	rddreg [dreg:$0xa];
	s28 =	simm.s32 $0x1E300  }
0x1dd: {  	[tilespmem:s28], [sflag:$0x2] =	stream.linear.gather [hbm4b:s7+s25], $0x80, $0x38;
	[tilespmem:$0x1E800] =	vst v63  }
0x1de: {  	s24 =	simm.s32 $0x1C780;
	s7 =	sadd.s32 s5, s21  }
0x1df: {  	[tilespmem:s24], [sflag:$0x2] =	stream.linear.gather [hbm4b:s7+s25], $0x80, $0x38;
	[tilespmem:$0x1E800] =	vst v63  }
0x1e0: {  	s28 =	simm.s32 $0x1CB80;
	s26 =	sadd.s32 $0x80, s7  }
0x1e1: {  	[tilespmem:s28], [sflag:$0x2] =	stream.linear.gather [hbm4b:s26+s25], $0x80, $0x38;
	[tilespmem:$0x1E800] =	vst v63  }
0x1e2: {  	s21 =	sadd.s32 $0x100, s7;
	s24 =	simm.s32 $0x1CF80  }
0x1e3: {  	[tilespmem:s24], [sflag:$0x2] =	stream.linear.gather [hbm4b:s21+s25], $0x80, $0x38;
	[tilespmem:$0x1E800] =	vst v63  }
0x1e4: {  	s26 =	sadd.s32 $0x180, s7;
	s28 =	simm.s32 $0x1D380  }
0x1e5: {  	[tilespmem:s28], [sflag:$0x2] =	stream.linear.gather [hbm4b:s26+s25], $0x80, $0x38;
	[tilespmem:$0x1E800] =	vst v63  }
0x1e6: {  	s21 =	sadd.s32 $0x200, s7;
	s24 =	simm.s32 $0x1D780  }
0x1e7: {  	[tilespmem:s24], [sflag:$0x2] =	stream.linear.gather [hbm4b:s21+s25], $0x80, $0x38;
	[tilespmem:$0x1E800] =	vst v63  }
0x1e8: {  	s26 =	sadd.s32 $0x280, s7;
	s28 =	simm.s32 $0x1DB80  }
0x1e9: {  	[tilespmem:s28], [sflag:$0x2] =	stream.linear.gather [hbm4b:s26+s25], $0x80, $0x38;
	[tilespmem:$0x1E800] =	vst v63  }
0x1ea: {  	s24 =	sadd.s32 $0x300, s7;
	s26 =	simm.s32 $0x1DF80  }
0x1eb: {  	[tilespmem:s26], [sflag:$0x2] =	stream.linear.gather [hbm4b:s24+s25], $0x80, $0x38;
	[tilespmem:$0x1E800] =	vst v63  }
0x1ec: {  	s7 =	sadd.s32 $0x380, s7;
	s21 =	rddreg [dreg:$0xf];
	s28 =	simm.s32 $0x1E380  }
0x1ed: {  	[tilespmem:s28], [sflag:$0x2] =	stream.linear.gather [hbm4b:s7+s25], $0x80, $0x38;
	[tilespmem:$0x1E800] =	vst v63  }
0x1ee: {  	s24 =	simm.s32 $0x1C800;
	s7 =	sadd.s32 s5, s21  }
0x1ef: {  	[tilespmem:s24], [sflag:$0x2] =	stream.linear.gather [hbm4b:s7+s25], $0x80, $0x38;
	[tilespmem:$0x1E800] =	vst v63  }
0x1f0: {  	s28 =	simm.s32 $0x1CC00;
	s26 =	sadd.s32 $0x80, s7  }
0x1f1: {  	[tilespmem:s28], [sflag:$0x2] =	stream.linear.gather [hbm4b:s26+s25], $0x80, $0x38;
	[tilespmem:$0x1E800] =	vst v63  }
0x1f2: {  	s21 =	sadd.s32 $0x100, s7;
	s24 =	simm.s32 $0x1D000  }
0x1f3: {  	[tilespmem:s24], [sflag:$0x2] =	stream.linear.gather [hbm4b:s21+s25], $0x80, $0x38;
	[tilespmem:$0x1E800] =	vst v63  }
0x1f4: {  	s26 =	sadd.s32 $0x180, s7;
	s28 =	simm.s32 $0x1D400  }
0x1f5: {  	[tilespmem:s28], [sflag:$0x2] =	stream.linear.gather [hbm4b:s26+s25], $0x80, $0x38;
	[tilespmem:$0x1E800] =	vst v63  }
0x1f6: {  	s21 =	sadd.s32 $0x200, s7;
	s24 =	simm.s32 $0x1D800  }
0x1f7: {  	[tilespmem:s24], [sflag:$0x2] =	stream.linear.gather [hbm4b:s21+s25], $0x80, $0x38;
	[tilespmem:$0x1E800] =	vst v63  }
0x1f8: {  	s26 =	sadd.s32 $0x280, s7;
	s28 =	simm.s32 $0x1DC00  }
0x1f9: {  	[tilespmem:s28], [sflag:$0x2] =	stream.linear.gather [hbm4b:s26+s25], $0x80, $0x38;
	[tilespmem:$0x1E800] =	vst v63  }
0x1fa: {  	s24 =	sadd.s32 $0x300, s7;
	s26 =	simm.s32 $0x1E000  }
0x1fb: {  	[tilespmem:s26], [sflag:$0x2] =	stream.linear.gather [hbm4b:s24+s25], $0x80, $0x38;
	[tilespmem:$0x1E800] =	vst v63  }
0x1fc: {  	s7 =	sadd.s32 $0x380, s7;
	s21 =	rddreg [dreg:$0x10];
	s28 =	simm.s32 $0x1E400  }
0x1fd: {  	[tilespmem:s28], [sflag:$0x2] =	stream.linear.gather [hbm4b:s7+s25], $0x80, $0x38;
	[tilespmem:$0x1E800] =	vst v63  }
0x1fe: {  	s24 =	simm.s32 $0x1C880;
	s7 =	sadd.s32 s5, s21  }
0x1ff: {  	[tilespmem:s24], [sflag:$0x2] =	stream.linear.gather [hbm4b:s7+s25], $0x80, $0x38;
	[tilespmem:$0x1E800] =	vst v63  }
0x200: {  	s28 =	simm.s32 $0x1CC80;
	s26 =	sadd.s32 $0x80, s7  }
0x201: {  	[tilespmem:s28], [sflag:$0x2] =	stream.linear.gather [hbm4b:s26+s25], $0x80, $0x38;
	[tilespmem:$0x1E800] =	vst v63  }
0x202: {  	s21 =	sadd.s32 $0x100, s7;
	s24 =	simm.s32 $0x1D080  }
0x203: {  	[tilespmem:s24], [sflag:$0x2] =	stream.linear.gather [hbm4b:s21+s25], $0x80, $0x38;
	[tilespmem:$0x1E800] =	vst v63  }
0x204: {  	s26 =	sadd.s32 $0x180, s7;
	s28 =	simm.s32 $0x1D480  }
0x205: {  	[tilespmem:s28], [sflag:$0x2] =	stream.linear.gather [hbm4b:s26+s25], $0x80, $0x38;
	[tilespmem:$0x1E800] =	vst v63  }
0x206: {  	s21 =	sadd.s32 $0x200, s7;
	s24 =	simm.s32 $0x1D880  }
0x207: {  	[tilespmem:s24], [sflag:$0x2] =	stream.linear.gather [hbm4b:s21+s25], $0x80, $0x38;
	[tilespmem:$0x1E800] =	vst v63  }
0x208: {  	s26 =	sadd.s32 $0x280, s7;
	s28 =	simm.s32 $0x1DC80  }
0x209: {  	[tilespmem:s28], [sflag:$0x2] =	stream.linear.gather [hbm4b:s26+s25], $0x80, $0x38;
	[tilespmem:$0x1E800] =	vst v63  }
0x20a: {  	s24 =	sadd.s32 $0x300, s7;
	s26 =	simm.s32 $0x1E080  }
0x20b: {  	[tilespmem:s26], [sflag:$0x2] =	stream.linear.gather [hbm4b:s24+s25], $0x80, $0x38;
	[tilespmem:$0x1E800] =	vst v63  }
0x20c: {  	s7 =	sadd.s32 $0x380, s7;
	s21 =	rddreg [dreg:$0x11];
	s28 =	simm.s32 $0x1E480  }
0x20d: {  	[tilespmem:s28], [sflag:$0x2] =	stream.linear.gather [hbm4b:s7+s25], $0x80, $0x38;
	[tilespmem:$0x1E800] =	vst v63  }
0x20e: {  	s24 =	simm.s32 $0x1C900;
	s7 =	sadd.s32 s5, s21  }
0x20f: {  	[tilespmem:s24], [sflag:$0x2] =	stream.linear.gather [hbm4b:s7+s25], $0x80, $0x38;
	[tilespmem:$0x1E800] =	vst v63  }
0x210: {  	s28 =	simm.s32 $0x1CD00;
	s26 =	sadd.s32 $0x80, s7  }
0x211: {  	[tilespmem:s28], [sflag:$0x2] =	stream.linear.gather [hbm4b:s26+s25], $0x80, $0x38;
	[tilespmem:$0x1E800] =	vst v63  }
0x212: {  	s21 =	sadd.s32 $0x100, s7;
	s24 =	simm.s32 $0x1D100  }
0x213: {  	[tilespmem:s24], [sflag:$0x2] =	stream.linear.gather [hbm4b:s21+s25], $0x80, $0x38;
	[tilespmem:$0x1E800] =	vst v63  }
0x214: {  	s26 =	sadd.s32 $0x180, s7;
	s28 =	simm.s32 $0x1D500  }
0x215: {  	[tilespmem:s28], [sflag:$0x2] =	stream.linear.gather [hbm4b:s26+s25], $0x80, $0x38;
	[tilespmem:$0x1E800] =	vst v63  }
0x216: {  	s21 =	sadd.s32 $0x200, s7;
	s24 =	simm.s32 $0x1D900  }
0x217: {  	[tilespmem:s24], [sflag:$0x2] =	stream.linear.gather [hbm4b:s21+s25], $0x80, $0x38;
	[tilespmem:$0x1E800] =	vst v63  }
0x218: {  	s26 =	sadd.s32 $0x280, s7;
	s28 =	simm.s32 $0x1DD00  }
0x219: {  	[tilespmem:s28], [sflag:$0x2] =	stream.linear.gather [hbm4b:s26+s25], $0x80, $0x38;
	[tilespmem:$0x1E800] =	vst v63  }
0x21a: {  	s24 =	sadd.s32 $0x300, s7;
	s26 =	simm.s32 $0x1E100  }
0x21b: {  	[tilespmem:s26], [sflag:$0x2] =	stream.linear.gather [hbm4b:s24+s25], $0x80, $0x38;
	[tilespmem:$0x1E800] =	vst v63  }
0x21c: {  	s7 =	sadd.s32 $0x380, s7;
	s21 =	rddreg [dreg:$0x12];
	s28 =	simm.s32 $0x1E500  }
0x21d: {  	[tilespmem:s28], [sflag:$0x2] =	stream.linear.gather [hbm4b:s7+s25], $0x80, $0x38;
	[tilespmem:$0x1E800] =	vst v63  }
0x21e: {  	s24 =	simm.s32 $0x1C980;
	s7 =	sadd.s32 s5, s21  }
0x21f: {  	[tilespmem:s24], [sflag:$0x2] =	stream.linear.gather [hbm4b:s7+s25], $0x80, $0x38;
	[tilespmem:$0x1E800] =	vst v63  }
0x220: {  	s28 =	simm.s32 $0x1CD80;
	s26 =	sadd.s32 $0x80, s7  }
0x221: {  	[tilespmem:s28], [sflag:$0x2] =	stream.linear.gather [hbm4b:s26+s25], $0x80, $0x38;
	[tilespmem:$0x1E800] =	vst v63  }
0x222: {  	s21 =	sadd.s32 $0x100, s7;
	s24 =	simm.s32 $0x1D180  }
0x223: {  	[tilespmem:s24], [sflag:$0x2] =	stream.linear.gather [hbm4b:s21+s25], $0x80, $0x38;
	[tilespmem:$0x1E800] =	vst v63  }
0x224: {  	s26 =	sadd.s32 $0x180, s7;
	s28 =	simm.s32 $0x1D580  }
0x225: {  	[tilespmem:s28], [sflag:$0x2] =	stream.linear.gather [hbm4b:s26+s25], $0x80, $0x38;
	[tilespmem:$0x1E800] =	vst v63  }
0x226: {  	s21 =	sadd.s32 $0x200, s7;
	s24 =	simm.s32 $0x1D980  }
0x227: {  	[tilespmem:s24], [sflag:$0x2] =	stream.linear.gather [hbm4b:s21+s25], $0x80, $0x38;
	[tilespmem:$0x1E800] =	vst v63  }
0x228: {  	s26 =	sadd.s32 $0x280, s7;
	s28 =	simm.s32 $0x1DD80  }
0x229: {  	[tilespmem:s28], [sflag:$0x2] =	stream.linear.gather [hbm4b:s26+s25], $0x80, $0x38;
	[tilespmem:$0x1E800] =	vst v63  }
0x22a: {  	s24 =	sadd.s32 $0x300, s7;
	s26 =	simm.s32 $0x1E180  }
0x22b: {  	[tilespmem:s26], [sflag:$0x2] =	stream.linear.gather [hbm4b:s24+s25], $0x80, $0x38;
	[tilespmem:$0x1E800] =	vst v63  }
0x22c: {  	s7 =	sadd.s32 $0x380, s7;
	s21 =	rddreg [dreg:$0x13];
	s28 =	simm.s32 $0x1E580  }
0x22d: {  	[tilespmem:s28], [sflag:$0x2] =	stream.linear.gather [hbm4b:s7+s25], $0x80, $0x38;
	[tilespmem:$0x1E800] =	vst v63  }
0x22e: {  	s24 =	simm.s32 $0x1CA00;
	s7 =	sadd.s32 s5, s21  }
0x22f: {  	[tilespmem:s24], [sflag:$0x2] =	stream.linear.gather [hbm4b:s7+s25], $0x80, $0x38;
	[tilespmem:$0x1E800] =	vst v63  }
0x230: {  	s28 =	simm.s32 $0x1CE00;
	s26 =	sadd.s32 $0x80, s7  }
0x231: {  	[tilespmem:s28], [sflag:$0x2] =	stream.linear.gather [hbm4b:s26+s25], $0x80, $0x38;
	[tilespmem:$0x1E800] =	vst v63  }
0x232: {  	s21 =	sadd.s32 $0x100, s7;
	s24 =	simm.s32 $0x1D200  }
0x233: {  	[tilespmem:s24], [sflag:$0x2] =	stream.linear.gather [hbm4b:s21+s25], $0x80, $0x38;
	[tilespmem:$0x1E800] =	vst v63  }
0x234: {  	s26 =	sadd.s32 $0x180, s7;
	s28 =	simm.s32 $0x1D600  }
0x235: {  	[tilespmem:s28], [sflag:$0x2] =	stream.linear.gather [hbm4b:s26+s25], $0x80, $0x38;
	[tilespmem:$0x1E800] =	vst v63  }
0x236: {  	s21 =	sadd.s32 $0x200, s7;
	s24 =	simm.s32 $0x1DA00  }
0x237: {  	[tilespmem:s24], [sflag:$0x2] =	stream.linear.gather [hbm4b:s21+s25], $0x80, $0x38;
	[tilespmem:$0x1E800] =	vst v63  }
0x238: {  	s26 =	sadd.s32 $0x280, s7;
	s28 =	simm.s32 $0x1DE00  }
0x239: {  	[tilespmem:s28], [sflag:$0x2] =	stream.linear.gather [hbm4b:s26+s25], $0x80, $0x38;
	[tilespmem:$0x1E800] =	vst v63  }
0x23a: {  	s24 =	sadd.s32 $0x300, s7;
	s26 =	simm.s32 $0x1E200  }
0x23b: {  	[tilespmem:s26], [sflag:$0x2] =	stream.linear.gather [hbm4b:s24+s25], $0x80, $0x38;
	[tilespmem:$0x1E800] =	vst v63  }
0x23c: {  	s7 =	sadd.s32 $0x380, s7;
	s21 =	rddreg [dreg:$0x14];
	s28 =	simm.s32 $0x1E600  }
0x23d: {  	[tilespmem:s28], [sflag:$0x2] =	stream.linear.gather [hbm4b:s7+s25], $0x80, $0x38;
	[tilespmem:$0x1E800] =	vst v63  }
0x23e: {  	s5 =	sadd.s32 s5, s21;
	s24 =	simm.s32 $0x1CA80  }
0x23f: {  	[tilespmem:s24], [sflag:$0x2] =	stream.linear.gather [hbm4b:s5+s25], $0x80, $0x38;
	[tilespmem:$0x1E800] =	vst v63  }
0x240: {  	s26 =	sadd.s32 $0x80, s5;
	s28 =	simm.s32 $0x1CE80  }
0x241: {  	[tilespmem:s28], [sflag:$0x2] =	stream.linear.gather [hbm4b:s26+s25], $0x80, $0x38;
	[tilespmem:$0x1E800] =	vst v63  }
0x242: {  	s21 =	sadd.s32 $0x100, s5;
	s24 =	simm.s32 $0x1D280  }
0x243: {  	[tilespmem:s24], [sflag:$0x2] =	stream.linear.gather [hbm4b:s21+s25], $0x80, $0x38;
	[tilespmem:$0x1E800] =	vst v63  }
0x244: {  	s26 =	sadd.s32 $0x180, s5;
	s28 =	simm.s32 $0x1D680  }
0x245: {  	[tilespmem:s28], [sflag:$0x2] =	stream.linear.gather [hbm4b:s26+s25], $0x80, $0x38;
	[tilespmem:$0x1E800] =	vst v63  }
0x246: {  	s21 =	sadd.s32 $0x200, s5;
	s24 =	simm.s32 $0x1DA80  }
0x247: {  	[tilespmem:s24], [sflag:$0x2] =	stream.linear.gather [hbm4b:s21+s25], $0x80, $0x38;
	[tilespmem:$0x1E800] =	vst v63  }
0x248: {  	s0 =	ssub.s32 s31, s0;
	s26 =	sadd.s32 $0x280, s5;
	s28 =	simm.s32 $0x1DE80  }
0x249: {  	[tilespmem:s28], [sflag:$0x2] =	stream.linear.gather [hbm4b:s26+s25], $0x80, $0x38;
	[tilespmem:$0x1E800] =	vst v63  }
0x24a: {  	s0 =	sshll.u32 s0, $0xE;
	s21 =	sadd.s32 $0x300, s5;
	s24 =	simm.s32 $0x1E280  }
0x24b: {  	[tilespmem:s24], [sflag:$0x2] =	stream.linear.gather [hbm4b:s21+s25], $0x80, $0x38;
	[tilespmem:$0x1E800] =	vst v63  }
0x24c: {  	s5 =	sadd.s32 $0x380, s5;
	s26 =	simm.s32 $0x1E680;
	s28 =	rddreg [dreg:$0xd]  }
0x24d: {  	[tilespmem:s26], [sflag:$0x2] =	stream.linear.gather [hbm4b:s5+s25], $0x80, $0x38;
	[tilespmem:$0x1E800] =	vst v63  }
0x24e: {  	s7 =	simm.s32 $0x0;
	s5 =	sor.u32 s0, s28;
	s0 =	simm.s32 $0x2000  }
.LBB2_6:
0x24f: {  	_ =	swait.ge [sflag:s29], $0x400  }
0x250: {  	p1 =	slt.u32 s7, $0x8;
	[sflag:s29] =	ssyncset.done $0x0  }
0x251: {  	s21 =	simm.s32 @!p1 $0x3;
	[sflag:s29] =	ssyncadd.s32 $0xFFFFFC00  }
0x252: {  	_ =	swait.ge @!p1 [sflag:s21], $0x400  }
0x253: {  	[sflag:s21] =	ssyncset.done @!p1 $0x0  }
0x254: {  	s18 =	sand.u32 $0x380, s25;
	[sflag:s21] =	ssyncadd.s32 @!p1 $0xFFFFFC00  }
0x255: {  	v1 =	vld [tilespmem:s18+$0x1C700]  }
0x256: {  	v2 =	vld [tilespmem:s18+$0x1C710]  }
0x257: {  	v3 =	vld [tilespmem:s18+$0x1C720]  }
0x258: {  	v4 =	vld [tilespmem:s18+$0x1C730]  }
0x259: {  	v5 =	vld [tilespmem:s18+$0x1C740]  }
0x25a: {  	v6 =	vld [tilespmem:s18+$0x1C750];
	v1 =	vmul.f32 v1, v0  }
0x25b: {  	v7 =	vld [tilespmem:s18+$0x1C760];
	v2 =	vmul.f32 v2, v0  }
0x25c: {  	[tilespmem:s18+$0x1A700] =	vst v1;
	v1 =	vmul.f32 v3, v0;
	v3 =	vld [tilespmem:s18+$0x1C770]  }
0x25d: {  	v25 =	vld [tilespmem:s18+$0x1CB00];
	[tilespmem:s18+$0x1A710] =	vst v2;
	v2 =	vmul.f32 v4, v0  }
0x25e: {  	v26 =	vld [tilespmem:s18+$0x1CB10];
	[tilespmem:s18+$0x1A720] =	vst v1;
	v1 =	vmul.f32 v5, v0  }
0x25f: {  	v27 =	vld [tilespmem:s18+$0x1CB20];
	[tilespmem:s18+$0x1A730] =	vst v2;
	v2 =	vmul.f32 v6, v0  }
0x260: {  	v28 =	vld [tilespmem:s18+$0x1CB30];
	[tilespmem:s18+$0x1A740] =	vst v1;
	v1 =	vmul.f32 v7, v0  }
0x261: {  	[tilespmem:s18+$0x1A750] =	vst v2;
	v2 =	vmul.f32 v3, v0;
	v3 =	vld [tilespmem:s18+$0x1CB40]  }
0x262: {  	v29 =	vld [tilespmem:s18+$0x1CB50];
	[tilespmem:s18+$0x1A760] =	vst v1;
	v1 =	vmul.f32 v25, v0  }
0x263: {  	v30 =	vld [tilespmem:s18+$0x1CB60];
	[tilespmem:s18+$0x1A770] =	vst v2;
	v2 =	vmul.f32 v26, v0  }
0x264: {  	v31 =	vld [tilespmem:s18+$0x1CB70];
	[tilespmem:s18+$0x1AB00] =	vst v1;
	v1 =	vmul.f32 v27, v0  }
0x265: {  	v32 =	vld [tilespmem:s18+$0x1CF00];
	[tilespmem:s18+$0x1AB10] =	vst v2;
	v2 =	vmul.f32 v28, v0  }
0x266: {  	[tilespmem:s18+$0x1AB20] =	vst v1;
	v1 =	vmul.f32 v3, v0;
	v3 =	vld [tilespmem:s18+$0x1CF10]  }
0x267: {  	v33 =	vld [tilespmem:s18+$0x1CF20];
	[tilespmem:s18+$0x1AB30] =	vst v2;
	v2 =	vmul.f32 v29, v0  }
0x268: {  	v34 =	vld [tilespmem:s18+$0x1CF30];
	[tilespmem:s18+$0x1AB40] =	vst v1;
	v1 =	vmul.f32 v30, v0  }
0x269: {  	v35 =	vld [tilespmem:s18+$0x1CF40];
	[tilespmem:s18+$0x1AB50] =	vst v2;
	v2 =	vmul.f32 v31, v0  }
0x26a: {  	v36 =	vld [tilespmem:s18+$0x1CF50];
	[tilespmem:s18+$0x1AB60] =	vst v1;
	v1 =	vmul.f32 v32, v0  }
0x26b: {  	[tilespmem:s18+$0x1AB70] =	vst v2;
	v2 =	vmul.f32 v3, v0;
	v3 =	vld [tilespmem:s18+$0x1CF60]  }
0x26c: {  	v37 =	vld [tilespmem:s18+$0x1CF70];
	[tilespmem:s18+$0x1AF00] =	vst v1;
	v1 =	vmul.f32 v33, v0  }
0x26d: {  	v38 =	vld [tilespmem:s18+$0x1D300];
	[tilespmem:s18+$0x1AF10] =	vst v2;
	v2 =	vmul.f32 v34, v0  }
0x26e: {  	v39 =	vld [tilespmem:s18+$0x1D310];
	[tilespmem:s18+$0x1AF20] =	vst v1;
	v1 =	vmul.f32 v35, v0  }
0x26f: {  	v40 =	vld [tilespmem:s18+$0x1D320];
	[tilespmem:s18+$0x1AF30] =	vst v2;
	v2 =	vmul.f32 v36, v0  }
0x270: {  	[tilespmem:s18+$0x1AF40] =	vst v1;
	v1 =	vmul.f32 v3, v0;
	v3 =	vld [tilespmem:s18+$0x1D330]  }
0x271: {  	v41 =	vld [tilespmem:s18+$0x1D340];
	[tilespmem:s18+$0x1AF50] =	vst v2;
	v2 =	vmul.f32 v37, v0  }
0x272: {  	v42 =	vld [tilespmem:s18+$0x1D350];
	[tilespmem:s18+$0x1AF60] =	vst v1;
	v1 =	vmul.f32 v38, v0  }
0x273: {  	v43 =	vld [tilespmem:s18+$0x1D360];
	[tilespmem:s18+$0x1AF70] =	vst v2;
	v2 =	vmul.f32 v39, v0  }
0x274: {  	v44 =	vld [tilespmem:s18+$0x1D370];
	[tilespmem:s18+$0x1B300] =	vst v1;
	v1 =	vmul.f32 v40, v0  }
0x275: {  	[tilespmem:s18+$0x1B310] =	vst v2;
	v2 =	vmul.f32 v3, v0;
	v3 =	vld [tilespmem:s18+$0x1D700]  }
0x276: {  	v45 =	vld [tilespmem:s18+$0x1D710];
	[tilespmem:s18+$0x1B320] =	vst v1;
	v1 =	vmul.f32 v41, v0  }
0x277: {  	v46 =	vld [tilespmem:s18+$0x1D720];
	[tilespmem:s18+$0x1B330] =	vst v2;
	v2 =	vmul.f32 v42, v0  }
0x278: {  	v47 =	vld [tilespmem:s18+$0x1D730];
	[tilespmem:s18+$0x1B340] =	vst v1;
	v1 =	vmul.f32 v43, v0  }
0x279: {  	v48 =	vld [tilespmem:s18+$0x1D740];
	[tilespmem:s18+$0x1B350] =	vst v2;
	v2 =	vmul.f32 v44, v0  }
0x27a: {  	[tilespmem:s18+$0x1B360] =	vst v1;
	v1 =	vmul.f32 v3, v0;
	v3 =	vld [tilespmem:s18+$0x1D750]  }
0x27b: {  	v49 =	vld [tilespmem:s18+$0x1D760];
	[tilespmem:s18+$0x1B370] =	vst v2;
	v2 =	vmul.f32 v45, v0  }
0x27c: {  	v50 =	vld [tilespmem:s18+$0x1D770];
	[tilespmem:s18+$0x1B700] =	vst v1;
	v1 =	vmul.f32 v46, v0  }
0x27d: {  	v51 =	vld [tilespmem:s18+$0x1DB00];
	[tilespmem:s18+$0x1B710] =	vst v2;
	v2 =	vmul.f32 v47, v0  }
0x27e: {  	v52 =	vld [tilespmem:s18+$0x1DB10];
	[tilespmem:s18+$0x1B720] =	vst v1;
	v1 =	vmul.f32 v48, v0  }
0x27f: {  	[tilespmem:s18+$0x1B730] =	vst v2;
	v2 =	vmul.f32 v3, v0;
	v3 =	vld [tilespmem:s18+$0x1DB20]  }
0x280: {  	v53 =	vld [tilespmem:s18+$0x1DB30];
	[tilespmem:s18+$0x1B740] =	vst v1;
	v1 =	vmul.f32 v49, v0  }
0x281: {  	v54 =	vld [tilespmem:s18+$0x1DB40];
	[tilespmem:s18+$0x1B750] =	vst v2;
	v2 =	vmul.f32 v50, v0  }
0x282: {  	v55 =	vld [tilespmem:s18+$0x1DB50];
	[tilespmem:s18+$0x1B760] =	vst v1;
	v1 =	vmul.f32 v51, v0  }
0x283: {  	v56 =	vld [tilespmem:s18+$0x1DB60];
	[tilespmem:s18+$0x1B770] =	vst v2;
	v2 =	vmul.f32 v52, v0  }
0x284: {  	[tilespmem:s18+$0x1BB00] =	vst v1;
	v1 =	vmul.f32 v3, v0;
	v3 =	vld [tilespmem:s18+$0x1DB70]  }
0x285: {  	v57 =	vld [tilespmem:s18+$0x1DF00];
	[tilespmem:s18+$0x1BB10] =	vst v2;
	v2 =	vmul.f32 v53, v0  }
0x286: {  	v58 =	vld [tilespmem:s18+$0x1DF10];
	[tilespmem:s18+$0x1BB20] =	vst v1;
	v1 =	vmul.f32 v54, v0  }
0x287: {  	v59 =	vld [tilespmem:s18+$0x1DF20];
	[tilespmem:s18+$0x1BB30] =	vst v2;
	v2 =	vmul.f32 v55, v0  }
0x288: {  	v60 =	vld [tilespmem:s18+$0x1DF30];
	[tilespmem:s18+$0x1BB40] =	vst v1;
	v1 =	vmul.f32 v56, v0  }
0x289: {  	[tilespmem:s18+$0x1BB50] =	vst v2;
	v2 =	vmul.f32 v3, v0;
	v3 =	vld [tilespmem:s18+$0x1DF40]  }
0x28a: {  	v61 =	vld [tilespmem:s18+$0x1DF50];
	[tilespmem:s18+$0x1BB60] =	vst v1;
	v1 =	vmul.f32 v57, v0  }
0x28b: {  	v62 =	vld [tilespmem:s18+$0x1DF60];
	[tilespmem:s18+$0x1BB70] =	vst v2;
	v2 =	vmul.f32 v58, v0  }
0x28c: {  	v63 =	vld [tilespmem:s18+$0x1DF70];
	[tilespmem:s18+$0x1BF00] =	vst v1;
	v1 =	vmul.f32 v59, v0  }
0x28d: {  	[tilespmem:s18+$0x1BF10] =	vst v2;
	v2 =	vmul.f32 v60, v0  }
0x28e: {  	[tilespmem:s18+$0x1BF20] =	vst v1;
	v1 =	vmul.f32 v3, v0  }
0x28f: {  	[tilespmem:s18+$0x1BF30] =	vst v2;
	v2 =	vmul.f32 v61, v0  }
0x290: {  	[tilespmem:s18+$0x1BF40] =	vst v1;
	v1 =	vmul.f32 v62, v0  }
0x291: {  	[tilespmem:s18+$0x1BF50] =	vst v2;
	v2 =	vmul.f32 v63, v0  }
0x292: {  	[tilespmem:s18+$0x1BF60] =	vst v1  }
0x293: {  	s26 =	sor.u32 $0x1C00, s25;
	[tilespmem:s18+$0x1BF70] =	vst v2  }
0x294: {  	v1 =	vld [tilespmem:s26+$0x1C700];
	_ =	sdelay $0x4  }
0x295: {  	v1 =	vmul.f32 v1, v0;
	_ =	sdelay $0x1  }
0x296: {  	s28 =	sor.u32 $0x1C10, s25;
	[tilespmem:s26+$0x1A700] =	vst v1  }
0x297: {  	v1 =	vld [tilespmem:s28+$0x1C700];
	_ =	sdelay $0x4  }
0x298: {  	v1 =	vmul.f32 v1, v0;
	_ =	sdelay $0x1  }
0x299: {  	s24 =	sor.u32 $0x1C20, s25;
	[tilespmem:s28+$0x1A700] =	vst v1  }
0x29a: {  	v1 =	vld [tilespmem:s24+$0x1C700];
	_ =	sdelay $0x4  }
0x29b: {  	v1 =	vmul.f32 v1, v0;
	_ =	sdelay $0x1  }
0x29c: {  	s26 =	sor.u32 $0x1C30, s25;
	[tilespmem:s24+$0x1A700] =	vst v1  }
0x29d: {  	v1 =	vld [tilespmem:s26+$0x1C700];
	_ =	sdelay $0x4  }
0x29e: {  	v1 =	vmul.f32 v1, v0;
	_ =	sdelay $0x1  }
0x29f: {  	s28 =	sor.u32 $0x1C40, s25;
	[tilespmem:s26+$0x1A700] =	vst v1  }
0x2a0: {  	v1 =	vld [tilespmem:s28+$0x1C700];
	_ =	sdelay $0x4  }
0x2a1: {  	v1 =	vmul.f32 v1, v0;
	_ =	sdelay $0x1  }
0x2a2: {  	s24 =	sor.u32 $0x1C50, s25;
	[tilespmem:s28+$0x1A700] =	vst v1  }
0x2a3: {  	v1 =	vld [tilespmem:s24+$0x1C700];
	_ =	sdelay $0x4  }
0x2a4: {  	v1 =	vmul.f32 v1, v0;
	_ =	sdelay $0x1  }
0x2a5: {  	s26 =	sor.u32 $0x1C60, s25;
	[tilespmem:s24+$0x1A700] =	vst v1  }
0x2a6: {  	v1 =	vld [tilespmem:s26+$0x1C700];
	_ =	sdelay $0x4  }
0x2a7: {  	v1 =	vmul.f32 v1, v0;
	_ =	sdelay $0x1  }
0x2a8: {  	s28 =	sor.u32 $0x1C70, s25;
	[tilespmem:s26+$0x1A700] =	vst v1  }
0x2a9: {  	v1 =	vld [tilespmem:s28+$0x1C700];
	_ =	sdelay $0x4  }
0x2aa: {  	v1 =	vmul.f32 v1, v0  }
0x2ab: {  	s24 =	sshrl.u32 s5, $0x3  }
0x2ac: {  	s21 =	sadd.s32 s8, s24;
	s26 =	sadd.s32 $0x1A700, s18;
	[tilespmem:s28+$0x1A700] =	vst v1  }
0x2ad: {  	[hbm4b:s21+s9] =	stream.linear.scatter [tilespmem:s26], [sflag:$0x3], $0x80, $0x38;
	[tilespmem:$0x1E800] =	vst v63  }
0x2ae: {  	s28 =	sadd.s32 $0x80, s21;
	s26 =	sadd.s32 $0x1AB00, s18  }
0x2af: {  	[hbm4b:s28+s9] =	stream.linear.scatter [tilespmem:s26], [sflag:$0x3], $0x80, $0x38;
	[tilespmem:$0x1E800] =	vst v63  }
0x2b0: {  	s26 =	sadd.s32 $0x1AF00, s18;
	s28 =	sadd.s32 $0x100, s21  }
0x2b1: {  	[hbm4b:s28+s9] =	stream.linear.scatter [tilespmem:s26], [sflag:$0x3], $0x80, $0x38;
	[tilespmem:$0x1E800] =	vst v63  }
0x2b2: {  	s26 =	sadd.s32 $0x1B300, s18;
	s28 =	sadd.s32 $0x180, s21  }
0x2b3: {  	[hbm4b:s28+s9] =	stream.linear.scatter [tilespmem:s26], [sflag:$0x3], $0x80, $0x38;
	[tilespmem:$0x1E800] =	vst v63  }
0x2b4: {  	s26 =	sadd.s32 $0x1B700, s18;
	s28 =	sadd.s32 $0x200, s21  }
0x2b5: {  	[hbm4b:s28+s9] =	stream.linear.scatter [tilespmem:s26], [sflag:$0x3], $0x80, $0x38;
	[tilespmem:$0x1E800] =	vst v63  }
0x2b6: {  	s26 =	sadd.s32 $0x1BB00, s18;
	s28 =	sadd.s32 $0x280, s21  }
0x2b7: {  	[hbm4b:s28+s9] =	stream.linear.scatter [tilespmem:s26], [sflag:$0x3], $0x80, $0x38;
	[tilespmem:$0x1E800] =	vst v63  }
0x2b8: {  	s26 =	sadd.s32 $0x1BF00, s18;
	s28 =	sadd.s32 $0x300, s21  }
0x2b9: {  	[hbm4b:s28+s9] =	stream.linear.scatter [tilespmem:s26], [sflag:$0x3], $0x80, $0x38;
	[tilespmem:$0x1E800] =	vst v63  }
0x2ba: {  	p1 =	sgt.u32 s7, $0x29;
	s21 =	sadd.s32 $0x380, s21;
	s28 =	sadd.s32 $0x1C300, s18  }
0x2bb: {  	[hbm4b:s21+s9] =	stream.linear.scatter [tilespmem:s28], [sflag:$0x3], $0x80, $0x38;
	[tilespmem:$0x1E800] =	vst v63  }
0x2bc: {  	s21 =	sand.u32 @!p1 $0x1E000, s0  }
0x2bd: {  	s21 =	sadd.s32 @!p1 s20, s21  }
0x2be: {  	s21 =	sor.u32 @!p1 s18, s21  }
0x2bf: {  	s21 =	sshrl.u32 @!p1 s21, $0x3  }
0x2c0: {  	s24 =	sadd.s32 $0x1C700, s18;
	s26 =	simm.s32 @!p1 $0x0;
	s21 =	sadd.s32 @!p1 s4, s21  }
0x2c1: {  	[tilespmem:s24], [sflag:$0x2] =	stream.linear.gather @!p1 [hbm4b:s21+s26], $0x80, $0x38;
	[tilespmem:$0x1E800] =	vst v63  }
0x2c2: {  	s28 =	sadd.s32 @!p1 $0x1CB00, s18;
	s24 =	sadd.s32 @!p1 $0x80, s21  }
0x2c3: {  	[tilespmem:s28], [sflag:$0x2] =	stream.linear.gather @!p1 [hbm4b:s24+s26], $0x80, $0x38;
	[tilespmem:$0x1E800] =	vst v63  }
0x2c4: {  	s24 =	sadd.s32 @!p1 $0x100, s21;
	s28 =	sadd.s32 @!p1 $0x1CF00, s18  }
0x2c5: {  	[tilespmem:s28], [sflag:$0x2] =	stream.linear.gather @!p1 [hbm4b:s24+s26], $0x80, $0x38;
	[tilespmem:$0x1E800] =	vst v63  }
0x2c6: {  	s24 =	sadd.s32 @!p1 $0x180, s21;
	s28 =	sadd.s32 @!p1 $0x1D300, s18  }
0x2c7: {  	[tilespmem:s28], [sflag:$0x2] =	stream.linear.gather @!p1 [hbm4b:s24+s26], $0x80, $0x38;
	[tilespmem:$0x1E800] =	vst v63  }
0x2c8: {  	s24 =	sadd.s32 @!p1 $0x200, s21;
	s28 =	sadd.s32 @!p1 $0x1D700, s18  }
0x2c9: {  	[tilespmem:s28], [sflag:$0x2] =	stream.linear.gather @!p1 [hbm4b:s24+s26], $0x80, $0x38;
	[tilespmem:$0x1E800] =	vst v63  }
0x2ca: {  	s24 =	sadd.s32 @!p1 $0x280, s21;
	s28 =	sadd.s32 @!p1 $0x1DB00, s18  }
0x2cb: {  	[tilespmem:s28], [sflag:$0x2] =	stream.linear.gather @!p1 [hbm4b:s24+s26], $0x80, $0x38;
	[tilespmem:$0x1E800] =	vst v63  }
0x2cc: {  	s24 =	sadd.s32 @!p1 $0x300, s21;
	s28 =	sadd.s32 @!p1 $0x1DF00, s18  }
0x2cd: {  	[tilespmem:s28], [sflag:$0x2] =	stream.linear.gather @!p1 [hbm4b:s24+s26], $0x80, $0x38;
	[tilespmem:$0x1E800] =	vst v63  }
0x2ce: {  	s0 =	sadd.s32 $0x400, s0;
	s21 =	sadd.s32 @!p1 $0x380, s21;
	s18 =	sadd.s32 @!p1 $0x1E300, s18  }
0x2cf: {  	[tilespmem:s18], [sflag:$0x2] =	stream.linear.gather @!p1 [hbm4b:s21+s26], $0x80, $0x38;
	[tilespmem:$0x1E800] =	vst v63  }
0x2d0: {  	p1 =	sne.s32 s0, $0xE800  }
.Ltmp6:
0x2d1: {  	_ = 	snop;
	(pc) =	sbr.rel @p1 .LBB2_6-.Ltmp6, $2  }
0x2d2: {  	_ =	sdelay $0x2  }
0x2d3: {  	s7 =	sadd.s32 $0x1, s7;
	s25 =	sadd.s32 $0x80, s25;
	s5 =	sadd.s32 $0x9C000, s5  }
0x2d4: {  	_ =	swait.ge [sflag:s30], $0x400  }
0x2d5: {  	[sflag:s30] =	ssyncset.done $0x0  }
0x2d6: {  	[sflag:s30] =	ssyncadd.s32 $0xFFFFFC00  }
0x2d7: {  	_ =	swait.ge [sflag:s30], $0x400  }
0x2d8: {  	[sflag:s30] =	ssyncset.done $0x0  }
0x2d9: {  	[sflag:s30] =	ssyncadd.s32 $0xFFFFFC00  }
0x2da: {  	_ =	swait.ge [sflag:s30], $0x400  }
0x2db: {  	[sflag:s30] =	ssyncset.done $0x0  }
0x2dc: {  	[sflag:s30] =	ssyncadd.s32 $0xFFFFFC00  }
0x2dd: {  	_ =	swait.ge [sflag:s30], $0x400  }
0x2de: {  	[sflag:s30] =	ssyncset.done $0x0  }
0x2df: {  	[sflag:s30] =	ssyncadd.s32 $0xFFFFFC00  }
0x2e0: {  	_ =	swait.ge [sflag:s30], $0x400  }
0x2e1: {  	[sflag:s30] =	ssyncset.done $0x0  }
0x2e2: {  	[sflag:s30] =	ssyncadd.s32 $0xFFFFFC00  }
0x2e3: {  	_ =	swait.ge [sflag:s30], $0x400  }
0x2e4: {  	[sflag:s30] =	ssyncset.done $0x0  }
0x2e5: {  	[sflag:s30] =	ssyncadd.s32 $0xFFFFFC00  }
0x2e6: {  	_ =	swait.ge [sflag:s30], $0x400  }
.Ltmp7:
0x2e7: {  	[sflag:s30] =	ssyncset.done $0x0;
	(pc) =	sbr.rel .LBB2_8-.Ltmp7, $4  }
0x2e8: {  	[sflag:s30] =	ssyncadd.s32 $0xFFFFFC00  }
0x2e9: {  	_ =	swait.ge [sflag:s30], $0x400  }
0x2ea: {  	[sflag:s30] =	ssyncset.done $0x0  }
0x2eb: {  	[sflag:s30] =	ssyncadd.s32 $0xFFFFFC00  }
.LBB2_10:
0x2ec: {  	_ =	sfence.sel $0x180000  }
0x2ed: {  	[bflag:$0x0] =	sbarrier.arrive $0xFFFF  }
0x2ee: {  	_ =	strace $0x90000047  }
0x2ef: {  	s0 =	stileid.u32;
	[bflag:$0x2] =	sbarrier.arrive $0xFFFF  }
0x2f0: {  	p0 =	sne.s32 s0, $0x0;
	s0 =	rddreg [dreg:$0x5]  }
0x2f1: {  	s0 =	sadd.s32 @!p0 $0x100000, s0  }
0x2f2: {  	[sflag:s0] =	ssyncadd.tile.s32 @!p0 $0x1;
	_ =	shalt  }
.Lfunc_end2:
_tile_overlayer_lowered:
.L_overlay_start_2:
0x2f3: {  	(tag) =	ssettag $0x2  }
0x2f4: {  	s0 =	rddreg [dreg:$0x0];
	s2 =	stileid.u32  }
0x2f5: {  	s1 =	rddreg [dreg:$0x1];
	p0 =	sne.s32 s2, $0x0  }
0x2f6: {  	s3 =	rddreg [dreg:$0x2];
	[bflag:$0x3] =	sbarrier.arrive $0xFFFF;
	s2 =	simm.s32 @!p0 $0x1C04  }
0x2f7: {  	[timem:s3], [sflag:s2] =	dma.local @!p0 [hbm:s0], s1  }
0x2f8: {  	s0 =	simm.s32 @!p0 $0x4  }
0x2f9: {  	_ =	swait.ge @!p0 [sflag:s0], s1  }
0x2fa: {  	s1 =	ssub.s32 @!p0 $0x0, s1;
	[sflag:s0] =	ssyncset.done @!p0 $0x0  }
0x2fb: {  	[sflag:s0] =	ssyncadd.s32 @!p0 s1  }
0x2fc: {  	[bflag:$0x3] =	sbarrier.arrive $0xFFFF  }
0x2fd: {  	_ =	shalt  }

</sc_bundles>
